<compile_context>
chip_gen: v7x
topology: tpu7x:2x2x1
jax: 0.10.2.dev20260603
libtpu: 0.0.44.dev20260713+nightly
codegen_flags: <defaults>
</compile_context>

<pallas_src>
import functools

import jax
import jax.numpy as jnp
from jax import lax
from jax.experimental import pallas as pl
from jax.experimental.pallas import tpu as pltpu
from jax.experimental.pallas import tpu_sc as plsc

NUM_CORES = 2
NUM_SUBCORES = 16
NUM_WORKERS = NUM_CORES * NUM_SUBCORES
HALVES = 1
DEPTH = 2


def _sc_gather(idx3, table, b, p, per_w, d):
    w_per_b = p // per_w
    mesh = plsc.VectorSubcoreMesh(
        core_axis_name="c", subcore_axis_name="s",
        num_cores=NUM_CORES, num_subcores=NUM_SUBCORES,
    )

    @functools.partial(
        pl.kernel,
        out_type=jax.ShapeDtypeStruct((p, b, d), jnp.float32),
        mesh=mesh,
        scratch_types=[
            pltpu.VMEM((per_w, 8), jnp.int32),
        ]
        + [pltpu.VMEM((1, d // HALVES), jnp.float32)] * DEPTH
        + [pltpu.SemaphoreType.DMA] * (2 * DEPTH),
        compiler_params=pltpu.CompilerParams(
            disable_bounds_checks=True,
            disable_semaphore_checks=True,
        ),
    )
    def k(idx_hbm, table_hbm, out_hbm, idx_v, *bufs_sems):
        bufs = bufs_sems[:DEPTH]
        gsem = bufs_sems[DEPTH:2 * DEPTH]
        ssem = bufs_sems[2 * DEPTH:]
        hd = d // HALVES
        n_ch = per_w * HALVES
        wid = lax.axis_index("s") * NUM_CORES + lax.axis_index("c")
        b_idx = wid // w_per_b
        p0 = (wid % w_per_b) * per_w
        pltpu.sync_copy(idx_hbm.at[wid], idx_v)

        def gather(j):
            i, h = j // HALVES, j % HALVES
            return pltpu.async_copy(
                table_hbm.at[idx_v.at[i, pl.ds(0, 1)], pl.ds(h * hd, hd)],
                bufs[j % DEPTH], gsem[j % DEPTH])

        gathers = [None] * n_ch
        scatters = [None] * n_ch
        for j in range(DEPTH - 1):
            gathers[j] = gather(j)
        for j in range(n_ch):
            if j >= 1:
                scatters[j - 1].wait()
            if j + DEPTH - 1 < n_ch:
                gathers[j + DEPTH - 1] = gather(j + DEPTH - 1)
            gathers[j].wait()
            i, h = j // HALVES, j % HALVES
            scatters[j] = pltpu.async_copy(
                bufs[j % DEPTH],
                out_hbm.at[pl.ds(p0 + i, 1), b_idx, pl.ds(h * hd, hd)],
                ssem[j % DEPTH])
        scatters[n_ch - 1].wait()

    return k(idx3, table)


def kernel(prefix, table):
    b, p = prefix.shape
    v, d = table.shape
    n = b * p
    per_w = n // NUM_WORKERS
    assert n % NUM_WORKERS == 0 and p % per_w == 0
    idx3 = jnp.broadcast_to(
        prefix.reshape(NUM_WORKERS, per_w, 1).astype(jnp.int32),
        (NUM_WORKERS, per_w, 8),
    )
    out_t = _sc_gather(idx3, table, b, p, per_w, d)
    return jnp.transpose(out_t, (1, 0, 2))

# --- scband reference (transcript-rebuilt; emitter-appended) ---
"""Pipeline reference for scband-prefix-encoder-7490422964570 (READ-ONLY COPY).

The authoritative reference and input builder live on the scoring server;
editing this copy changes nothing except your own understanding.
"""

import jax, jax.numpy as jnp
import numpy as np

PREFIX_SEQ_LEN = 200
NUM_LAYERS = 24
HIDDEN = 1024
EMB_DIM = NUM_LAYERS * 2 * HIDDEN  # 49152
BATCH = 16
PREFIX_LEN = 50

def setup_inputs(seed: int = 0) -> dict:
    key = jax.random.key(seed)
    k1, k2 = jax.random.split(key)
    prefix = jax.random.randint(k1, (BATCH, PREFIX_LEN), 0, PREFIX_SEQ_LEN, dtype=jnp.int64 if jax.config.jax_enable_x64 else jnp.int32)
    table = jax.random.normal(k2, (PREFIX_SEQ_LEN, EMB_DIM), dtype=jnp.float32) * 0.02
    return {"prefix": prefix, "table": table}

def reference(prefix, table):
    # prefix_projection is False: past_key_values = embedding(prefix)
    past_key_values = jnp.take(table, prefix, axis=0)
    return past_key_values

if __name__ == "__main__":
    import jax
    _d = setup_inputs()
    print(jax.jit(kernel)(*tuple(_d.values())))

</pallas_src>

<mosaic_0001>
#map = affine_map<(d0, d1) -> (0, 0, 0)>
#map1 = affine_map<(d0, d1) -> (0, 0)>
module attributes {stable_mosaic.version = 14 : i64} {
  func.func @k(%arg0: i32, %arg1: i32, %arg2: memref<32x25x8xi32, #tpu.memory_space<hbm>>, %arg3: memref<200x49152xf32, #tpu.memory_space<hbm>>, %arg4: memref<50x16x49152xf32, #tpu.memory_space<hbm>>, %arg5: memref<25x8xi32, #tpu.memory_space<vmem>>, %arg6: memref<1x49152xf32, #tpu.memory_space<vmem>>, %arg7: memref<1x49152xf32, #tpu.memory_space<vmem>>, %arg8: memref<!tpu.dma_semaphore, #tpu.memory_space<semaphore_mem>>, %arg9: memref<!tpu.dma_semaphore, #tpu.memory_space<semaphore_mem>>, %arg10: memref<!tpu.dma_semaphore, #tpu.memory_space<semaphore_mem>>, %arg11: memref<!tpu.dma_semaphore, #tpu.memory_space<semaphore_mem>>) attributes {dimension_semantics = [#tpu.dimension_semantics<core_parallel>, #tpu.dimension_semantics<subcore_parallel>], iteration_bounds = array<i64: 2, 16>, scalar_prefetch = 0 : i64, scratch_operands = 7 : i64, tpu.core_type = #tpu.core_type<sc_vector_subcore>, window_params = [{transform_indices = #map}, {transform_indices = #map1}, {transform_indices = #map}]} {
    %mul3A = arith.constant 2 : i32
    %mul3A_0 = arith.muli %arg1, %mul3A : i32
    %add3A = arith.addi %mul3A_0, %arg0 : i32
    %jit3A = arith.constant 2 : i32
    %div3A = arith.divsi %add3A, %jit3A : i32
    %sign3A = arith.constant 0 : i32
    %sign3A_1 = arith.cmpi sgt, %add3A, %sign3A : i32
    %sign3A_2 = arith.extui %sign3A_1 : i1 to i32
    %sign3A_3 = arith.constant 0 : i32
    %sign3A_4 = arith.cmpi slt, %add3A, %sign3A_3 : i32
    %sign3A_5 = arith.extui %sign3A_4 : i1 to i32
    %sign3A_6 = arith.subi %sign3A_2, %sign3A_5 : i32
    %sign3A_7 = arith.constant 0 : i32
    %sign3A_8 = arith.cmpi sgt, %jit3A, %sign3A_7 : i32
    %sign3A_9 = arith.extui %sign3A_8 : i1 to i32
    %sign3A_10 = arith.constant 0 : i32
    %sign3A_11 = arith.cmpi slt, %jit3A, %sign3A_10 : i32
    %sign3A_12 = arith.extui %sign3A_11 : i1 to i32
    %sign3A_13 = arith.subi %sign3A_9, %sign3A_12 : i32
    %ne3A = arith.cmpi ne, %sign3A_6, %sign3A_13 : i32
    %rem3A = arith.remsi %add3A, %jit3A : i32
    %ne3A_14 = arith.constant 0 : i32
    %ne3A_15 = arith.cmpi ne, %rem3A, %ne3A_14 : i32
    %and3A = arith.andi %ne3A, %ne3A_15 : i1
    %sub3A = arith.constant 1 : i32
    %sub3A_16 = arith.subi %div3A, %sub3A : i32
    %select_n3A = arith.select %and3A, %sub3A_16, %div3A : i32
    %jit3A_17 = arith.constant 2 : i32
    %eq3A = arith.constant 0 : i32
    %eq3A_18 = arith.cmpi eq, %jit3A_17, %eq3A : i32
    %jit3A_19 = arith.constant 1 : i32
    %select_n3A_20 = arith.select %eq3A_18, %jit3A_19, %jit3A_17 : i32
    %rem3A_21 = arith.remsi %add3A, %select_n3A_20 : i32
    %ne3A_22 = arith.constant 0 : i32
    %ne3A_23 = arith.cmpi ne, %rem3A_21, %ne3A_22 : i32
    %lt3A = arith.constant 0 : i32
    %lt3A_24 = arith.cmpi slt, %rem3A_21, %lt3A : i32
    %lt3A_25 = arith.constant 0 : i32
    %lt3A_26 = arith.cmpi slt, %select_n3A_20, %lt3A_25 : i32
    %ne3A_27 = arith.xori %lt3A_24, %lt3A_26 : i1
    %and3A_28 = arith.andi %ne3A_27, %ne3A_23 : i1
    %add3A_29 = arith.addi %rem3A_21, %select_n3A_20 : i32
    %select_n3A_30 = arith.select %and3A_28, %add3A_29, %rem3A_21 : i32
    %mul3A_31 = arith.constant 25 : i32
    %mul3A_32 = arith.muli %select_n3A_30, %mul3A_31 : i32
    "tpu.region"() ({
      %run_scoped3A = tpu.sem_alloc : memref<!tpu.dma_semaphore, #tpu.memory_space<semaphore_mem>>
      %dma_start3A_731 = arith.constant 0 : i32
      %dma_start3A_732 = arith.constant 0 : i32
      %dma_start3A_733 = tpu.memref_slice %arg2[%add3A, %dma_start3A_731, %dma_start3A_732] : memref<32x25x8xi32, #tpu.memory_space<hbm>> -> memref<1x25x8xi32, #tpu.memory_space<hbm>>
      %dma_start3A_734 = tpu.memref_squeeze %dma_start3A_733 : memref<1x25x8xi32, #tpu.memory_space<hbm>> -> memref<25x8xi32, #tpu.memory_space<hbm>>
      %dma_start3A_735 = arith.constant 0 : i32
      %dma_start3A_736 = arith.constant 0 : i32
      %dma_start3A_737 = tpu.memref_slice %arg2[%add3A, %dma_start3A_735, %dma_start3A_736] : memref<32x25x8xi32, #tpu.memory_space<hbm>> -> memref<1x25x8xi32, #tpu.memory_space<hbm>>
      %dma_start3A_738 = tpu.memref_squeeze %dma_start3A_737 : memref<1x25x8xi32, #tpu.memory_space<hbm>> -> memref<25x8xi32, #tpu.memory_space<hbm>>
      tpu.enqueue_dma source(%dma_start3A_738 : memref<25x8xi32, #tpu.memory_space<hbm>>) target(%arg5 : memref<25x8xi32, #tpu.memory_space<vmem>>) target_semaphore(%run_scoped3A : memref<!tpu.dma_semaphore, #tpu.memory_space<semaphore_mem>>)
      %dma_wait3A_739 = arith.constant 0 : i32
      %dma_wait3A_740 = arith.constant 0 : i32
      %dma_wait3A_741 = tpu.memref_slice %arg2[%add3A, %dma_wait3A_739, %dma_wait3A_740] : memref<32x25x8xi32, #tpu.memory_space<hbm>> -> memref<1x25x8xi32, #tpu.memory_space<hbm>>
      %dma_wait3A_742 = tpu.memref_squeeze %dma_wait3A_741 : memref<1x25x8xi32, #tpu.memory_space<hbm>> -> memref<25x8xi32, #tpu.memory_space<hbm>>
      %dma_wait3A_743 = arith.constant 0 : i32
      %dma_wait3A_744 = arith.constant 0 : i32
      %dma_wait3A_745 = tpu.memref_slice %arg2[%add3A, %dma_wait3A_743, %dma_wait3A_744] : memref<32x25x8xi32, #tpu.memory_space<hbm>> -> memref<1x25x8xi32, #tpu.memory_space<hbm>>
      %dma_wait3A_746 = tpu.memref_squeeze %dma_wait3A_745 : memref<1x25x8xi32, #tpu.memory_space<hbm>> -> memref<25x8xi32, #tpu.memory_space<hbm>>
      tpu.wait_dma2 semaphore(%run_scoped3A : memref<!tpu.dma_semaphore, #tpu.memory_space<semaphore_mem>>) src(%dma_wait3A_746 : memref<25x8xi32, #tpu.memory_space<hbm>>) dst(%arg5 : memref<25x8xi32, #tpu.memory_space<vmem>>)
      tpu.yield
    }) : () -> ()
    %dma_start3A = arith.constant 0 : i32
    %dma_start3A_33 = arith.constant 0 : i32
    %dma_start3A_34 = tpu.memref_slice %arg5[%dma_start3A, %dma_start3A_33] : memref<25x8xi32, #tpu.memory_space<vmem>> -> memref<1x1xi32, #tpu.memory_space<vmem>>
    %dma_start3A_35 = tpu.memref_squeeze %dma_start3A_34 : memref<1x1xi32, #tpu.memory_space<vmem>> -> memref<1xi32, #tpu.memory_space<vmem>>
    %dma_start3A_36 = arith.constant 0 : i32
    %dma_start3A_37 = arith.constant 0 : i32
    %dma_start3A_38 = tpu.memref_slice %arg3[%dma_start3A_36, %dma_start3A_37] : memref<200x49152xf32, #tpu.memory_space<hbm>> -> memref<200x49152xf32, #tpu.memory_space<hbm>>
    tpu.enqueue_indirect_dma source(%dma_start3A_38 : memref<200x49152xf32, #tpu.memory_space<hbm>>) target(%arg6 : memref<1x49152xf32, #tpu.memory_space<vmem>>) offsets(%dma_start3A_35 : memref<1xi32, #tpu.memory_space<vmem>>) semaphore(%arg8 : memref<!tpu.dma_semaphore, #tpu.memory_space<semaphore_mem>>)
    %dma_start3A_39 = arith.constant 1 : i32
    %dma_start3A_40 = arith.constant 0 : i32
    %dma_start3A_41 = tpu.memref_slice %arg5[%dma_start3A_39, %dma_start3A_40] : memref<25x8xi32, #tpu.memory_space<vmem>> -> memref<1x1xi32, #tpu.memory_space<vmem>>
    %dma_start3A_42 = tpu.memref_squeeze %dma_start3A_41 : memref<1x1xi32, #tpu.memory_space<vmem>> -> memref<1xi32, #tpu.memory_space<vmem>>
    %dma_start3A_43 = arith.constant 0 : i32
    %dma_start3A_44 = arith.constant 0 : i32
    %dma_start3A_45 = tpu.memref_slice %arg3[%dma_start3A_43, %dma_start3A_44] : memref<200x49152xf32, #tpu.memory_space<hbm>> -> memref<200x49152xf32, #tpu.memory_space<hbm>>
    tpu.enqueue_indirect_dma source(%dma_start3A_45 : memref<200x49152xf32, #tpu.memory_space<hbm>>) target(%arg7 : memref<1x49152xf32, #tpu.memory_space<vmem>>) offsets(%dma_start3A_42 : memref<1xi32, #tpu.memory_space<vmem>>) semaphore(%arg9 : memref<!tpu.dma_semaphore, #tpu.memory_space<semaphore_mem>>)
    %dma_wait3A = arith.constant 0 : i32
    %dma_wait3A_46 = arith.constant 0 : i32
    %dma_wait3A_47 = tpu.memref_slice %arg5[%dma_wait3A, %dma_wait3A_46] : memref<25x8xi32, #tpu.memory_space<vmem>> -> memref<1x1xi32, #tpu.memory_space<vmem>>
    %dma_wait3A_48 = tpu.memref_squeeze %dma_wait3A_47 : memref<1x1xi32, #tpu.memory_space<vmem>> -> memref<1xi32, #tpu.memory_space<vmem>>
    %dma_wait3A_49 = arith.constant 0 : i32
    %dma_wait3A_50 = arith.constant 0 : i32
    %dma_wait3A_51 = tpu.memref_slice %arg3[%dma_wait3A_49, %dma_wait3A_50] : memref<200x49152xf32, #tpu.memory_space<hbm>> -> memref<200x49152xf32, #tpu.memory_space<hbm>>
    tpu.wait_indirect_dma semaphore(%arg8 : memref<!tpu.dma_semaphore, #tpu.memory_space<semaphore_mem>>) src(%dma_wait3A_51 : memref<200x49152xf32, #tpu.memory_space<hbm>>) dst(%arg6 : memref<1x49152xf32, #tpu.memory_space<vmem>>)
    %add3A_52 = arith.constant 0 : i32
    %add3A_53 = arith.addi %mul3A_32, %add3A_52 : i32
    %dma_start3A_54 = arith.constant 0 : i32
    %dma_start3A_55 = tpu.memref_slice %arg4[%add3A_53, %select_n3A, %dma_start3A_54] : memref<50x16x49152xf32, #tpu.memory_space<hbm>> -> memref<1x1x49152xf32, #tpu.memory_space<hbm>>
    %dma_start3A_56 = tpu.memref_squeeze %dma_start3A_55 : memref<1x1x49152xf32, #tpu.memory_space<hbm>> -> memref<1x49152xf32, #tpu.memory_space<hbm>>
    %dma_start3A_57 = arith.constant 0 : i32
    %dma_start3A_58 = tpu.memref_slice %arg4[%add3A_53, %select_n3A, %dma_start3A_57] : memref<50x16x49152xf32, #tpu.memory_space<hbm>> -> memref<1x1x49152xf32, #tpu.memory_space<hbm>>
    %dma_start3A_59 = tpu.memref_squeeze %dma_start3A_58 : memref<1x1x49152xf32, #tpu.memory_space<hbm>> -> memref<1x49152xf32, #tpu.memory_space<hbm>>
    tpu.enqueue_dma source(%arg6 : memref<1x49152xf32, #tpu.memory_space<vmem>>) target(%dma_start3A_59 : memref<1x49152xf32, #tpu.memory_space<hbm>>) target_semaphore(%arg10 : memref<!tpu.dma_semaphore, #tpu.memory_space<semaphore_mem>>)
    %dma_wait3A_60 = arith.constant 0 : i32
    %dma_wait3A_61 = tpu.memref_slice %arg4[%add3A_53, %select_n3A, %dma_wait3A_60] : memref<50x16x49152xf32, #tpu.memory_space<hbm>> -> memref<1x1x49152xf32, #tpu.memory_space<hbm>>
    %dma_wait3A_62 = tpu.memref_squeeze %dma_wait3A_61 : memref<1x1x49152xf32, #tpu.memory_space<hbm>> -> memref<1x49152xf32, #tpu.memory_space<hbm>>
    %dma_wait3A_63 = arith.constant 0 : i32
    %dma_wait3A_64 = tpu.memref_slice %arg4[%add3A_53, %select_n3A, %dma_wait3A_63] : memref<50x16x49152xf32, #tpu.memory_space<hbm>> -> memref<1x1x49152xf32, #tpu.memory_space<hbm>>
    %dma_wait3A_65 = tpu.memref_squeeze %dma_wait3A_64 : memref<1x1x49152xf32, #tpu.memory_space<hbm>> -> memref<1x49152xf32, #tpu.memory_space<hbm>>
    tpu.wait_dma2 semaphore(%arg10 : memref<!tpu.dma_semaphore, #tpu.memory_space<semaphore_mem>>) src(%arg6 : memref<1x49152xf32, #tpu.memory_space<vmem>>) dst(%dma_wait3A_65 : memref<1x49152xf32, #tpu.memory_space<hbm>>)
    %dma_start3A_66 = arith.constant 2 : i32
    %dma_start3A_67 = arith.constant 0 : i32
    %dma_start3A_68 = tpu.memref_slice %arg5[%dma_start3A_66, %dma_start3A_67] : memref<25x8xi32, #tpu.memory_space<vmem>> -> memref<1x1xi32, #tpu.memory_space<vmem>>
    %dma_start3A_69 = tpu.memref_squeeze %dma_start3A_68 : memref<1x1xi32, #tpu.memory_space<vmem>> -> memref<1xi32, #tpu.memory_space<vmem>>
    %dma_start3A_70 = arith.constant 0 : i32
    %dma_start3A_71 = arith.constant 0 : i32
    %dma_start3A_72 = tpu.memref_slice %arg3[%dma_start3A_70, %dma_start3A_71] : memref<200x49152xf32, #tpu.memory_space<hbm>> -> memref<200x49152xf32, #tpu.memory_space<hbm>>
    tpu.enqueue_indirect_dma source(%dma_start3A_72 : memref<200x49152xf32, #tpu.memory_space<hbm>>) target(%arg6 : memref<1x49152xf32, #tpu.memory_space<vmem>>) offsets(%dma_start3A_69 : memref<1xi32, #tpu.memory_space<vmem>>) semaphore(%arg8 : memref<!tpu.dma_semaphore, #tpu.memory_space<semaphore_mem>>)
    %dma_wait3A_73 = arith.constant 1 : i32
    %dma_wait3A_74 = arith.constant 0 : i32
    %dma_wait3A_75 = tpu.memref_slice %arg5[%dma_wait3A_73, %dma_wait3A_74] : memref<25x8xi32, #tpu.memory_space<vmem>> -> memref<1x1xi32, #tpu.memory_space<vmem>>
    %dma_wait3A_76 = tpu.memref_squeeze %dma_wait3A_75 : memref<1x1xi32, #tpu.memory_space<vmem>> -> memref<1xi32, #tpu.memory_space<vmem>>
    %dma_wait3A_77 = arith.constant 0 : i32
    %dma_wait3A_78 = arith.constant 0 : i32
    %dma_wait3A_79 = tpu.memref_slice %arg3[%dma_wait3A_77, %dma_wait3A_78] : memref<200x49152xf32, #tpu.memory_space<hbm>> -> memref<200x49152xf32, #tpu.memory_space<hbm>>
    tpu.wait_indirect_dma semaphore(%arg9 : memref<!tpu.dma_semaphore, #tpu.memory_space<semaphore_mem>>) src(%dma_wait3A_79 : memref<200x49152xf32, #tpu.memory_space<hbm>>) dst(%arg7 : memref<1x49152xf32, #tpu.memory_space<vmem>>)
    %add3A_80 = arith.constant 1 : i32
    %add3A_81 = arith.addi %mul3A_32, %add3A_80 : i32
    %dma_start3A_82 = arith.constant 0 : i32
    %dma_start3A_83 = tpu.memref_slice %arg4[%add3A_81, %select_n3A, %dma_start3A_82] : memref<50x16x49152xf32, #tpu.memory_space<hbm>> -> memref<1x1x49152xf32, #tpu.memory_space<hbm>>
    %dma_start3A_84 = tpu.memref_squeeze %dma_start3A_83 : memref<1x1x49152xf32, #tpu.memory_space<hbm>> -> memref<1x49152xf32, #tpu.memory_space<hbm>>
    %dma_start3A_85 = arith.constant 0 : i32
    %dma_start3A_86 = tpu.memref_slice %arg4[%add3A_81, %select_n3A, %dma_start3A_85] : memref<50x16x49152xf32, #tpu.memory_space<hbm>> -> memref<1x1x49152xf32, #tpu.memory_space<hbm>>
    %dma_start3A_87 = tpu.memref_squeeze %dma_start3A_86 : memref<1x1x49152xf32, #tpu.memory_space<hbm>> -> memref<1x49152xf32, #tpu.memory_space<hbm>>
    tpu.enqueue_dma source(%arg7 : memref<1x49152xf32, #tpu.memory_space<vmem>>) target(%dma_start3A_87 : memref<1x49152xf32, #tpu.memory_space<hbm>>) target_semaphore(%arg11 : memref<!tpu.dma_semaphore, #tpu.memory_space<semaphore_mem>>)
    %dma_wait3A_88 = arith.constant 0 : i32
    %dma_wait3A_89 = tpu.memref_slice %arg4[%add3A_81, %select_n3A, %dma_wait3A_88] : memref<50x16x49152xf32, #tpu.memory_space<hbm>> -> memref<1x1x49152xf32, #tpu.memory_space<hbm>>
    %dma_wait3A_90 = tpu.memref_squeeze %dma_wait3A_89 : memref<1x1x49152xf32, #tpu.memory_space<hbm>> -> memref<1x49152xf32, #tpu.memory_space<hbm>>
    %dma_wait3A_91 = arith.constant 0 : i32
    %dma_wait3A_92 = tpu.memref_slice %arg4[%add3A_81, %select_n3A, %dma_wait3A_91] : memref<50x16x49152xf32, #tpu.memory_space<hbm>> -> memref<1x1x49152xf32, #tpu.memory_space<hbm>>
    %dma_wait3A_93 = tpu.memref_squeeze %dma_wait3A_92 : memref<1x1x49152xf32, #tpu.memory_space<hbm>> -> memref<1x49152xf32, #tpu.memory_space<hbm>>
    tpu.wait_dma2 semaphore(%arg11 : memref<!tpu.dma_semaphore, #tpu.memory_space<semaphore_mem>>) src(%arg7 : memref<1x49152xf32, #tpu.memory_space<vmem>>) dst(%dma_wait3A_93 : memref<1x49152xf32, #tpu.memory_space<hbm>>)
    %dma_start3A_94 = arith.constant 3 : i32
    %dma_start3A_95 = arith.constant 0 : i32
    %dma_start3A_96 = tpu.memref_slice %arg5[%dma_start3A_94, %dma_start3A_95] : memref<25x8xi32, #tpu.memory_space<vmem>> -> memref<1x1xi32, #tpu.memory_space<vmem>>
    %dma_start3A_97 = tpu.memref_squeeze %dma_start3A_96 : memref<1x1xi32, #tpu.memory_space<vmem>> -> memref<1xi32, #tpu.memory_space<vmem>>
    %dma_start3A_98 = arith.constant 0 : i32
    %dma_start3A_99 = arith.constant 0 : i32
    %dma_start3A_100 = tpu.memref_slice %arg3[%dma_start3A_98, %dma_start3A_99] : memref<200x49152xf32, #tpu.memory_space<hbm>> -> memref<200x49152xf32, #tpu.memory_space<hbm>>
    tpu.enqueue_indirect_dma source(%dma_start3A_100 : memref<200x49152xf32, #tpu.memory_space<hbm>>) target(%arg7 : memref<1x49152xf32, #tpu.memory_space<vmem>>) offsets(%dma_start3A_97 : memref<1xi32, #tpu.memory_space<vmem>>) semaphore(%arg9 : memref<!tpu.dma_semaphore, #tpu.memory_space<semaphore_mem>>)
    %dma_wait3A_101 = arith.constant 2 : i32
    %dma_wait3A_102 = arith.constant 0 : i32
    %dma_wait3A_103 = tpu.memref_slice %arg5[%dma_wait3A_101, %dma_wait3A_102] : memref<25x8xi32, #tpu.memory_space<vmem>> -> memref<1x1xi32, #tpu.memory_space<vmem>>
    %dma_wait3A_104 = tpu.memref_squeeze %dma_wait3A_103 : memref<1x1xi32, #tpu.memory_space<vmem>> -> memref<1xi32, #tpu.memory_space<vmem>>
    %dma_wait3A_105 = arith.constant 0 : i32
    %dma_wait3A_106 = arith.constant 0 : i32
    %dma_wait3A_107 = tpu.memref_slice %arg3[%dma_wait3A_105, %dma_wait3A_106] : memref<200x49152xf32, #tpu.memory_space<hbm>> -> memref<200x49152xf32, #tpu.memory_space<hbm>>
    tpu.wait_indirect_dma semaphore(%arg8 : memref<!tpu.dma_semaphore, #tpu.memory_space<semaphore_mem>>) src(%dma_wait3A_107 : memref<200x49152xf32, #tpu.memory_space<hbm>>) dst(%arg6 : memref<1x49152xf32, #tpu.memory_space<vmem>>)
    %add3A_108 = arith.constant 2 : i32
    %add3A_109 = arith.addi %mul3A_32, %add3A_108 : i32
    %dma_start3A_110 = arith.constant 0 : i32
    %dma_start3A_111 = tpu.memref_slice %arg4[%add3A_109, %select_n3A, %dma_start3A_110] : memref<50x16x49152xf32, #tpu.memory_space<hbm>> -> memref<1x1x49152xf32, #tpu.memory_space<hbm>>
    %dma_start3A_112 = tpu.memref_squeeze %dma_start3A_111 : memref<1x1x49152xf32, #tpu.memory_space<hbm>> -> memref<1x49152xf32, #tpu.memory_space<hbm>>
    %dma_start3A_113 = arith.constant 0 : i32
    %dma_start3A_114 = tpu.memref_slice %arg4[%add3A_109, %select_n3A, %dma_start3A_113] : memref<50x16x49152xf32, #tpu.memory_space<hbm>> -> memref<1x1x49152xf32, #tpu.memory_space<hbm>>
    %dma_start3A_115 = tpu.memref_squeeze %dma_start3A_114 : memref<1x1x49152xf32, #tpu.memory_space<hbm>> -> memref<1x49152xf32, #tpu.memory_space<hbm>>
    tpu.enqueue_dma source(%arg6 : memref<1x49152xf32, #tpu.memory_space<vmem>>) target(%dma_start3A_115 : memref<1x49152xf32, #tpu.memory_space<hbm>>) target_semaphore(%arg10 : memref<!tpu.dma_semaphore, #tpu.memory_space<semaphore_mem>>)
    %dma_wait3A_116 = arith.constant 0 : i32
    %dma_wait3A_117 = tpu.memref_slice %arg4[%add3A_109, %select_n3A, %dma_wait3A_116] : memref<50x16x49152xf32, #tpu.memory_space<hbm>> -> memref<1x1x49152xf32, #tpu.memory_space<hbm>>
    %dma_wait3A_118 = tpu.memref_squeeze %dma_wait3A_117 : memref<1x1x49152xf32, #tpu.memory_space<hbm>> -> memref<1x49152xf32, #tpu.memory_space<hbm>>
    %dma_wait3A_119 = arith.constant 0 : i32
    %dma_wait3A_120 = tpu.memref_slice %arg4[%add3A_109, %select_n3A, %dma_wait3A_119] : memref<50x16x49152xf32, #tpu.memory_space<hbm>> -> memref<1x1x49152xf32, #tpu.memory_space<hbm>>
    %dma_wait3A_121 = tpu.memref_squeeze %dma_wait3A_120 : memref<1x1x49152xf32, #tpu.memory_space<hbm>> -> memref<1x49152xf32, #tpu.memory_space<hbm>>
    tpu.wait_dma2 semaphore(%arg10 : memref<!tpu.dma_semaphore, #tpu.memory_space<semaphore_mem>>) src(%arg6 : memref<1x49152xf32, #tpu.memory_space<vmem>>) dst(%dma_wait3A_121 : memref<1x49152xf32, #tpu.memory_space<hbm>>)
    %dma_start3A_122 = arith.constant 4 : i32
    %dma_start3A_123 = arith.constant 0 : i32
    %dma_start3A_124 = tpu.memref_slice %arg5[%dma_start3A_122, %dma_start3A_123] : memref<25x8xi32, #tpu.memory_space<vmem>> -> memref<1x1xi32, #tpu.memory_space<vmem>>
    %dma_start3A_125 = tpu.memref_squeeze %dma_start3A_124 : memref<1x1xi32, #tpu.memory_space<vmem>> -> memref<1xi32, #tpu.memory_space<vmem>>
    %dma_start3A_126 = arith.constant 0 : i32
    %dma_start3A_127 = arith.constant 0 : i32
    %dma_start3A_128 = tpu.memref_slice %arg3[%dma_start3A_126, %dma_start3A_127] : memref<200x49152xf32, #tpu.memory_space<hbm>> -> memref<200x49152xf32, #tpu.memory_space<hbm>>
    tpu.enqueue_indirect_dma source(%dma_start3A_128 : memref<200x49152xf32, #tpu.memory_space<hbm>>) target(%arg6 : memref<1x49152xf32, #tpu.memory_space<vmem>>) offsets(%dma_start3A_125 : memref<1xi32, #tpu.memory_space<vmem>>) semaphore(%arg8 : memref<!tpu.dma_semaphore, #tpu.memory_space<semaphore_mem>>)
    %dma_wait3A_129 = arith.constant 3 : i32
    %dma_wait3A_130 = arith.constant 0 : i32
    %dma_wait3A_131 = tpu.memref_slice %arg5[%dma_wait3A_129, %dma_wait3A_130] : memref<25x8xi32, #tpu.memory_space<vmem>> -> memref<1x1xi32, #tpu.memory_space<vmem>>
    %dma_wait3A_132 = tpu.memref_squeeze %dma_wait3A_131 : memref<1x1xi32, #tpu.memory_space<vmem>> -> memref<1xi32, #tpu.memory_space<vmem>>
    %dma_wait3A_133 = arith.constant 0 : i32
    %dma_wait3A_134 = arith.constant 0 : i32
    %dma_wait3A_135 = tpu.memref_slice %arg3[%dma_wait3A_133, %dma_wait3A_134] : memref<200x49152xf32, #tpu.memory_space<hbm>> -> memref<200x49152xf32, #tpu.memory_space<hbm>>
    tpu.wait_indirect_dma semaphore(%arg9 : memref<!tpu.dma_semaphore, #tpu.memory_space<semaphore_mem>>) src(%dma_wait3A_135 : memref<200x49152xf32, #tpu.memory_space<hbm>>) dst(%arg7 : memref<1x49152xf32, #tpu.memory_space<vmem>>)
    %add3A_136 = arith.constant 3 : i32
    %add3A_137 = arith.addi %mul3A_32, %add3A_136 : i32
    %dma_start3A_138 = arith.constant 0 : i32
    %dma_start3A_139 = tpu.memref_slice %arg4[%add3A_137, %select_n3A, %dma_start3A_138] : memref<50x16x49152xf32, #tpu.memory_space<hbm>> -> memref<1x1x49152xf32, #tpu.memory_space<hbm>>
    %dma_start3A_140 = tpu.memref_squeeze %dma_start3A_139 : memref<1x1x49152xf32, #tpu.memory_space<hbm>> -> memref<1x49152xf32, #tpu.memory_space<hbm>>
    %dma_start3A_141 = arith.constant 0 : i32
    %dma_start3A_142 = tpu.memref_slice %arg4[%add3A_137, %select_n3A, %dma_start3A_141] : memref<50x16x49152xf32, #tpu.memory_space<hbm>> -> memref<1x1x49152xf32, #tpu.memory_space<hbm>>
    %dma_start3A_143 = tpu.memref_squeeze %dma_start3A_142 : memref<1x1x49152xf32, #tpu.memory_space<hbm>> -> memref<1x49152xf32, #tpu.memory_space<hbm>>
    tpu.enqueue_dma source(%arg7 : memref<1x49152xf32, #tpu.memory_space<vmem>>) target(%dma_start3A_143 : memref<1x49152xf32, #tpu.memory_space<hbm>>) target_semaphore(%arg11 : memref<!tpu.dma_semaphore, #tpu.memory_space<semaphore_mem>>)
    %dma_wait3A_144 = arith.constant 0 : i32
    %dma_wait3A_145 = tpu.memref_slice %arg4[%add3A_137, %select_n3A, %dma_wait3A_144] : memref<50x16x49152xf32, #tpu.memory_space<hbm>> -> memref<1x1x49152xf32, #tpu.memory_space<hbm>>
    %dma_wait3A_146 = tpu.memref_squeeze %dma_wait3A_145 : memref<1x1x49152xf32, #tpu.memory_space<hbm>> -> memref<1x49152xf32, #tpu.memory_space<hbm>>
    %dma_wait3A_147 = arith.constant 0 : i32
    %dma_wait3A_148 = tpu.memref_slice %arg4[%add3A_137, %select_n3A, %dma_wait3A_147] : memref<50x16x49152xf32, #tpu.memory_space<hbm>> -> memref<1x1x49152xf32, #tpu.memory_space<hbm>>
    %dma_wait3A_149 = tpu.memref_squeeze %dma_wait3A_148 : memref<1x1x49152xf32, #tpu.memory_space<hbm>> -> memref<1x49152xf32, #tpu.memory_space<hbm>>
    tpu.wait_dma2 semaphore(%arg11 : memref<!tpu.dma_semaphore, #tpu.memory_space<semaphore_mem>>) src(%arg7 : memref<1x49152xf32, #tpu.memory_space<vmem>>) dst(%dma_wait3A_149 : memref<1x49152xf32, #tpu.memory_space<hbm>>)
    %dma_start3A_150 = arith.constant 5 : i32
    %dma_start3A_151 = arith.constant 0 : i32
    %dma_start3A_152 = tpu.memref_slice %arg5[%dma_start3A_150, %dma_start3A_151] : memref<25x8xi32, #tpu.memory_space<vmem>> -> memref<1x1xi32, #tpu.memory_space<vmem>>
    %dma_start3A_153 = tpu.memref_squeeze %dma_start3A_152 : memref<1x1xi32, #tpu.memory_space<vmem>> -> memref<1xi32, #tpu.memory_space<vmem>>
    %dma_start3A_154 = arith.constant 0 : i32
    %dma_start3A_155 = arith.constant 0 : i32
    %dma_start3A_156 = tpu.memref_slice %arg3[%dma_start3A_154, %dma_start3A_155] : memref<200x49152xf32, #tpu.memory_space<hbm>> -> memref<200x49152xf32, #tpu.memory_space<hbm>>
    tpu.enqueue_indirect_dma source(%dma_start3A_156 : memref<200x49152xf32, #tpu.memory_space<hbm>>) target(%arg7 : memref<1x49152xf32, #tpu.memory_space<vmem>>) offsets(%dma_start3A_153 : memref<1xi32, #tpu.memory_space<vmem>>) semaphore(%arg9 : memref<!tpu.dma_semaphore, #tpu.memory_space<semaphore_mem>>)
    %dma_wait3A_157 = arith.constant 4 : i32
    %dma_wait3A_158 = arith.constant 0 : i32
    %dma_wait3A_159 = tpu.memref_slice %arg5[%dma_wait3A_157, %dma_wait3A_158] : memref<25x8xi32, #tpu.memory_space<vmem>> -> memref<1x1xi32, #tpu.memory_space<vmem>>
    %dma_wait3A_160 = tpu.memref_squeeze %dma_wait3A_159 : memref<1x1xi32, #tpu.memory_space<vmem>> -> memref<1xi32, #tpu.memory_space<vmem>>
    %dma_wait3A_161 = arith.constant 0 : i32
    %dma_wait3A_162 = arith.constant 0 : i32
    %dma_wait3A_163 = tpu.memref_slice %arg3[%dma_wait3A_161, %dma_wait3A_162] : memref<200x49152xf32, #tpu.memory_space<hbm>> -> memref<200x49152xf32, #tpu.memory_space<hbm>>
    tpu.wait_indirect_dma semaphore(%arg8 : memref<!tpu.dma_semaphore, #tpu.memory_space<semaphore_mem>>) src(%dma_wait3A_163 : memref<200x49152xf32, #tpu.memory_space<hbm>>) dst(%arg6 : memref<1x49152xf32, #tpu.memory_space<vmem>>)
    %add3A_164 = arith.constant 4 : i32
    %add3A_165 = arith.addi %mul3A_32, %add3A_164 : i32
    %dma_start3A_166 = arith.constant 0 : i32
    %dma_start3A_167 = tpu.memref_slice %arg4[%add3A_165, %select_n3A, %dma_start3A_166] : memref<50x16x49152xf32, #tpu.memory_space<hbm>> -> memref<1x1x49152xf32, #tpu.memory_space<hbm>>
    %dma_start3A_168 = tpu.memref_squeeze %dma_start3A_167 : memref<1x1x49152xf32, #tpu.memory_space<hbm>> -> memref<1x49152xf32, #tpu.memory_space<hbm>>
    %dma_start3A_169 = arith.constant 0 : i32
    %dma_start3A_170 = tpu.memref_slice %arg4[%add3A_165, %select_n3A, %dma_start3A_169] : memref<50x16x49152xf32, #tpu.memory_space<hbm>> -> memref<1x1x49152xf32, #tpu.memory_space<hbm>>
    %dma_start3A_171 = tpu.memref_squeeze %dma_start3A_170 : memref<1x1x49152xf32, #tpu.memory_space<hbm>> -> memref<1x49152xf32, #tpu.memory_space<hbm>>
    tpu.enqueue_dma source(%arg6 : memref<1x49152xf32, #tpu.memory_space<vmem>>) target(%dma_start3A_171 : memref<1x49152xf32, #tpu.memory_space<hbm>>) target_semaphore(%arg10 : memref<!tpu.dma_semaphore, #tpu.memory_space<semaphore_mem>>)
    %dma_wait3A_172 = arith.constant 0 : i32
    %dma_wait3A_173 = tpu.memref_slice %arg4[%add3A_165, %select_n3A, %dma_wait3A_172] : memref<50x16x49152xf32, #tpu.memory_space<hbm>> -> memref<1x1x49152xf32, #tpu.memory_space<hbm>>
    %dma_wait3A_174 = tpu.memref_squeeze %dma_wait3A_173 : memref<1x1x49152xf32, #tpu.memory_space<hbm>> -> memref<1x49152xf32, #tpu.memory_space<hbm>>
    %dma_wait3A_175 = arith.constant 0 : i32
    %dma_wait3A_176 = tpu.memref_slice %arg4[%add3A_165, %select_n3A, %dma_wait3A_175] : memref<50x16x49152xf32, #tpu.memory_space<hbm>> -> memref<1x1x49152xf32, #tpu.memory_space<hbm>>
    %dma_wait3A_177 = tpu.memref_squeeze %dma_wait3A_176 : memref<1x1x49152xf32, #tpu.memory_space<hbm>> -> memref<1x49152xf32, #tpu.memory_space<hbm>>
    tpu.wait_dma2 semaphore(%arg10 : memref<!tpu.dma_semaphore, #tpu.memory_space<semaphore_mem>>) src(%arg6 : memref<1x49152xf32, #tpu.memory_space<vmem>>) dst(%dma_wait3A_177 : memref<1x49152xf32, #tpu.memory_space<hbm>>)
    %dma_start3A_178 = arith.constant 6 : i32
    %dma_start3A_179 = arith.constant 0 : i32
    %dma_start3A_180 = tpu.memref_slice %arg5[%dma_start3A_178, %dma_start3A_179] : memref<25x8xi32, #tpu.memory_space<vmem>> -> memref<1x1xi32, #tpu.memory_space<vmem>>
    %dma_start3A_181 = tpu.memref_squeeze %dma_start3A_180 : memref<1x1xi32, #tpu.memory_space<vmem>> -> memref<1xi32, #tpu.memory_space<vmem>>
    %dma_start3A_182 = arith.constant 0 : i32
    %dma_start3A_183 = arith.constant 0 : i32
    %dma_start3A_184 = tpu.memref_slice %arg3[%dma_start3A_182, %dma_start3A_183] : memref<200x49152xf32, #tpu.memory_space<hbm>> -> memref<200x49152xf32, #tpu.memory_space<hbm>>
    tpu.enqueue_indirect_dma source(%dma_start3A_184 : memref<200x49152xf32, #tpu.memory_space<hbm>>) target(%arg6 : memref<1x49152xf32, #tpu.memory_space<vmem>>) offsets(%dma_start3A_181 : memref<1xi32, #tpu.memory_space<vmem>>) semaphore(%arg8 : memref<!tpu.dma_semaphore, #tpu.memory_space<semaphore_mem>>)
    %dma_wait3A_185 = arith.constant 5 : i32
    %dma_wait3A_186 = arith.constant 0 : i32
    %dma_wait3A_187 = tpu.memref_slice %arg5[%dma_wait3A_185, %dma_wait3A_186] : memref<25x8xi32, #tpu.memory_space<vmem>> -> memref<1x1xi32, #tpu.memory_space<vmem>>
    %dma_wait3A_188 = tpu.memref_squeeze %dma_wait3A_187 : memref<1x1xi32, #tpu.memory_space<vmem>> -> memref<1xi32, #tpu.memory_space<vmem>>
    %dma_wait3A_189 = arith.constant 0 : i32
    %dma_wait3A_190 = arith.constant 0 : i32
    %dma_wait3A_191 = tpu.memref_slice %arg3[%dma_wait3A_189, %dma_wait3A_190] : memref<200x49152xf32, #tpu.memory_space<hbm>> -> memref<200x49152xf32, #tpu.memory_space<hbm>>
    tpu.wait_indirect_dma semaphore(%arg9 : memref<!tpu.dma_semaphore, #tpu.memory_space<semaphore_mem>>) src(%dma_wait3A_191 : memref<200x49152xf32, #tpu.memory_space<hbm>>) dst(%arg7 : memref<1x49152xf32, #tpu.memory_space<vmem>>)
    %add3A_192 = arith.constant 5 : i32
    %add3A_193 = arith.addi %mul3A_32, %add3A_192 : i32
    %dma_start3A_194 = arith.constant 0 : i32
    %dma_start3A_195 = tpu.memref_slice %arg4[%add3A_193, %select_n3A, %dma_start3A_194] : memref<50x16x49152xf32, #tpu.memory_space<hbm>> -> memref<1x1x49152xf32, #tpu.memory_space<hbm>>
    %dma_start3A_196 = tpu.memref_squeeze %dma_start3A_195 : memref<1x1x49152xf32, #tpu.memory_space<hbm>> -> memref<1x49152xf32, #tpu.memory_space<hbm>>
    %dma_start3A_197 = arith.constant 0 : i32
    %dma_start3A_198 = tpu.memref_slice %arg4[%add3A_193, %select_n3A, %dma_start3A_197] : memref<50x16x49152xf32, #tpu.memory_space<hbm>> -> memref<1x1x49152xf32, #tpu.memory_space<hbm>>
    %dma_start3A_199 = tpu.memref_squeeze %dma_start3A_198 : memref<1x1x49152xf32, #tpu.memory_space<hbm>> -> memref<1x49152xf32, #tpu.memory_space<hbm>>
    tpu.enqueue_dma source(%arg7 : memref<1x49152xf32, #tpu.memory_space<vmem>>) target(%dma_start3A_199 : memref<1x49152xf32, #tpu.memory_space<hbm>>) target_semaphore(%arg11 : memref<!tpu.dma_semaphore, #tpu.memory_space<semaphore_mem>>)
    %dma_wait3A_200 = arith.constant 0 : i32
    %dma_wait3A_201 = tpu.memref_slice %arg4[%add3A_193, %select_n3A, %dma_wait3A_200] : memref<50x16x49152xf32, #tpu.memory_space<hbm>> -> memref<1x1x49152xf32, #tpu.memory_space<hbm>>
    %dma_wait3A_202 = tpu.memref_squeeze %dma_wait3A_201 : memref<1x1x49152xf32, #tpu.memory_space<hbm>> -> memref<1x49152xf32, #tpu.memory_space<hbm>>
    %dma_wait3A_203 = arith.constant 0 : i32
    %dma_wait3A_204 = tpu.memref_slice %arg4[%add3A_193, %select_n3A, %dma_wait3A_203] : memref<50x16x49152xf32, #tpu.memory_space<hbm>> -> memref<1x1x49152xf32, #tpu.memory_space<hbm>>
    %dma_wait3A_205 = tpu.memref_squeeze %dma_wait3A_204 : memref<1x1x49152xf32, #tpu.memory_space<hbm>> -> memref<1x49152xf32, #tpu.memory_space<hbm>>
    tpu.wait_dma2 semaphore(%arg11 : memref<!tpu.dma_semaphore, #tpu.memory_space<semaphore_mem>>) src(%arg7 : memref<1x49152xf32, #tpu.memory_space<vmem>>) dst(%dma_wait3A_205 : memref<1x49152xf32, #tpu.memory_space<hbm>>)
    %dma_start3A_206 = arith.constant 7 : i32
    %dma_start3A_207 = arith.constant 0 : i32
    %dma_start3A_208 = tpu.memref_slice %arg5[%dma_start3A_206, %dma_start3A_207] : memref<25x8xi32, #tpu.memory_space<vmem>> -> memref<1x1xi32, #tpu.memory_space<vmem>>
    %dma_start3A_209 = tpu.memref_squeeze %dma_start3A_208 : memref<1x1xi32, #tpu.memory_space<vmem>> -> memref<1xi32, #tpu.memory_space<vmem>>
    %dma_start3A_210 = arith.constant 0 : i32
    %dma_start3A_211 = arith.constant 0 : i32
    %dma_start3A_212 = tpu.memref_slice %arg3[%dma_start3A_210, %dma_start3A_211] : memref<200x49152xf32, #tpu.memory_space<hbm>> -> memref<200x49152xf32, #tpu.memory_space<hbm>>
    tpu.enqueue_indirect_dma source(%dma_start3A_212 : memref<200x49152xf32, #tpu.memory_space<hbm>>) target(%arg7 : memref<1x49152xf32, #tpu.memory_space<vmem>>) offsets(%dma_start3A_209 : memref<1xi32, #tpu.memory_space<vmem>>) semaphore(%arg9 : memref<!tpu.dma_semaphore, #tpu.memory_space<semaphore_mem>>)
    %dma_wait3A_213 = arith.constant 6 : i32
    %dma_wait3A_214 = arith.constant 0 : i32
    %dma_wait3A_215 = tpu.memref_slice %arg5[%dma_wait3A_213, %dma_wait3A_214] : memref<25x8xi32, #tpu.memory_space<vmem>> -> memref<1x1xi32, #tpu.memory_space<vmem>>
    %dma_wait3A_216 = tpu.memref_squeeze %dma_wait3A_215 : memref<1x1xi32, #tpu.memory_space<vmem>> -> memref<1xi32, #tpu.memory_space<vmem>>
    %dma_wait3A_217 = arith.constant 0 : i32
    %dma_wait3A_218 = arith.constant 0 : i32
    %dma_wait3A_219 = tpu.memref_slice %arg3[%dma_wait3A_217, %dma_wait3A_218] : memref<200x49152xf32, #tpu.memory_space<hbm>> -> memref<200x49152xf32, #tpu.memory_space<hbm>>
    tpu.wait_indirect_dma semaphore(%arg8 : memref<!tpu.dma_semaphore, #tpu.memory_space<semaphore_mem>>) src(%dma_wait3A_219 : memref<200x49152xf32, #tpu.memory_space<hbm>>) dst(%arg6 : memref<1x49152xf32, #tpu.memory_space<vmem>>)
    %add3A_220 = arith.constant 6 : i32
    %add3A_221 = arith.addi %mul3A_32, %add3A_220 : i32
    %dma_start3A_222 = arith.constant 0 : i32
    %dma_start3A_223 = tpu.memref_slice %arg4[%add3A_221, %select_n3A, %dma_start3A_222] : memref<50x16x49152xf32, #tpu.memory_space<hbm>> -> memref<1x1x49152xf32, #tpu.memory_space<hbm>>
    %dma_start3A_224 = tpu.memref_squeeze %dma_start3A_223 : memref<1x1x49152xf32, #tpu.memory_space<hbm>> -> memref<1x49152xf32, #tpu.memory_space<hbm>>
    %dma_start3A_225 = arith.constant 0 : i32
    %dma_start3A_226 = tpu.memref_slice %arg4[%add3A_221, %select_n3A, %dma_start3A_225] : memref<50x16x49152xf32, #tpu.memory_space<hbm>> -> memref<1x1x49152xf32, #tpu.memory_space<hbm>>
    %dma_start3A_227 = tpu.memref_squeeze %dma_start3A_226 : memref<1x1x49152xf32, #tpu.memory_space<hbm>> -> memref<1x49152xf32, #tpu.memory_space<hbm>>
    tpu.enqueue_dma source(%arg6 : memref<1x49152xf32, #tpu.memory_space<vmem>>) target(%dma_start3A_227 : memref<1x49152xf32, #tpu.memory_space<hbm>>) target_semaphore(%arg10 : memref<!tpu.dma_semaphore, #tpu.memory_space<semaphore_mem>>)
    %dma_wait3A_228 = arith.constant 0 : i32
    %dma_wait3A_229 = tpu.memref_slice %arg4[%add3A_221, %select_n3A, %dma_wait3A_228] : memref<50x16x49152xf32, #tpu.memory_space<hbm>> -> memref<1x1x49152xf32, #tpu.memory_space<hbm>>
    %dma_wait3A_230 = tpu.memref_squeeze %dma_wait3A_229 : memref<1x1x49152xf32, #tpu.memory_space<hbm>> -> memref<1x49152xf32, #tpu.memory_space<hbm>>
    %dma_wait3A_231 = arith.constant 0 : i32
    %dma_wait3A_232 = tpu.memref_slice %arg4[%add3A_221, %select_n3A, %dma_wait3A_231] : memref<50x16x49152xf32, #tpu.memory_space<hbm>> -> memref<1x1x49152xf32, #tpu.memory_space<hbm>>
    %dma_wait3A_233 = tpu.memref_squeeze %dma_wait3A_232 : memref<1x1x49152xf32, #tpu.memory_space<hbm>> -> memref<1x49152xf32, #tpu.memory_space<hbm>>
    tpu.wait_dma2 semaphore(%arg10 : memref<!tpu.dma_semaphore, #tpu.memory_space<semaphore_mem>>) src(%arg6 : memref<1x49152xf32, #tpu.memory_space<vmem>>) dst(%dma_wait3A_233 : memref<1x49152xf32, #tpu.memory_space<hbm>>)
    %dma_start3A_234 = arith.constant 8 : i32
    %dma_start3A_235 = arith.constant 0 : i32
    %dma_start3A_236 = tpu.memref_slice %arg5[%dma_start3A_234, %dma_start3A_235] : memref<25x8xi32, #tpu.memory_space<vmem>> -> memref<1x1xi32, #tpu.memory_space<vmem>>
    %dma_start3A_237 = tpu.memref_squeeze %dma_start3A_236 : memref<1x1xi32, #tpu.memory_space<vmem>> -> memref<1xi32, #tpu.memory_space<vmem>>
    %dma_start3A_238 = arith.constant 0 : i32
    %dma_start3A_239 = arith.constant 0 : i32
    %dma_start3A_240 = tpu.memref_slice %arg3[%dma_start3A_238, %dma_start3A_239] : memref<200x49152xf32, #tpu.memory_space<hbm>> -> memref<200x49152xf32, #tpu.memory_space<hbm>>
    tpu.enqueue_indirect_dma source(%dma_start3A_240 : memref<200x49152xf32, #tpu.memory_space<hbm>>) target(%arg6 : memref<1x49152xf32, #tpu.memory_space<vmem>>) offsets(%dma_start3A_237 : memref<1xi32, #tpu.memory_space<vmem>>) semaphore(%arg8 : memref<!tpu.dma_semaphore, #tpu.memory_space<semaphore_mem>>)
    %dma_wait3A_241 = arith.constant 7 : i32
    %dma_wait3A_242 = arith.constant 0 : i32
    %dma_wait3A_243 = tpu.memref_slice %arg5[%dma_wait3A_241, %dma_wait3A_242] : memref<25x8xi32, #tpu.memory_space<vmem>> -> memref<1x1xi32, #tpu.memory_space<vmem>>
    %dma_wait3A_244 = tpu.memref_squeeze %dma_wait3A_243 : memref<1x1xi32, #tpu.memory_space<vmem>> -> memref<1xi32, #tpu.memory_space<vmem>>
    %dma_wait3A_245 = arith.constant 0 : i32
    %dma_wait3A_246 = arith.constant 0 : i32
    %dma_wait3A_247 = tpu.memref_slice %arg3[%dma_wait3A_245, %dma_wait3A_246] : memref<200x49152xf32, #tpu.memory_space<hbm>> -> memref<200x49152xf32, #tpu.memory_space<hbm>>
    tpu.wait_indirect_dma semaphore(%arg9 : memref<!tpu.dma_semaphore, #tpu.memory_space<semaphore_mem>>) src(%dma_wait3A_247 : memref<200x49152xf32, #tpu.memory_space<hbm>>) dst(%arg7 : memref<1x49152xf32, #tpu.memory_space<vmem>>)
    %add3A_248 = arith.constant 7 : i32
    %add3A_249 = arith.addi %mul3A_32, %add3A_248 : i32
    %dma_start3A_250 = arith.constant 0 : i32
    %dma_start3A_251 = tpu.memref_slice %arg4[%add3A_249, %select_n3A, %dma_start3A_250] : memref<50x16x49152xf32, #tpu.memory_space<hbm>> -> memref<1x1x49152xf32, #tpu.memory_space<hbm>>
    %dma_start3A_252 = tpu.memref_squeeze %dma_start3A_251 : memref<1x1x49152xf32, #tpu.memory_space<hbm>> -> memref<1x49152xf32, #tpu.memory_space<hbm>>
    %dma_start3A_253 = arith.constant 0 : i32
    %dma_start3A_254 = tpu.memref_slice %arg4[%add3A_249, %select_n3A, %dma_start3A_253] : memref<50x16x49152xf32, #tpu.memory_space<hbm>> -> memref<1x1x49152xf32, #tpu.memory_space<hbm>>
    %dma_start3A_255 = tpu.memref_squeeze %dma_start3A_254 : memref<1x1x49152xf32, #tpu.memory_space<hbm>> -> memref<1x49152xf32, #tpu.memory_space<hbm>>
    tpu.enqueue_dma source(%arg7 : memref<1x49152xf32, #tpu.memory_space<vmem>>) target(%dma_start3A_255 : memref<1x49152xf32, #tpu.memory_space<hbm>>) target_semaphore(%arg11 : memref<!tpu.dma_semaphore, #tpu.memory_space<semaphore_mem>>)
    %dma_wait3A_256 = arith.constant 0 : i32
    %dma_wait3A_257 = tpu.memref_slice %arg4[%add3A_249, %select_n3A, %dma_wait3A_256] : memref<50x16x49152xf32, #tpu.memory_space<hbm>> -> memref<1x1x49152xf32, #tpu.memory_space<hbm>>
    %dma_wait3A_258 = tpu.memref_squeeze %dma_wait3A_257 : memref<1x1x49152xf32, #tpu.memory_space<hbm>> -> memref<1x49152xf32, #tpu.memory_space<hbm>>
    %dma_wait3A_259 = arith.constant 0 : i32
    %dma_wait3A_260 = tpu.memref_slice %arg4[%add3A_249, %select_n3A, %dma_wait3A_259] : memref<50x16x49152xf32, #tpu.memory_space<hbm>> -> memref<1x1x49152xf32, #tpu.memory_space<hbm>>
    %dma_wait3A_261 = tpu.memref_squeeze %dma_wait3A_260 : memref<1x1x49152xf32, #tpu.memory_space<hbm>> -> memref<1x49152xf32, #tpu.memory_space<hbm>>
    tpu.wait_dma2 semaphore(%arg11 : memref<!tpu.dma_semaphore, #tpu.memory_space<semaphore_mem>>) src(%arg7 : memref<1x49152xf32, #tpu.memory_space<vmem>>) dst(%dma_wait3A_261 : memref<1x49152xf32, #tpu.memory_space<hbm>>)
    %dma_start3A_262 = arith.constant 9 : i32
    %dma_start3A_263 = arith.constant 0 : i32
    %dma_start3A_264 = tpu.memref_slice %arg5[%dma_start3A_262, %dma_start3A_263] : memref<25x8xi32, #tpu.memory_space<vmem>> -> memref<1x1xi32, #tpu.memory_space<vmem>>
    %dma_start3A_265 = tpu.memref_squeeze %dma_start3A_264 : memref<1x1xi32, #tpu.memory_space<vmem>> -> memref<1xi32, #tpu.memory_space<vmem>>
    %dma_start3A_266 = arith.constant 0 : i32
    %dma_start3A_267 = arith.constant 0 : i32
    %dma_start3A_268 = tpu.memref_slice %arg3[%dma_start3A_266, %dma_start3A_267] : memref<200x49152xf32, #tpu.memory_space<hbm>> -> memref<200x49152xf32, #tpu.memory_space<hbm>>
    tpu.enqueue_indirect_dma source(%dma_start3A_268 : memref<200x49152xf32, #tpu.memory_space<hbm>>) target(%arg7 : memref<1x49152xf32, #tpu.memory_space<vmem>>) offsets(%dma_start3A_265 : memref<1xi32, #tpu.memory_space<vmem>>) semaphore(%arg9 : memref<!tpu.dma_semaphore, #tpu.memory_space<semaphore_mem>>)
    %dma_wait3A_269 = arith.constant 8 : i32
    %dma_wait3A_270 = arith.constant 0 : i32
    %dma_wait3A_271 = tpu.memref_slice %arg5[%dma_wait3A_269, %dma_wait3A_270] : memref<25x8xi32, #tpu.memory_space<vmem>> -> memref<1x1xi32, #tpu.memory_space<vmem>>
    %dma_wait3A_272 = tpu.memref_squeeze %dma_wait3A_271 : memref<1x1xi32, #tpu.memory_space<vmem>> -> memref<1xi32, #tpu.memory_space<vmem>>
    %dma_wait3A_273 = arith.constant 0 : i32
    %dma_wait3A_274 = arith.constant 0 : i32
    %dma_wait3A_275 = tpu.memref_slice %arg3[%dma_wait3A_273, %dma_wait3A_274] : memref<200x49152xf32, #tpu.memory_space<hbm>> -> memref<200x49152xf32, #tpu.memory_space<hbm>>
    tpu.wait_indirect_dma semaphore(%arg8 : memref<!tpu.dma_semaphore, #tpu.memory_space<semaphore_mem>>) src(%dma_wait3A_275 : memref<200x49152xf32, #tpu.memory_space<hbm>>) dst(%arg6 : memref<1x49152xf32, #tpu.memory_space<vmem>>)
    %add3A_276 = arith.constant 8 : i32
    %add3A_277 = arith.addi %mul3A_32, %add3A_276 : i32
    %dma_start3A_278 = arith.constant 0 : i32
    %dma_start3A_279 = tpu.memref_slice %arg4[%add3A_277, %select_n3A, %dma_start3A_278] : memref<50x16x49152xf32, #tpu.memory_space<hbm>> -> memref<1x1x49152xf32, #tpu.memory_space<hbm>>
    %dma_start3A_280 = tpu.memref_squeeze %dma_start3A_279 : memref<1x1x49152xf32, #tpu.memory_space<hbm>> -> memref<1x49152xf32, #tpu.memory_space<hbm>>
    %dma_start3A_281 = arith.constant 0 : i32
    %dma_start3A_282 = tpu.memref_slice %arg4[%add3A_277, %select_n3A, %dma_start3A_281] : memref<50x16x49152xf32, #tpu.memory_space<hbm>> -> memref<1x1x49152xf32, #tpu.memory_space<hbm>>
    %dma_start3A_283 = tpu.memref_squeeze %dma_start3A_282 : memref<1x1x49152xf32, #tpu.memory_space<hbm>> -> memref<1x49152xf32, #tpu.memory_space<hbm>>
    tpu.enqueue_dma source(%arg6 : memref<1x49152xf32, #tpu.memory_space<vmem>>) target(%dma_start3A_283 : memref<1x49152xf32, #tpu.memory_space<hbm>>) target_semaphore(%arg10 : memref<!tpu.dma_semaphore, #tpu.memory_space<semaphore_mem>>)
    %dma_wait3A_284 = arith.constant 0 : i32
    %dma_wait3A_285 = tpu.memref_slice %arg4[%add3A_277, %select_n3A, %dma_wait3A_284] : memref<50x16x49152xf32, #tpu.memory_space<hbm>> -> memref<1x1x49152xf32, #tpu.memory_space<hbm>>
    %dma_wait3A_286 = tpu.memref_squeeze %dma_wait3A_285 : memref<1x1x49152xf32, #tpu.memory_space<hbm>> -> memref<1x49152xf32, #tpu.memory_space<hbm>>
    %dma_wait3A_287 = arith.constant 0 : i32
    %dma_wait3A_288 = tpu.memref_slice %arg4[%add3A_277, %select_n3A, %dma_wait3A_287] : memref<50x16x49152xf32, #tpu.memory_space<hbm>> -> memref<1x1x49152xf32, #tpu.memory_space<hbm>>
    %dma_wait3A_289 = tpu.memref_squeeze %dma_wait3A_288 : memref<1x1x49152xf32, #tpu.memory_space<hbm>> -> memref<1x49152xf32, #tpu.memory_space<hbm>>
    tpu.wait_dma2 semaphore(%arg10 : memref<!tpu.dma_semaphore, #tpu.memory_space<semaphore_mem>>) src(%arg6 : memref<1x49152xf32, #tpu.memory_space<vmem>>) dst(%dma_wait3A_289 : memref<1x49152xf32, #tpu.memory_space<hbm>>)
    %dma_start3A_290 = arith.constant 10 : i32
    %dma_start3A_291 = arith.constant 0 : i32
    %dma_start3A_292 = tpu.memref_slice %arg5[%dma_start3A_290, %dma_start3A_291] : memref<25x8xi32, #tpu.memory_space<vmem>> -> memref<1x1xi32, #tpu.memory_space<vmem>>
    %dma_start3A_293 = tpu.memref_squeeze %dma_start3A_292 : memref<1x1xi32, #tpu.memory_space<vmem>> -> memref<1xi32, #tpu.memory_space<vmem>>
    %dma_start3A_294 = arith.constant 0 : i32
    %dma_start3A_295 = arith.constant 0 : i32
    %dma_start3A_296 = tpu.memref_slice %arg3[%dma_start3A_294, %dma_start3A_295] : memref<200x49152xf32, #tpu.memory_space<hbm>> -> memref<200x49152xf32, #tpu.memory_space<hbm>>
    tpu.enqueue_indirect_dma source(%dma_start3A_296 : memref<200x49152xf32, #tpu.memory_space<hbm>>) target(%arg6 : memref<1x49152xf32, #tpu.memory_space<vmem>>) offsets(%dma_start3A_293 : memref<1xi32, #tpu.memory_space<vmem>>) semaphore(%arg8 : memref<!tpu.dma_semaphore, #tpu.memory_space<semaphore_mem>>)
    %dma_wait3A_297 = arith.constant 9 : i32
    %dma_wait3A_298 = arith.constant 0 : i32
    %dma_wait3A_299 = tpu.memref_slice %arg5[%dma_wait3A_297, %dma_wait3A_298] : memref<25x8xi32, #tpu.memory_space<vmem>> -> memref<1x1xi32, #tpu.memory_space<vmem>>
    %dma_wait3A_300 = tpu.memref_squeeze %dma_wait3A_299 : memref<1x1xi32, #tpu.memory_space<vmem>> -> memref<1xi32, #tpu.memory_space<vmem>>
    %dma_wait3A_301 = arith.constant 0 : i32
    %dma_wait3A_302 = arith.constant 0 : i32
    %dma_wait3A_303 = tpu.memref_slice %arg3[%dma_wait3A_301, %dma_wait3A_302] : memref<200x49152xf32, #tpu.memory_space<hbm>> -> memref<200x49152xf32, #tpu.memory_space<hbm>>
    tpu.wait_indirect_dma semaphore(%arg9 : memref<!tpu.dma_semaphore, #tpu.memory_space<semaphore_mem>>) src(%dma_wait3A_303 : memref<200x49152xf32, #tpu.memory_space<hbm>>) dst(%arg7 : memref<1x49152xf32, #tpu.memory_space<vmem>>)
    %add3A_304 = arith.constant 9 : i32
    %add3A_305 = arith.addi %mul3A_32, %add3A_304 : i32
    %dma_start3A_306 = arith.constant 0 : i32
    %dma_start3A_307 = tpu.memref_slice %arg4[%add3A_305, %select_n3A, %dma_start3A_306] : memref<50x16x49152xf32, #tpu.memory_space<hbm>> -> memref<1x1x49152xf32, #tpu.memory_space<hbm>>
    %dma_start3A_308 = tpu.memref_squeeze %dma_start3A_307 : memref<1x1x49152xf32, #tpu.memory_space<hbm>> -> memref<1x49152xf32, #tpu.memory_space<hbm>>
    %dma_start3A_309 = arith.constant 0 : i32
    %dma_start3A_310 = tpu.memref_slice %arg4[%add3A_305, %select_n3A, %dma_start3A_309] : memref<50x16x49152xf32, #tpu.memory_space<hbm>> -> memref<1x1x49152xf32, #tpu.memory_space<hbm>>
    %dma_start3A_311 = tpu.memref_squeeze %dma_start3A_310 : memref<1x1x49152xf32, #tpu.memory_space<hbm>> -> memref<1x49152xf32, #tpu.memory_space<hbm>>
    tpu.enqueue_dma source(%arg7 : memref<1x49152xf32, #tpu.memory_space<vmem>>) target(%dma_start3A_311 : memref<1x49152xf32, #tpu.memory_space<hbm>>) target_semaphore(%arg11 : memref<!tpu.dma_semaphore, #tpu.memory_space<semaphore_mem>>)
    %dma_wait3A_312 = arith.constant 0 : i32
    %dma_wait3A_313 = tpu.memref_slice %arg4[%add3A_305, %select_n3A, %dma_wait3A_312] : memref<50x16x49152xf32, #tpu.memory_space<hbm>> -> memref<1x1x49152xf32, #tpu.memory_space<hbm>>
    %dma_wait3A_314 = tpu.memref_squeeze %dma_wait3A_313 : memref<1x1x49152xf32, #tpu.memory_space<hbm>> -> memref<1x49152xf32, #tpu.memory_space<hbm>>
    %dma_wait3A_315 = arith.constant 0 : i32
    %dma_wait3A_316 = tpu.memref_slice %arg4[%add3A_305, %select_n3A, %dma_wait3A_315] : memref<50x16x49152xf32, #tpu.memory_space<hbm>> -> memref<1x1x49152xf32, #tpu.memory_space<hbm>>
    %dma_wait3A_317 = tpu.memref_squeeze %dma_wait3A_316 : memref<1x1x49152xf32, #tpu.memory_space<hbm>> -> memref<1x49152xf32, #tpu.memory_space<hbm>>
    tpu.wait_dma2 semaphore(%arg11 : memref<!tpu.dma_semaphore, #tpu.memory_space<semaphore_mem>>) src(%arg7 : memref<1x49152xf32, #tpu.memory_space<vmem>>) dst(%dma_wait3A_317 : memref<1x49152xf32, #tpu.memory_space<hbm>>)
    %dma_start3A_318 = arith.constant 11 : i32
    %dma_start3A_319 = arith.constant 0 : i32
    %dma_start3A_320 = tpu.memref_slice %arg5[%dma_start3A_318, %dma_start3A_319] : memref<25x8xi32, #tpu.memory_space<vmem>> -> memref<1x1xi32, #tpu.memory_space<vmem>>
    %dma_start3A_321 = tpu.memref_squeeze %dma_start3A_320 : memref<1x1xi32, #tpu.memory_space<vmem>> -> memref<1xi32, #tpu.memory_space<vmem>>
    %dma_start3A_322 = arith.constant 0 : i32
    %dma_start3A_323 = arith.constant 0 : i32
    %dma_start3A_324 = tpu.memref_slice %arg3[%dma_start3A_322, %dma_start3A_323] : memref<200x49152xf32, #tpu.memory_space<hbm>> -> memref<200x49152xf32, #tpu.memory_space<hbm>>
    tpu.enqueue_indirect_dma source(%dma_start3A_324 : memref<200x49152xf32, #tpu.memory_space<hbm>>) target(%arg7 : memref<1x49152xf32, #tpu.memory_space<vmem>>) offsets(%dma_start3A_321 : memref<1xi32, #tpu.memory_space<vmem>>) semaphore(%arg9 : memref<!tpu.dma_semaphore, #tpu.memory_space<semaphore_mem>>)
    %dma_wait3A_325 = arith.constant 10 : i32
    %dma_wait3A_326 = arith.constant 0 : i32
    %dma_wait3A_327 = tpu.memref_slice %arg5[%dma_wait3A_325, %dma_wait3A_326] : memref<25x8xi32, #tpu.memory_space<vmem>> -> memref<1x1xi32, #tpu.memory_space<vmem>>
    %dma_wait3A_328 = tpu.memref_squeeze %dma_wait3A_327 : memref<1x1xi32, #tpu.memory_space<vmem>> -> memref<1xi32, #tpu.memory_space<vmem>>
    %dma_wait3A_329 = arith.constant 0 : i32
    %dma_wait3A_330 = arith.constant 0 : i32
    %dma_wait3A_331 = tpu.memref_slice %arg3[%dma_wait3A_329, %dma_wait3A_330] : memref<200x49152xf32, #tpu.memory_space<hbm>> -> memref<200x49152xf32, #tpu.memory_space<hbm>>
    tpu.wait_indirect_dma semaphore(%arg8 : memref<!tpu.dma_semaphore, #tpu.memory_space<semaphore_mem>>) src(%dma_wait3A_331 : memref<200x49152xf32, #tpu.memory_space<hbm>>) dst(%arg6 : memref<1x49152xf32, #tpu.memory_space<vmem>>)
    %add3A_332 = arith.constant 10 : i32
    %add3A_333 = arith.addi %mul3A_32, %add3A_332 : i32
    %dma_start3A_334 = arith.constant 0 : i32
    %dma_start3A_335 = tpu.memref_slice %arg4[%add3A_333, %select_n3A, %dma_start3A_334] : memref<50x16x49152xf32, #tpu.memory_space<hbm>> -> memref<1x1x49152xf32, #tpu.memory_space<hbm>>
    %dma_start3A_336 = tpu.memref_squeeze %dma_start3A_335 : memref<1x1x49152xf32, #tpu.memory_space<hbm>> -> memref<1x49152xf32, #tpu.memory_space<hbm>>
    %dma_start3A_337 = arith.constant 0 : i32
    %dma_start3A_338 = tpu.memref_slice %arg4[%add3A_333, %select_n3A, %dma_start3A_337] : memref<50x16x49152xf32, #tpu.memory_space<hbm>> -> memref<1x1x49152xf32, #tpu.memory_space<hbm>>
    %dma_start3A_339 = tpu.memref_squeeze %dma_start3A_338 : memref<1x1x49152xf32, #tpu.memory_space<hbm>> -> memref<1x49152xf32, #tpu.memory_space<hbm>>
    tpu.enqueue_dma source(%arg6 : memref<1x49152xf32, #tpu.memory_space<vmem>>) target(%dma_start3A_339 : memref<1x49152xf32, #tpu.memory_space<hbm>>) target_semaphore(%arg10 : memref<!tpu.dma_semaphore, #tpu.memory_space<semaphore_mem>>)
    %dma_wait3A_340 = arith.constant 0 : i32
    %dma_wait3A_341 = tpu.memref_slice %arg4[%add3A_333, %select_n3A, %dma_wait3A_340] : memref<50x16x49152xf32, #tpu.memory_space<hbm>> -> memref<1x1x49152xf32, #tpu.memory_space<hbm>>
    %dma_wait3A_342 = tpu.memref_squeeze %dma_wait3A_341 : memref<1x1x49152xf32, #tpu.memory_space<hbm>> -> memref<1x49152xf32, #tpu.memory_space<hbm>>
    %dma_wait3A_343 = arith.constant 0 : i32
    %dma_wait3A_344 = tpu.memref_slice %arg4[%add3A_333, %select_n3A, %dma_wait3A_343] : memref<50x16x49152xf32, #tpu.memory_space<hbm>> -> memref<1x1x49152xf32, #tpu.memory_space<hbm>>
    %dma_wait3A_345 = tpu.memref_squeeze %dma_wait3A_344 : memref<1x1x49152xf32, #tpu.memory_space<hbm>> -> memref<1x49152xf32, #tpu.memory_space<hbm>>
    tpu.wait_dma2 semaphore(%arg10 : memref<!tpu.dma_semaphore, #tpu.memory_space<semaphore_mem>>) src(%arg6 : memref<1x49152xf32, #tpu.memory_space<vmem>>) dst(%dma_wait3A_345 : memref<1x49152xf32, #tpu.memory_space<hbm>>)
    %dma_start3A_346 = arith.constant 12 : i32
    %dma_start3A_347 = arith.constant 0 : i32
    %dma_start3A_348 = tpu.memref_slice %arg5[%dma_start3A_346, %dma_start3A_347] : memref<25x8xi32, #tpu.memory_space<vmem>> -> memref<1x1xi32, #tpu.memory_space<vmem>>
    %dma_start3A_349 = tpu.memref_squeeze %dma_start3A_348 : memref<1x1xi32, #tpu.memory_space<vmem>> -> memref<1xi32, #tpu.memory_space<vmem>>
    %dma_start3A_350 = arith.constant 0 : i32
    %dma_start3A_351 = arith.constant 0 : i32
    %dma_start3A_352 = tpu.memref_slice %arg3[%dma_start3A_350, %dma_start3A_351] : memref<200x49152xf32, #tpu.memory_space<hbm>> -> memref<200x49152xf32, #tpu.memory_space<hbm>>
    tpu.enqueue_indirect_dma source(%dma_start3A_352 : memref<200x49152xf32, #tpu.memory_space<hbm>>) target(%arg6 : memref<1x49152xf32, #tpu.memory_space<vmem>>) offsets(%dma_start3A_349 : memref<1xi32, #tpu.memory_space<vmem>>) semaphore(%arg8 : memref<!tpu.dma_semaphore, #tpu.memory_space<semaphore_mem>>)
    %dma_wait3A_353 = arith.constant 11 : i32
    %dma_wait3A_354 = arith.constant 0 : i32
    %dma_wait3A_355 = tpu.memref_slice %arg5[%dma_wait3A_353, %dma_wait3A_354] : memref<25x8xi32, #tpu.memory_space<vmem>> -> memref<1x1xi32, #tpu.memory_space<vmem>>
    %dma_wait3A_356 = tpu.memref_squeeze %dma_wait3A_355 : memref<1x1xi32, #tpu.memory_space<vmem>> -> memref<1xi32, #tpu.memory_space<vmem>>
    %dma_wait3A_357 = arith.constant 0 : i32
    %dma_wait3A_358 = arith.constant 0 : i32
    %dma_wait3A_359 = tpu.memref_slice %arg3[%dma_wait3A_357, %dma_wait3A_358] : memref<200x49152xf32, #tpu.memory_space<hbm>> -> memref<200x49152xf32, #tpu.memory_space<hbm>>
    tpu.wait_indirect_dma semaphore(%arg9 : memref<!tpu.dma_semaphore, #tpu.memory_space<semaphore_mem>>) src(%dma_wait3A_359 : memref<200x49152xf32, #tpu.memory_space<hbm>>) dst(%arg7 : memref<1x49152xf32, #tpu.memory_space<vmem>>)
    %add3A_360 = arith.constant 11 : i32
    %add3A_361 = arith.addi %mul3A_32, %add3A_360 : i32
    %dma_start3A_362 = arith.constant 0 : i32
    %dma_start3A_363 = tpu.memref_slice %arg4[%add3A_361, %select_n3A, %dma_start3A_362] : memref<50x16x49152xf32, #tpu.memory_space<hbm>> -> memref<1x1x49152xf32, #tpu.memory_space<hbm>>
    %dma_start3A_364 = tpu.memref_squeeze %dma_start3A_363 : memref<1x1x49152xf32, #tpu.memory_space<hbm>> -> memref<1x49152xf32, #tpu.memory_space<hbm>>
    %dma_start3A_365 = arith.constant 0 : i32
    %dma_start3A_366 = tpu.memref_slice %arg4[%add3A_361, %select_n3A, %dma_start3A_365] : memref<50x16x49152xf32, #tpu.memory_space<hbm>> -> memref<1x1x49152xf32, #tpu.memory_space<hbm>>
    %dma_start3A_367 = tpu.memref_squeeze %dma_start3A_366 : memref<1x1x49152xf32, #tpu.memory_space<hbm>> -> memref<1x49152xf32, #tpu.memory_space<hbm>>
    tpu.enqueue_dma source(%arg7 : memref<1x49152xf32, #tpu.memory_space<vmem>>) target(%dma_start3A_367 : memref<1x49152xf32, #tpu.memory_space<hbm>>) target_semaphore(%arg11 : memref<!tpu.dma_semaphore, #tpu.memory_space<semaphore_mem>>)
    %dma_wait3A_368 = arith.constant 0 : i32
    %dma_wait3A_369 = tpu.memref_slice %arg4[%add3A_361, %select_n3A, %dma_wait3A_368] : memref<50x16x49152xf32, #tpu.memory_space<hbm>> -> memref<1x1x49152xf32, #tpu.memory_space<hbm>>
    %dma_wait3A_370 = tpu.memref_squeeze %dma_wait3A_369 : memref<1x1x49152xf32, #tpu.memory_space<hbm>> -> memref<1x49152xf32, #tpu.memory_space<hbm>>
    %dma_wait3A_371 = arith.constant 0 : i32
    %dma_wait3A_372 = tpu.memref_slice %arg4[%add3A_361, %select_n3A, %dma_wait3A_371] : memref<50x16x49152xf32, #tpu.memory_space<hbm>> -> memref<1x1x49152xf32, #tpu.memory_space<hbm>>
    %dma_wait3A_373 = tpu.memref_squeeze %dma_wait3A_372 : memref<1x1x49152xf32, #tpu.memory_space<hbm>> -> memref<1x49152xf32, #tpu.memory_space<hbm>>
    tpu.wait_dma2 semaphore(%arg11 : memref<!tpu.dma_semaphore, #tpu.memory_space<semaphore_mem>>) src(%arg7 : memref<1x49152xf32, #tpu.memory_space<vmem>>) dst(%dma_wait3A_373 : memref<1x49152xf32, #tpu.memory_space<hbm>>)
    %dma_start3A_374 = arith.constant 13 : i32
    %dma_start3A_375 = arith.constant 0 : i32
    %dma_start3A_376 = tpu.memref_slice %arg5[%dma_start3A_374, %dma_start3A_375] : memref<25x8xi32, #tpu.memory_space<vmem>> -> memref<1x1xi32, #tpu.memory_space<vmem>>
    %dma_start3A_377 = tpu.memref_squeeze %dma_start3A_376 : memref<1x1xi32, #tpu.memory_space<vmem>> -> memref<1xi32, #tpu.memory_space<vmem>>
    %dma_start3A_378 = arith.constant 0 : i32
    %dma_start3A_379 = arith.constant 0 : i32
    %dma_start3A_380 = tpu.memref_slice %arg3[%dma_start3A_378, %dma_start3A_379] : memref<200x49152xf32, #tpu.memory_space<hbm>> -> memref<200x49152xf32, #tpu.memory_space<hbm>>
    tpu.enqueue_indirect_dma source(%dma_start3A_380 : memref<200x49152xf32, #tpu.memory_space<hbm>>) target(%arg7 : memref<1x49152xf32, #tpu.memory_space<vmem>>) offsets(%dma_start3A_377 : memref<1xi32, #tpu.memory_space<vmem>>) semaphore(%arg9 : memref<!tpu.dma_semaphore, #tpu.memory_space<semaphore_mem>>)
    %dma_wait3A_381 = arith.constant 12 : i32
    %dma_wait3A_382 = arith.constant 0 : i32
    %dma_wait3A_383 = tpu.memref_slice %arg5[%dma_wait3A_381, %dma_wait3A_382] : memref<25x8xi32, #tpu.memory_space<vmem>> -> memref<1x1xi32, #tpu.memory_space<vmem>>
    %dma_wait3A_384 = tpu.memref_squeeze %dma_wait3A_383 : memref<1x1xi32, #tpu.memory_space<vmem>> -> memref<1xi32, #tpu.memory_space<vmem>>
    %dma_wait3A_385 = arith.constant 0 : i32
    %dma_wait3A_386 = arith.constant 0 : i32
    %dma_wait3A_387 = tpu.memref_slice %arg3[%dma_wait3A_385, %dma_wait3A_386] : memref<200x49152xf32, #tpu.memory_space<hbm>> -> memref<200x49152xf32, #tpu.memory_space<hbm>>
    tpu.wait_indirect_dma semaphore(%arg8 : memref<!tpu.dma_semaphore, #tpu.memory_space<semaphore_mem>>) src(%dma_wait3A_387 : memref<200x49152xf32, #tpu.memory_space<hbm>>) dst(%arg6 : memref<1x49152xf32, #tpu.memory_space<vmem>>)
    %add3A_388 = arith.constant 12 : i32
    %add3A_389 = arith.addi %mul3A_32, %add3A_388 : i32
    %dma_start3A_390 = arith.constant 0 : i32
    %dma_start3A_391 = tpu.memref_slice %arg4[%add3A_389, %select_n3A, %dma_start3A_390] : memref<50x16x49152xf32, #tpu.memory_space<hbm>> -> memref<1x1x49152xf32, #tpu.memory_space<hbm>>
    %dma_start3A_392 = tpu.memref_squeeze %dma_start3A_391 : memref<1x1x49152xf32, #tpu.memory_space<hbm>> -> memref<1x49152xf32, #tpu.memory_space<hbm>>
    %dma_start3A_393 = arith.constant 0 : i32
    %dma_start3A_394 = tpu.memref_slice %arg4[%add3A_389, %select_n3A, %dma_start3A_393] : memref<50x16x49152xf32, #tpu.memory_space<hbm>> -> memref<1x1x49152xf32, #tpu.memory_space<hbm>>
    %dma_start3A_395 = tpu.memref_squeeze %dma_start3A_394 : memref<1x1x49152xf32, #tpu.memory_space<hbm>> -> memref<1x49152xf32, #tpu.memory_space<hbm>>
    tpu.enqueue_dma source(%arg6 : memref<1x49152xf32, #tpu.memory_space<vmem>>) target(%dma_start3A_395 : memref<1x49152xf32, #tpu.memory_space<hbm>>) target_semaphore(%arg10 : memref<!tpu.dma_semaphore, #tpu.memory_space<semaphore_mem>>)
    %dma_wait3A_396 = arith.constant 0 : i32
    %dma_wait3A_397 = tpu.memref_slice %arg4[%add3A_389, %select_n3A, %dma_wait3A_396] : memref<50x16x49152xf32, #tpu.memory_space<hbm>> -> memref<1x1x49152xf32, #tpu.memory_space<hbm>>
    %dma_wait3A_398 = tpu.memref_squeeze %dma_wait3A_397 : memref<1x1x49152xf32, #tpu.memory_space<hbm>> -> memref<1x49152xf32, #tpu.memory_space<hbm>>
    %dma_wait3A_399 = arith.constant 0 : i32
    %dma_wait3A_400 = tpu.memref_slice %arg4[%add3A_389, %select_n3A, %dma_wait3A_399] : memref<50x16x49152xf32, #tpu.memory_space<hbm>> -> memref<1x1x49152xf32, #tpu.memory_space<hbm>>
    %dma_wait3A_401 = tpu.memref_squeeze %dma_wait3A_400 : memref<1x1x49152xf32, #tpu.memory_space<hbm>> -> memref<1x49152xf32, #tpu.memory_space<hbm>>
    tpu.wait_dma2 semaphore(%arg10 : memref<!tpu.dma_semaphore, #tpu.memory_space<semaphore_mem>>) src(%arg6 : memref<1x49152xf32, #tpu.memory_space<vmem>>) dst(%dma_wait3A_401 : memref<1x49152xf32, #tpu.memory_space<hbm>>)
    %dma_start3A_402 = arith.constant 14 : i32
    %dma_start3A_403 = arith.constant 0 : i32
    %dma_start3A_404 = tpu.memref_slice %arg5[%dma_start3A_402, %dma_start3A_403] : memref<25x8xi32, #tpu.memory_space<vmem>> -> memref<1x1xi32, #tpu.memory_space<vmem>>
    %dma_start3A_405 = tpu.memref_squeeze %dma_start3A_404 : memref<1x1xi32, #tpu.memory_space<vmem>> -> memref<1xi32, #tpu.memory_space<vmem>>
    %dma_start3A_406 = arith.constant 0 : i32
    %dma_start3A_407 = arith.constant 0 : i32
    %dma_start3A_408 = tpu.memref_slice %arg3[%dma_start3A_406, %dma_start3A_407] : memref<200x49152xf32, #tpu.memory_space<hbm>> -> memref<200x49152xf32, #tpu.memory_space<hbm>>
    tpu.enqueue_indirect_dma source(%dma_start3A_408 : memref<200x49152xf32, #tpu.memory_space<hbm>>) target(%arg6 : memref<1x49152xf32, #tpu.memory_space<vmem>>) offsets(%dma_start3A_405 : memref<1xi32, #tpu.memory_space<vmem>>) semaphore(%arg8 : memref<!tpu.dma_semaphore, #tpu.memory_space<semaphore_mem>>)
    %dma_wait3A_409 = arith.constant 13 : i32
    %dma_wait3A_410 = arith.constant 0 : i32
    %dma_wait3A_411 = tpu.memref_slice %arg5[%dma_wait3A_409, %dma_wait3A_410] : memref<25x8xi32, #tpu.memory_space<vmem>> -> memref<1x1xi32, #tpu.memory_space<vmem>>
    %dma_wait3A_412 = tpu.memref_squeeze %dma_wait3A_411 : memref<1x1xi32, #tpu.memory_space<vmem>> -> memref<1xi32, #tpu.memory_space<vmem>>
    %dma_wait3A_413 = arith.constant 0 : i32
    %dma_wait3A_414 = arith.constant 0 : i32
    %dma_wait3A_415 = tpu.memref_slice %arg3[%dma_wait3A_413, %dma_wait3A_414] : memref<200x49152xf32, #tpu.memory_space<hbm>> -> memref<200x49152xf32, #tpu.memory_space<hbm>>
    tpu.wait_indirect_dma semaphore(%arg9 : memref<!tpu.dma_semaphore, #tpu.memory_space<semaphore_mem>>) src(%dma_wait3A_415 : memref<200x49152xf32, #tpu.memory_space<hbm>>) dst(%arg7 : memref<1x49152xf32, #tpu.memory_space<vmem>>)
    %add3A_416 = arith.constant 13 : i32
    %add3A_417 = arith.addi %mul3A_32, %add3A_416 : i32
    %dma_start3A_418 = arith.constant 0 : i32
    %dma_start3A_419 = tpu.memref_slice %arg4[%add3A_417, %select_n3A, %dma_start3A_418] : memref<50x16x49152xf32, #tpu.memory_space<hbm>> -> memref<1x1x49152xf32, #tpu.memory_space<hbm>>
    %dma_start3A_420 = tpu.memref_squeeze %dma_start3A_419 : memref<1x1x49152xf32, #tpu.memory_space<hbm>> -> memref<1x49152xf32, #tpu.memory_space<hbm>>
    %dma_start3A_421 = arith.constant 0 : i32
    %dma_start3A_422 = tpu.memref_slice %arg4[%add3A_417, %select_n3A, %dma_start3A_421] : memref<50x16x49152xf32, #tpu.memory_space<hbm>> -> memref<1x1x49152xf32, #tpu.memory_space<hbm>>
    %dma_start3A_423 = tpu.memref_squeeze %dma_start3A_422 : memref<1x1x49152xf32, #tpu.memory_space<hbm>> -> memref<1x49152xf32, #tpu.memory_space<hbm>>
    tpu.enqueue_dma source(%arg7 : memref<1x49152xf32, #tpu.memory_space<vmem>>) target(%dma_start3A_423 : memref<1x49152xf32, #tpu.memory_space<hbm>>) target_semaphore(%arg11 : memref<!tpu.dma_semaphore, #tpu.memory_space<semaphore_mem>>)
    %dma_wait3A_424 = arith.constant 0 : i32
    %dma_wait3A_425 = tpu.memref_slice %arg4[%add3A_417, %select_n3A, %dma_wait3A_424] : memref<50x16x49152xf32, #tpu.memory_space<hbm>> -> memref<1x1x49152xf32, #tpu.memory_space<hbm>>
    %dma_wait3A_426 = tpu.memref_squeeze %dma_wait3A_425 : memref<1x1x49152xf32, #tpu.memory_space<hbm>> -> memref<1x49152xf32, #tpu.memory_space<hbm>>
    %dma_wait3A_427 = arith.constant 0 : i32
    %dma_wait3A_428 = tpu.memref_slice %arg4[%add3A_417, %select_n3A, %dma_wait3A_427] : memref<50x16x49152xf32, #tpu.memory_space<hbm>> -> memref<1x1x49152xf32, #tpu.memory_space<hbm>>
    %dma_wait3A_429 = tpu.memref_squeeze %dma_wait3A_428 : memref<1x1x49152xf32, #tpu.memory_space<hbm>> -> memref<1x49152xf32, #tpu.memory_space<hbm>>
    tpu.wait_dma2 semaphore(%arg11 : memref<!tpu.dma_semaphore, #tpu.memory_space<semaphore_mem>>) src(%arg7 : memref<1x49152xf32, #tpu.memory_space<vmem>>) dst(%dma_wait3A_429 : memref<1x49152xf32, #tpu.memory_space<hbm>>)
    %dma_start3A_430 = arith.constant 15 : i32
    %dma_start3A_431 = arith.constant 0 : i32
    %dma_start3A_432 = tpu.memref_slice %arg5[%dma_start3A_430, %dma_start3A_431] : memref<25x8xi32, #tpu.memory_space<vmem>> -> memref<1x1xi32, #tpu.memory_space<vmem>>
    %dma_start3A_433 = tpu.memref_squeeze %dma_start3A_432 : memref<1x1xi32, #tpu.memory_space<vmem>> -> memref<1xi32, #tpu.memory_space<vmem>>
    %dma_start3A_434 = arith.constant 0 : i32
    %dma_start3A_435 = arith.constant 0 : i32
    %dma_start3A_436 = tpu.memref_slice %arg3[%dma_start3A_434, %dma_start3A_435] : memref<200x49152xf32, #tpu.memory_space<hbm>> -> memref<200x49152xf32, #tpu.memory_space<hbm>>
    tpu.enqueue_indirect_dma source(%dma_start3A_436 : memref<200x49152xf32, #tpu.memory_space<hbm>>) target(%arg7 : memref<1x49152xf32, #tpu.memory_space<vmem>>) offsets(%dma_start3A_433 : memref<1xi32, #tpu.memory_space<vmem>>) semaphore(%arg9 : memref<!tpu.dma_semaphore, #tpu.memory_space<semaphore_mem>>)
    %dma_wait3A_437 = arith.constant 14 : i32
    %dma_wait3A_438 = arith.constant 0 : i32
    %dma_wait3A_439 = tpu.memref_slice %arg5[%dma_wait3A_437, %dma_wait3A_438] : memref<25x8xi32, #tpu.memory_space<vmem>> -> memref<1x1xi32, #tpu.memory_space<vmem>>
    %dma_wait3A_440 = tpu.memref_squeeze %dma_wait3A_439 : memref<1x1xi32, #tpu.memory_space<vmem>> -> memref<1xi32, #tpu.memory_space<vmem>>
    %dma_wait3A_441 = arith.constant 0 : i32
    %dma_wait3A_442 = arith.constant 0 : i32
    %dma_wait3A_443 = tpu.memref_slice %arg3[%dma_wait3A_441, %dma_wait3A_442] : memref<200x49152xf32, #tpu.memory_space<hbm>> -> memref<200x49152xf32, #tpu.memory_space<hbm>>
    tpu.wait_indirect_dma semaphore(%arg8 : memref<!tpu.dma_semaphore, #tpu.memory_space<semaphore_mem>>) src(%dma_wait3A_443 : memref<200x49152xf32, #tpu.memory_space<hbm>>) dst(%arg6 : memref<1x49152xf32, #tpu.memory_space<vmem>>)
    %add3A_444 = arith.constant 14 : i32
    %add3A_445 = arith.addi %mul3A_32, %add3A_444 : i32
    %dma_start3A_446 = arith.constant 0 : i32
    %dma_start3A_447 = tpu.memref_slice %arg4[%add3A_445, %select_n3A, %dma_start3A_446] : memref<50x16x49152xf32, #tpu.memory_space<hbm>> -> memref<1x1x49152xf32, #tpu.memory_space<hbm>>
    %dma_start3A_448 = tpu.memref_squeeze %dma_start3A_447 : memref<1x1x49152xf32, #tpu.memory_space<hbm>> -> memref<1x49152xf32, #tpu.memory_space<hbm>>
    %dma_start3A_449 = arith.constant 0 : i32
    %dma_start3A_450 = tpu.memref_slice %arg4[%add3A_445, %select_n3A, %dma_start3A_449] : memref<50x16x49152xf32, #tpu.memory_space<hbm>> -> memref<1x1x49152xf32, #tpu.memory_space<hbm>>
    %dma_start3A_451 = tpu.memref_squeeze %dma_start3A_450 : memref<1x1x49152xf32, #tpu.memory_space<hbm>> -> memref<1x49152xf32, #tpu.memory_space<hbm>>
    tpu.enqueue_dma source(%arg6 : memref<1x49152xf32, #tpu.memory_space<vmem>>) target(%dma_start3A_451 : memref<1x49152xf32, #tpu.memory_space<hbm>>) target_semaphore(%arg10 : memref<!tpu.dma_semaphore, #tpu.memory_space<semaphore_mem>>)
    %dma_wait3A_452 = arith.constant 0 : i32
    %dma_wait3A_453 = tpu.memref_slice %arg4[%add3A_445, %select_n3A, %dma_wait3A_452] : memref<50x16x49152xf32, #tpu.memory_space<hbm>> -> memref<1x1x49152xf32, #tpu.memory_space<hbm>>
    %dma_wait3A_454 = tpu.memref_squeeze %dma_wait3A_453 : memref<1x1x49152xf32, #tpu.memory_space<hbm>> -> memref<1x49152xf32, #tpu.memory_space<hbm>>
    %dma_wait3A_455 = arith.constant 0 : i32
    %dma_wait3A_456 = tpu.memref_slice %arg4[%add3A_445, %select_n3A, %dma_wait3A_455] : memref<50x16x49152xf32, #tpu.memory_space<hbm>> -> memref<1x1x49152xf32, #tpu.memory_space<hbm>>
    %dma_wait3A_457 = tpu.memref_squeeze %dma_wait3A_456 : memref<1x1x49152xf32, #tpu.memory_space<hbm>> -> memref<1x49152xf32, #tpu.memory_space<hbm>>
    tpu.wait_dma2 semaphore(%arg10 : memref<!tpu.dma_semaphore, #tpu.memory_space<semaphore_mem>>) src(%arg6 : memref<1x49152xf32, #tpu.memory_space<vmem>>) dst(%dma_wait3A_457 : memref<1x49152xf32, #tpu.memory_space<hbm>>)
    %dma_start3A_458 = arith.constant 16 : i32
    %dma_start3A_459 = arith.constant 0 : i32
    %dma_start3A_460 = tpu.memref_slice %arg5[%dma_start3A_458, %dma_start3A_459] : memref<25x8xi32, #tpu.memory_space<vmem>> -> memref<1x1xi32, #tpu.memory_space<vmem>>
    %dma_start3A_461 = tpu.memref_squeeze %dma_start3A_460 : memref<1x1xi32, #tpu.memory_space<vmem>> -> memref<1xi32, #tpu.memory_space<vmem>>
    %dma_start3A_462 = arith.constant 0 : i32
    %dma_start3A_463 = arith.constant 0 : i32
    %dma_start3A_464 = tpu.memref_slice %arg3[%dma_start3A_462, %dma_start3A_463] : memref<200x49152xf32, #tpu.memory_space<hbm>> -> memref<200x49152xf32, #tpu.memory_space<hbm>>
    tpu.enqueue_indirect_dma source(%dma_start3A_464 : memref<200x49152xf32, #tpu.memory_space<hbm>>) target(%arg6 : memref<1x49152xf32, #tpu.memory_space<vmem>>) offsets(%dma_start3A_461 : memref<1xi32, #tpu.memory_space<vmem>>) semaphore(%arg8 : memref<!tpu.dma_semaphore, #tpu.memory_space<semaphore_mem>>)
    %dma_wait3A_465 = arith.constant 15 : i32
    %dma_wait3A_466 = arith.constant 0 : i32
    %dma_wait3A_467 = tpu.memref_slice %arg5[%dma_wait3A_465, %dma_wait3A_466] : memref<25x8xi32, #tpu.memory_space<vmem>> -> memref<1x1xi32, #tpu.memory_space<vmem>>
    %dma_wait3A_468 = tpu.memref_squeeze %dma_wait3A_467 : memref<1x1xi32, #tpu.memory_space<vmem>> -> memref<1xi32, #tpu.memory_space<vmem>>
    %dma_wait3A_469 = arith.constant 0 : i32
    %dma_wait3A_470 = arith.constant 0 : i32
    %dma_wait3A_471 = tpu.memref_slice %arg3[%dma_wait3A_469, %dma_wait3A_470] : memref<200x49152xf32, #tpu.memory_space<hbm>> -> memref<200x49152xf32, #tpu.memory_space<hbm>>
    tpu.wait_indirect_dma semaphore(%arg9 : memref<!tpu.dma_semaphore, #tpu.memory_space<semaphore_mem>>) src(%dma_wait3A_471 : memref<200x49152xf32, #tpu.memory_space<hbm>>) dst(%arg7 : memref<1x49152xf32, #tpu.memory_space<vmem>>)
    %add3A_472 = arith.constant 15 : i32
    %add3A_473 = arith.addi %mul3A_32, %add3A_472 : i32
    %dma_start3A_474 = arith.constant 0 : i32
    %dma_start3A_475 = tpu.memref_slice %arg4[%add3A_473, %select_n3A, %dma_start3A_474] : memref<50x16x49152xf32, #tpu.memory_space<hbm>> -> memref<1x1x49152xf32, #tpu.memory_space<hbm>>
    %dma_start3A_476 = tpu.memref_squeeze %dma_start3A_475 : memref<1x1x49152xf32, #tpu.memory_space<hbm>> -> memref<1x49152xf32, #tpu.memory_space<hbm>>
    %dma_start3A_477 = arith.constant 0 : i32
    %dma_start3A_478 = tpu.memref_slice %arg4[%add3A_473, %select_n3A, %dma_start3A_477] : memref<50x16x49152xf32, #tpu.memory_space<hbm>> -> memref<1x1x49152xf32, #tpu.memory_space<hbm>>
    %dma_start3A_479 = tpu.memref_squeeze %dma_start3A_478 : memref<1x1x49152xf32, #tpu.memory_space<hbm>> -> memref<1x49152xf32, #tpu.memory_space<hbm>>
    tpu.enqueue_dma source(%arg7 : memref<1x49152xf32, #tpu.memory_space<vmem>>) target(%dma_start3A_479 : memref<1x49152xf32, #tpu.memory_space<hbm>>) target_semaphore(%arg11 : memref<!tpu.dma_semaphore, #tpu.memory_space<semaphore_mem>>)
    %dma_wait3A_480 = arith.constant 0 : i32
    %dma_wait3A_481 = tpu.memref_slice %arg4[%add3A_473, %select_n3A, %dma_wait3A_480] : memref<50x16x49152xf32, #tpu.memory_space<hbm>> -> memref<1x1x49152xf32, #tpu.memory_space<hbm>>
    %dma_wait3A_482 = tpu.memref_squeeze %dma_wait3A_481 : memref<1x1x49152xf32, #tpu.memory_space<hbm>> -> memref<1x49152xf32, #tpu.memory_space<hbm>>
    %dma_wait3A_483 = arith.constant 0 : i32
    %dma_wait3A_484 = tpu.memref_slice %arg4[%add3A_473, %select_n3A, %dma_wait3A_483] : memref<50x16x49152xf32, #tpu.memory_space<hbm>> -> memref<1x1x49152xf32, #tpu.memory_space<hbm>>
    %dma_wait3A_485 = tpu.memref_squeeze %dma_wait3A_484 : memref<1x1x49152xf32, #tpu.memory_space<hbm>> -> memref<1x49152xf32, #tpu.memory_space<hbm>>
    tpu.wait_dma2 semaphore(%arg11 : memref<!tpu.dma_semaphore, #tpu.memory_space<semaphore_mem>>) src(%arg7 : memref<1x49152xf32, #tpu.memory_space<vmem>>) dst(%dma_wait3A_485 : memref<1x49152xf32, #tpu.memory_space<hbm>>)
    %dma_start3A_486 = arith.constant 17 : i32
    %dma_start3A_487 = arith.constant 0 : i32
    %dma_start3A_488 = tpu.memref_slice %arg5[%dma_start3A_486, %dma_start3A_487] : memref<25x8xi32, #tpu.memory_space<vmem>> -> memref<1x1xi32, #tpu.memory_space<vmem>>
    %dma_start3A_489 = tpu.memref_squeeze %dma_start3A_488 : memref<1x1xi32, #tpu.memory_space<vmem>> -> memref<1xi32, #tpu.memory_space<vmem>>
    %dma_start3A_490 = arith.constant 0 : i32
    %dma_start3A_491 = arith.constant 0 : i32
    %dma_start3A_492 = tpu.memref_slice %arg3[%dma_start3A_490, %dma_start3A_491] : memref<200x49152xf32, #tpu.memory_space<hbm>> -> memref<200x49152xf32, #tpu.memory_space<hbm>>
    tpu.enqueue_indirect_dma source(%dma_start3A_492 : memref<200x49152xf32, #tpu.memory_space<hbm>>) target(%arg7 : memref<1x49152xf32, #tpu.memory_space<vmem>>) offsets(%dma_start3A_489 : memref<1xi32, #tpu.memory_space<vmem>>) semaphore(%arg9 : memref<!tpu.dma_semaphore, #tpu.memory_space<semaphore_mem>>)
    %dma_wait3A_493 = arith.constant 16 : i32
    %dma_wait3A_494 = arith.constant 0 : i32
    %dma_wait3A_495 = tpu.memref_slice %arg5[%dma_wait3A_493, %dma_wait3A_494] : memref<25x8xi32, #tpu.memory_space<vmem>> -> memref<1x1xi32, #tpu.memory_space<vmem>>
    %dma_wait3A_496 = tpu.memref_squeeze %dma_wait3A_495 : memref<1x1xi32, #tpu.memory_space<vmem>> -> memref<1xi32, #tpu.memory_space<vmem>>
    %dma_wait3A_497 = arith.constant 0 : i32
    %dma_wait3A_498 = arith.constant 0 : i32
    %dma_wait3A_499 = tpu.memref_slice %arg3[%dma_wait3A_497, %dma_wait3A_498] : memref<200x49152xf32, #tpu.memory_space<hbm>> -> memref<200x49152xf32, #tpu.memory_space<hbm>>
    tpu.wait_indirect_dma semaphore(%arg8 : memref<!tpu.dma_semaphore, #tpu.memory_space<semaphore_mem>>) src(%dma_wait3A_499 : memref<200x49152xf32, #tpu.memory_space<hbm>>) dst(%arg6 : memref<1x49152xf32, #tpu.memory_space<vmem>>)
    %add3A_500 = arith.constant 16 : i32
    %add3A_501 = arith.addi %mul3A_32, %add3A_500 : i32
    %dma_start3A_502 = arith.constant 0 : i32
    %dma_start3A_503 = tpu.memref_slice %arg4[%add3A_501, %select_n3A, %dma_start3A_502] : memref<50x16x49152xf32, #tpu.memory_space<hbm>> -> memref<1x1x49152xf32, #tpu.memory_space<hbm>>
    %dma_start3A_504 = tpu.memref_squeeze %dma_start3A_503 : memref<1x1x49152xf32, #tpu.memory_space<hbm>> -> memref<1x49152xf32, #tpu.memory_space<hbm>>
    %dma_start3A_505 = arith.constant 0 : i32
    %dma_start3A_506 = tpu.memref_slice %arg4[%add3A_501, %select_n3A, %dma_start3A_505] : memref<50x16x49152xf32, #tpu.memory_space<hbm>> -> memref<1x1x49152xf32, #tpu.memory_space<hbm>>
    %dma_start3A_507 = tpu.memref_squeeze %dma_start3A_506 : memref<1x1x49152xf32, #tpu.memory_space<hbm>> -> memref<1x49152xf32, #tpu.memory_space<hbm>>
    tpu.enqueue_dma source(%arg6 : memref<1x49152xf32, #tpu.memory_space<vmem>>) target(%dma_start3A_507 : memref<1x49152xf32, #tpu.memory_space<hbm>>) target_semaphore(%arg10 : memref<!tpu.dma_semaphore, #tpu.memory_space<semaphore_mem>>)
    %dma_wait3A_508 = arith.constant 0 : i32
    %dma_wait3A_509 = tpu.memref_slice %arg4[%add3A_501, %select_n3A, %dma_wait3A_508] : memref<50x16x49152xf32, #tpu.memory_space<hbm>> -> memref<1x1x49152xf32, #tpu.memory_space<hbm>>
    %dma_wait3A_510 = tpu.memref_squeeze %dma_wait3A_509 : memref<1x1x49152xf32, #tpu.memory_space<hbm>> -> memref<1x49152xf32, #tpu.memory_space<hbm>>
    %dma_wait3A_511 = arith.constant 0 : i32
    %dma_wait3A_512 = tpu.memref_slice %arg4[%add3A_501, %select_n3A, %dma_wait3A_511] : memref<50x16x49152xf32, #tpu.memory_space<hbm>> -> memref<1x1x49152xf32, #tpu.memory_space<hbm>>
    %dma_wait3A_513 = tpu.memref_squeeze %dma_wait3A_512 : memref<1x1x49152xf32, #tpu.memory_space<hbm>> -> memref<1x49152xf32, #tpu.memory_space<hbm>>
    tpu.wait_dma2 semaphore(%arg10 : memref<!tpu.dma_semaphore, #tpu.memory_space<semaphore_mem>>) src(%arg6 : memref<1x49152xf32, #tpu.memory_space<vmem>>) dst(%dma_wait3A_513 : memref<1x49152xf32, #tpu.memory_space<hbm>>)
    %dma_start3A_514 = arith.constant 18 : i32
    %dma_start3A_515 = arith.constant 0 : i32
    %dma_start3A_516 = tpu.memref_slice %arg5[%dma_start3A_514, %dma_start3A_515] : memref<25x8xi32, #tpu.memory_space<vmem>> -> memref<1x1xi32, #tpu.memory_space<vmem>>
    %dma_start3A_517 = tpu.memref_squeeze %dma_start3A_516 : memref<1x1xi32, #tpu.memory_space<vmem>> -> memref<1xi32, #tpu.memory_space<vmem>>
    %dma_start3A_518 = arith.constant 0 : i32
    %dma_start3A_519 = arith.constant 0 : i32
    %dma_start3A_520 = tpu.memref_slice %arg3[%dma_start3A_518, %dma_start3A_519] : memref<200x49152xf32, #tpu.memory_space<hbm>> -> memref<200x49152xf32, #tpu.memory_space<hbm>>
    tpu.enqueue_indirect_dma source(%dma_start3A_520 : memref<200x49152xf32, #tpu.memory_space<hbm>>) target(%arg6 : memref<1x49152xf32, #tpu.memory_space<vmem>>) offsets(%dma_start3A_517 : memref<1xi32, #tpu.memory_space<vmem>>) semaphore(%arg8 : memref<!tpu.dma_semaphore, #tpu.memory_space<semaphore_mem>>)
    %dma_wait3A_521 = arith.constant 17 : i32
    %dma_wait3A_522 = arith.constant 0 : i32
    %dma_wait3A_523 = tpu.memref_slice %arg5[%dma_wait3A_521, %dma_wait3A_522] : memref<25x8xi32, #tpu.memory_space<vmem>> -> memref<1x1xi32, #tpu.memory_space<vmem>>
    %dma_wait3A_524 = tpu.memref_squeeze %dma_wait3A_523 : memref<1x1xi32, #tpu.memory_space<vmem>> -> memref<1xi32, #tpu.memory_space<vmem>>
    %dma_wait3A_525 = arith.constant 0 : i32
    %dma_wait3A_526 = arith.constant 0 : i32
    %dma_wait3A_527 = tpu.memref_slice %arg3[%dma_wait3A_525, %dma_wait3A_526] : memref<200x49152xf32, #tpu.memory_space<hbm>> -> memref<200x49152xf32, #tpu.memory_space<hbm>>
    tpu.wait_indirect_dma semaphore(%arg9 : memref<!tpu.dma_semaphore, #tpu.memory_space<semaphore_mem>>) src(%dma_wait3A_527 : memref<200x49152xf32, #tpu.memory_space<hbm>>) dst(%arg7 : memref<1x49152xf32, #tpu.memory_space<vmem>>)
    %add3A_528 = arith.constant 17 : i32
    %add3A_529 = arith.addi %mul3A_32, %add3A_528 : i32
    %dma_start3A_530 = arith.constant 0 : i32
    %dma_start3A_531 = tpu.memref_slice %arg4[%add3A_529, %select_n3A, %dma_start3A_530] : memref<50x16x49152xf32, #tpu.memory_space<hbm>> -> memref<1x1x49152xf32, #tpu.memory_space<hbm>>
    %dma_start3A_532 = tpu.memref_squeeze %dma_start3A_531 : memref<1x1x49152xf32, #tpu.memory_space<hbm>> -> memref<1x49152xf32, #tpu.memory_space<hbm>>
    %dma_start3A_533 = arith.constant 0 : i32
    %dma_start3A_534 = tpu.memref_slice %arg4[%add3A_529, %select_n3A, %dma_start3A_533] : memref<50x16x49152xf32, #tpu.memory_space<hbm>> -> memref<1x1x49152xf32, #tpu.memory_space<hbm>>
    %dma_start3A_535 = tpu.memref_squeeze %dma_start3A_534 : memref<1x1x49152xf32, #tpu.memory_space<hbm>> -> memref<1x49152xf32, #tpu.memory_space<hbm>>
    tpu.enqueue_dma source(%arg7 : memref<1x49152xf32, #tpu.memory_space<vmem>>) target(%dma_start3A_535 : memref<1x49152xf32, #tpu.memory_space<hbm>>) target_semaphore(%arg11 : memref<!tpu.dma_semaphore, #tpu.memory_space<semaphore_mem>>)
    %dma_wait3A_536 = arith.constant 0 : i32
    %dma_wait3A_537 = tpu.memref_slice %arg4[%add3A_529, %select_n3A, %dma_wait3A_536] : memref<50x16x49152xf32, #tpu.memory_space<hbm>> -> memref<1x1x49152xf32, #tpu.memory_space<hbm>>
    %dma_wait3A_538 = tpu.memref_squeeze %dma_wait3A_537 : memref<1x1x49152xf32, #tpu.memory_space<hbm>> -> memref<1x49152xf32, #tpu.memory_space<hbm>>
    %dma_wait3A_539 = arith.constant 0 : i32
    %dma_wait3A_540 = tpu.memref_slice %arg4[%add3A_529, %select_n3A, %dma_wait3A_539] : memref<50x16x49152xf32, #tpu.memory_space<hbm>> -> memref<1x1x49152xf32, #tpu.memory_space<hbm>>
    %dma_wait3A_541 = tpu.memref_squeeze %dma_wait3A_540 : memref<1x1x49152xf32, #tpu.memory_space<hbm>> -> memref<1x49152xf32, #tpu.memory_space<hbm>>
    tpu.wait_dma2 semaphore(%arg11 : memref<!tpu.dma_semaphore, #tpu.memory_space<semaphore_mem>>) src(%arg7 : memref<1x49152xf32, #tpu.memory_space<vmem>>) dst(%dma_wait3A_541 : memref<1x49152xf32, #tpu.memory_space<hbm>>)
    %dma_start3A_542 = arith.constant 19 : i32
    %dma_start3A_543 = arith.constant 0 : i32
    %dma_start3A_544 = tpu.memref_slice %arg5[%dma_start3A_542, %dma_start3A_543] : memref<25x8xi32, #tpu.memory_space<vmem>> -> memref<1x1xi32, #tpu.memory_space<vmem>>
    %dma_start3A_545 = tpu.memref_squeeze %dma_start3A_544 : memref<1x1xi32, #tpu.memory_space<vmem>> -> memref<1xi32, #tpu.memory_space<vmem>>
    %dma_start3A_546 = arith.constant 0 : i32
    %dma_start3A_547 = arith.constant 0 : i32
    %dma_start3A_548 = tpu.memref_slice %arg3[%dma_start3A_546, %dma_start3A_547] : memref<200x49152xf32, #tpu.memory_space<hbm>> -> memref<200x49152xf32, #tpu.memory_space<hbm>>
    tpu.enqueue_indirect_dma source(%dma_start3A_548 : memref<200x49152xf32, #tpu.memory_space<hbm>>) target(%arg7 : memref<1x49152xf32, #tpu.memory_space<vmem>>) offsets(%dma_start3A_545 : memref<1xi32, #tpu.memory_space<vmem>>) semaphore(%arg9 : memref<!tpu.dma_semaphore, #tpu.memory_space<semaphore_mem>>)
    %dma_wait3A_549 = arith.constant 18 : i32
    %dma_wait3A_550 = arith.constant 0 : i32
    %dma_wait3A_551 = tpu.memref_slice %arg5[%dma_wait3A_549, %dma_wait3A_550] : memref<25x8xi32, #tpu.memory_space<vmem>> -> memref<1x1xi32, #tpu.memory_space<vmem>>
    %dma_wait3A_552 = tpu.memref_squeeze %dma_wait3A_551 : memref<1x1xi32, #tpu.memory_space<vmem>> -> memref<1xi32, #tpu.memory_space<vmem>>
    %dma_wait3A_553 = arith.constant 0 : i32
    %dma_wait3A_554 = arith.constant 0 : i32
    %dma_wait3A_555 = tpu.memref_slice %arg3[%dma_wait3A_553, %dma_wait3A_554] : memref<200x49152xf32, #tpu.memory_space<hbm>> -> memref<200x49152xf32, #tpu.memory_space<hbm>>
    tpu.wait_indirect_dma semaphore(%arg8 : memref<!tpu.dma_semaphore, #tpu.memory_space<semaphore_mem>>) src(%dma_wait3A_555 : memref<200x49152xf32, #tpu.memory_space<hbm>>) dst(%arg6 : memref<1x49152xf32, #tpu.memory_space<vmem>>)
    %add3A_556 = arith.constant 18 : i32
    %add3A_557 = arith.addi %mul3A_32, %add3A_556 : i32
    %dma_start3A_558 = arith.constant 0 : i32
    %dma_start3A_559 = tpu.memref_slice %arg4[%add3A_557, %select_n3A, %dma_start3A_558] : memref<50x16x49152xf32, #tpu.memory_space<hbm>> -> memref<1x1x49152xf32, #tpu.memory_space<hbm>>
    %dma_start3A_560 = tpu.memref_squeeze %dma_start3A_559 : memref<1x1x49152xf32, #tpu.memory_space<hbm>> -> memref<1x49152xf32, #tpu.memory_space<hbm>>
    %dma_start3A_561 = arith.constant 0 : i32
    %dma_start3A_562 = tpu.memref_slice %arg4[%add3A_557, %select_n3A, %dma_start3A_561] : memref<50x16x49152xf32, #tpu.memory_space<hbm>> -> memref<1x1x49152xf32, #tpu.memory_space<hbm>>
    %dma_start3A_563 = tpu.memref_squeeze %dma_start3A_562 : memref<1x1x49152xf32, #tpu.memory_space<hbm>> -> memref<1x49152xf32, #tpu.memory_space<hbm>>
    tpu.enqueue_dma source(%arg6 : memref<1x49152xf32, #tpu.memory_space<vmem>>) target(%dma_start3A_563 : memref<1x49152xf32, #tpu.memory_space<hbm>>) target_semaphore(%arg10 : memref<!tpu.dma_semaphore, #tpu.memory_space<semaphore_mem>>)
    %dma_wait3A_564 = arith.constant 0 : i32
    %dma_wait3A_565 = tpu.memref_slice %arg4[%add3A_557, %select_n3A, %dma_wait3A_564] : memref<50x16x49152xf32, #tpu.memory_space<hbm>> -> memref<1x1x49152xf32, #tpu.memory_space<hbm>>
    %dma_wait3A_566 = tpu.memref_squeeze %dma_wait3A_565 : memref<1x1x49152xf32, #tpu.memory_space<hbm>> -> memref<1x49152xf32, #tpu.memory_space<hbm>>
    %dma_wait3A_567 = arith.constant 0 : i32
    %dma_wait3A_568 = tpu.memref_slice %arg4[%add3A_557, %select_n3A, %dma_wait3A_567] : memref<50x16x49152xf32, #tpu.memory_space<hbm>> -> memref<1x1x49152xf32, #tpu.memory_space<hbm>>
    %dma_wait3A_569 = tpu.memref_squeeze %dma_wait3A_568 : memref<1x1x49152xf32, #tpu.memory_space<hbm>> -> memref<1x49152xf32, #tpu.memory_space<hbm>>
    tpu.wait_dma2 semaphore(%arg10 : memref<!tpu.dma_semaphore, #tpu.memory_space<semaphore_mem>>) src(%arg6 : memref<1x49152xf32, #tpu.memory_space<vmem>>) dst(%dma_wait3A_569 : memref<1x49152xf32, #tpu.memory_space<hbm>>)
    %dma_start3A_570 = arith.constant 20 : i32
    %dma_start3A_571 = arith.constant 0 : i32
    %dma_start3A_572 = tpu.memref_slice %arg5[%dma_start3A_570, %dma_start3A_571] : memref<25x8xi32, #tpu.memory_space<vmem>> -> memref<1x1xi32, #tpu.memory_space<vmem>>
    %dma_start3A_573 = tpu.memref_squeeze %dma_start3A_572 : memref<1x1xi32, #tpu.memory_space<vmem>> -> memref<1xi32, #tpu.memory_space<vmem>>
    %dma_start3A_574 = arith.constant 0 : i32
    %dma_start3A_575 = arith.constant 0 : i32
    %dma_start3A_576 = tpu.memref_slice %arg3[%dma_start3A_574, %dma_start3A_575] : memref<200x49152xf32, #tpu.memory_space<hbm>> -> memref<200x49152xf32, #tpu.memory_space<hbm>>
    tpu.enqueue_indirect_dma source(%dma_start3A_576 : memref<200x49152xf32, #tpu.memory_space<hbm>>) target(%arg6 : memref<1x49152xf32, #tpu.memory_space<vmem>>) offsets(%dma_start3A_573 : memref<1xi32, #tpu.memory_space<vmem>>) semaphore(%arg8 : memref<!tpu.dma_semaphore, #tpu.memory_space<semaphore_mem>>)
    %dma_wait3A_577 = arith.constant 19 : i32
    %dma_wait3A_578 = arith.constant 0 : i32
    %dma_wait3A_579 = tpu.memref_slice %arg5[%dma_wait3A_577, %dma_wait3A_578] : memref<25x8xi32, #tpu.memory_space<vmem>> -> memref<1x1xi32, #tpu.memory_space<vmem>>
    %dma_wait3A_580 = tpu.memref_squeeze %dma_wait3A_579 : memref<1x1xi32, #tpu.memory_space<vmem>> -> memref<1xi32, #tpu.memory_space<vmem>>
    %dma_wait3A_581 = arith.constant 0 : i32
    %dma_wait3A_582 = arith.constant 0 : i32
    %dma_wait3A_583 = tpu.memref_slice %arg3[%dma_wait3A_581, %dma_wait3A_582] : memref<200x49152xf32, #tpu.memory_space<hbm>> -> memref<200x49152xf32, #tpu.memory_space<hbm>>
    tpu.wait_indirect_dma semaphore(%arg9 : memref<!tpu.dma_semaphore, #tpu.memory_space<semaphore_mem>>) src(%dma_wait3A_583 : memref<200x49152xf32, #tpu.memory_space<hbm>>) dst(%arg7 : memref<1x49152xf32, #tpu.memory_space<vmem>>)
    %add3A_584 = arith.constant 19 : i32
    %add3A_585 = arith.addi %mul3A_32, %add3A_584 : i32
    %dma_start3A_586 = arith.constant 0 : i32
    %dma_start3A_587 = tpu.memref_slice %arg4[%add3A_585, %select_n3A, %dma_start3A_586] : memref<50x16x49152xf32, #tpu.memory_space<hbm>> -> memref<1x1x49152xf32, #tpu.memory_space<hbm>>
    %dma_start3A_588 = tpu.memref_squeeze %dma_start3A_587 : memref<1x1x49152xf32, #tpu.memory_space<hbm>> -> memref<1x49152xf32, #tpu.memory_space<hbm>>
    %dma_start3A_589 = arith.constant 0 : i32
    %dma_start3A_590 = tpu.memref_slice %arg4[%add3A_585, %select_n3A, %dma_start3A_589] : memref<50x16x49152xf32, #tpu.memory_space<hbm>> -> memref<1x1x49152xf32, #tpu.memory_space<hbm>>
    %dma_start3A_591 = tpu.memref_squeeze %dma_start3A_590 : memref<1x1x49152xf32, #tpu.memory_space<hbm>> -> memref<1x49152xf32, #tpu.memory_space<hbm>>
    tpu.enqueue_dma source(%arg7 : memref<1x49152xf32, #tpu.memory_space<vmem>>) target(%dma_start3A_591 : memref<1x49152xf32, #tpu.memory_space<hbm>>) target_semaphore(%arg11 : memref<!tpu.dma_semaphore, #tpu.memory_space<semaphore_mem>>)
    %dma_wait3A_592 = arith.constant 0 : i32
    %dma_wait3A_593 = tpu.memref_slice %arg4[%add3A_585, %select_n3A, %dma_wait3A_592] : memref<50x16x49152xf32, #tpu.memory_space<hbm>> -> memref<1x1x49152xf32, #tpu.memory_space<hbm>>
    %dma_wait3A_594 = tpu.memref_squeeze %dma_wait3A_593 : memref<1x1x49152xf32, #tpu.memory_space<hbm>> -> memref<1x49152xf32, #tpu.memory_space<hbm>>
    %dma_wait3A_595 = arith.constant 0 : i32
    %dma_wait3A_596 = tpu.memref_slice %arg4[%add3A_585, %select_n3A, %dma_wait3A_595] : memref<50x16x49152xf32, #tpu.memory_space<hbm>> -> memref<1x1x49152xf32, #tpu.memory_space<hbm>>
    %dma_wait3A_597 = tpu.memref_squeeze %dma_wait3A_596 : memref<1x1x49152xf32, #tpu.memory_space<hbm>> -> memref<1x49152xf32, #tpu.memory_space<hbm>>
    tpu.wait_dma2 semaphore(%arg11 : memref<!tpu.dma_semaphore, #tpu.memory_space<semaphore_mem>>) src(%arg7 : memref<1x49152xf32, #tpu.memory_space<vmem>>) dst(%dma_wait3A_597 : memref<1x49152xf32, #tpu.memory_space<hbm>>)
    %dma_start3A_598 = arith.constant 21 : i32
    %dma_start3A_599 = arith.constant 0 : i32
    %dma_start3A_600 = tpu.memref_slice %arg5[%dma_start3A_598, %dma_start3A_599] : memref<25x8xi32, #tpu.memory_space<vmem>> -> memref<1x1xi32, #tpu.memory_space<vmem>>
    %dma_start3A_601 = tpu.memref_squeeze %dma_start3A_600 : memref<1x1xi32, #tpu.memory_space<vmem>> -> memref<1xi32, #tpu.memory_space<vmem>>
    %dma_start3A_602 = arith.constant 0 : i32
    %dma_start3A_603 = arith.constant 0 : i32
    %dma_start3A_604 = tpu.memref_slice %arg3[%dma_start3A_602, %dma_start3A_603] : memref<200x49152xf32, #tpu.memory_space<hbm>> -> memref<200x49152xf32, #tpu.memory_space<hbm>>
    tpu.enqueue_indirect_dma source(%dma_start3A_604 : memref<200x49152xf32, #tpu.memory_space<hbm>>) target(%arg7 : memref<1x49152xf32, #tpu.memory_space<vmem>>) offsets(%dma_start3A_601 : memref<1xi32, #tpu.memory_space<vmem>>) semaphore(%arg9 : memref<!tpu.dma_semaphore, #tpu.memory_space<semaphore_mem>>)
    %dma_wait3A_605 = arith.constant 20 : i32
    %dma_wait3A_606 = arith.constant 0 : i32
    %dma_wait3A_607 = tpu.memref_slice %arg5[%dma_wait3A_605, %dma_wait3A_606] : memref<25x8xi32, #tpu.memory_space<vmem>> -> memref<1x1xi32, #tpu.memory_space<vmem>>
    %dma_wait3A_608 = tpu.memref_squeeze %dma_wait3A_607 : memref<1x1xi32, #tpu.memory_space<vmem>> -> memref<1xi32, #tpu.memory_space<vmem>>
    %dma_wait3A_609 = arith.constant 0 : i32
    %dma_wait3A_610 = arith.constant 0 : i32
    %dma_wait3A_611 = tpu.memref_slice %arg3[%dma_wait3A_609, %dma_wait3A_610] : memref<200x49152xf32, #tpu.memory_space<hbm>> -> memref<200x49152xf32, #tpu.memory_space<hbm>>
    tpu.wait_indirect_dma semaphore(%arg8 : memref<!tpu.dma_semaphore, #tpu.memory_space<semaphore_mem>>) src(%dma_wait3A_611 : memref<200x49152xf32, #tpu.memory_space<hbm>>) dst(%arg6 : memref<1x49152xf32, #tpu.memory_space<vmem>>)
    %add3A_612 = arith.constant 20 : i32
    %add3A_613 = arith.addi %mul3A_32, %add3A_612 : i32
    %dma_start3A_614 = arith.constant 0 : i32
    %dma_start3A_615 = tpu.memref_slice %arg4[%add3A_613, %select_n3A, %dma_start3A_614] : memref<50x16x49152xf32, #tpu.memory_space<hbm>> -> memref<1x1x49152xf32, #tpu.memory_space<hbm>>
    %dma_start3A_616 = tpu.memref_squeeze %dma_start3A_615 : memref<1x1x49152xf32, #tpu.memory_space<hbm>> -> memref<1x49152xf32, #tpu.memory_space<hbm>>
    %dma_start3A_617 = arith.constant 0 : i32
    %dma_start3A_618 = tpu.memref_slice %arg4[%add3A_613, %select_n3A, %dma_start3A_617] : memref<50x16x49152xf32, #tpu.memory_space<hbm>> -> memref<1x1x49152xf32, #tpu.memory_space<hbm>>
    %dma_start3A_619 = tpu.memref_squeeze %dma_start3A_618 : memref<1x1x49152xf32, #tpu.memory_space<hbm>> -> memref<1x49152xf32, #tpu.memory_space<hbm>>
    tpu.enqueue_dma source(%arg6 : memref<1x49152xf32, #tpu.memory_space<vmem>>) target(%dma_start3A_619 : memref<1x49152xf32, #tpu.memory_space<hbm>>) target_semaphore(%arg10 : memref<!tpu.dma_semaphore, #tpu.memory_space<semaphore_mem>>)
    %dma_wait3A_620 = arith.constant 0 : i32
    %dma_wait3A_621 = tpu.memref_slice %arg4[%add3A_613, %select_n3A, %dma_wait3A_620] : memref<50x16x49152xf32, #tpu.memory_space<hbm>> -> memref<1x1x49152xf32, #tpu.memory_space<hbm>>
    %dma_wait3A_622 = tpu.memref_squeeze %dma_wait3A_621 : memref<1x1x49152xf32, #tpu.memory_space<hbm>> -> memref<1x49152xf32, #tpu.memory_space<hbm>>
    %dma_wait3A_623 = arith.constant 0 : i32
    %dma_wait3A_624 = tpu.memref_slice %arg4[%add3A_613, %select_n3A, %dma_wait3A_623] : memref<50x16x49152xf32, #tpu.memory_space<hbm>> -> memref<1x1x49152xf32, #tpu.memory_space<hbm>>
    %dma_wait3A_625 = tpu.memref_squeeze %dma_wait3A_624 : memref<1x1x49152xf32, #tpu.memory_space<hbm>> -> memref<1x49152xf32, #tpu.memory_space<hbm>>
    tpu.wait_dma2 semaphore(%arg10 : memref<!tpu.dma_semaphore, #tpu.memory_space<semaphore_mem>>) src(%arg6 : memref<1x49152xf32, #tpu.memory_space<vmem>>) dst(%dma_wait3A_625 : memref<1x49152xf32, #tpu.memory_space<hbm>>)
    %dma_start3A_626 = arith.constant 22 : i32
    %dma_start3A_627 = arith.constant 0 : i32
    %dma_start3A_628 = tpu.memref_slice %arg5[%dma_start3A_626, %dma_start3A_627] : memref<25x8xi32, #tpu.memory_space<vmem>> -> memref<1x1xi32, #tpu.memory_space<vmem>>
    %dma_start3A_629 = tpu.memref_squeeze %dma_start3A_628 : memref<1x1xi32, #tpu.memory_space<vmem>> -> memref<1xi32, #tpu.memory_space<vmem>>
    %dma_start3A_630 = arith.constant 0 : i32
    %dma_start3A_631 = arith.constant 0 : i32
    %dma_start3A_632 = tpu.memref_slice %arg3[%dma_start3A_630, %dma_start3A_631] : memref<200x49152xf32, #tpu.memory_space<hbm>> -> memref<200x49152xf32, #tpu.memory_space<hbm>>
    tpu.enqueue_indirect_dma source(%dma_start3A_632 : memref<200x49152xf32, #tpu.memory_space<hbm>>) target(%arg6 : memref<1x49152xf32, #tpu.memory_space<vmem>>) offsets(%dma_start3A_629 : memref<1xi32, #tpu.memory_space<vmem>>) semaphore(%arg8 : memref<!tpu.dma_semaphore, #tpu.memory_space<semaphore_mem>>)
    %dma_wait3A_633 = arith.constant 21 : i32
    %dma_wait3A_634 = arith.constant 0 : i32
    %dma_wait3A_635 = tpu.memref_slice %arg5[%dma_wait3A_633, %dma_wait3A_634] : memref<25x8xi32, #tpu.memory_space<vmem>> -> memref<1x1xi32, #tpu.memory_space<vmem>>
    %dma_wait3A_636 = tpu.memref_squeeze %dma_wait3A_635 : memref<1x1xi32, #tpu.memory_space<vmem>> -> memref<1xi32, #tpu.memory_space<vmem>>
    %dma_wait3A_637 = arith.constant 0 : i32
    %dma_wait3A_638 = arith.constant 0 : i32
    %dma_wait3A_639 = tpu.memref_slice %arg3[%dma_wait3A_637, %dma_wait3A_638] : memref<200x49152xf32, #tpu.memory_space<hbm>> -> memref<200x49152xf32, #tpu.memory_space<hbm>>
    tpu.wait_indirect_dma semaphore(%arg9 : memref<!tpu.dma_semaphore, #tpu.memory_space<semaphore_mem>>) src(%dma_wait3A_639 : memref<200x49152xf32, #tpu.memory_space<hbm>>) dst(%arg7 : memref<1x49152xf32, #tpu.memory_space<vmem>>)
    %add3A_640 = arith.constant 21 : i32
    %add3A_641 = arith.addi %mul3A_32, %add3A_640 : i32
    %dma_start3A_642 = arith.constant 0 : i32
    %dma_start3A_643 = tpu.memref_slice %arg4[%add3A_641, %select_n3A, %dma_start3A_642] : memref<50x16x49152xf32, #tpu.memory_space<hbm>> -> memref<1x1x49152xf32, #tpu.memory_space<hbm>>
    %dma_start3A_644 = tpu.memref_squeeze %dma_start3A_643 : memref<1x1x49152xf32, #tpu.memory_space<hbm>> -> memref<1x49152xf32, #tpu.memory_space<hbm>>
    %dma_start3A_645 = arith.constant 0 : i32
    %dma_start3A_646 = tpu.memref_slice %arg4[%add3A_641, %select_n3A, %dma_start3A_645] : memref<50x16x49152xf32, #tpu.memory_space<hbm>> -> memref<1x1x49152xf32, #tpu.memory_space<hbm>>
    %dma_start3A_647 = tpu.memref_squeeze %dma_start3A_646 : memref<1x1x49152xf32, #tpu.memory_space<hbm>> -> memref<1x49152xf32, #tpu.memory_space<hbm>>
    tpu.enqueue_dma source(%arg7 : memref<1x49152xf32, #tpu.memory_space<vmem>>) target(%dma_start3A_647 : memref<1x49152xf32, #tpu.memory_space<hbm>>) target_semaphore(%arg11 : memref<!tpu.dma_semaphore, #tpu.memory_space<semaphore_mem>>)
    %dma_wait3A_648 = arith.constant 0 : i32
    %dma_wait3A_649 = tpu.memref_slice %arg4[%add3A_641, %select_n3A, %dma_wait3A_648] : memref<50x16x49152xf32, #tpu.memory_space<hbm>> -> memref<1x1x49152xf32, #tpu.memory_space<hbm>>
    %dma_wait3A_650 = tpu.memref_squeeze %dma_wait3A_649 : memref<1x1x49152xf32, #tpu.memory_space<hbm>> -> memref<1x49152xf32, #tpu.memory_space<hbm>>
    %dma_wait3A_651 = arith.constant 0 : i32
    %dma_wait3A_652 = tpu.memref_slice %arg4[%add3A_641, %select_n3A, %dma_wait3A_651] : memref<50x16x49152xf32, #tpu.memory_space<hbm>> -> memref<1x1x49152xf32, #tpu.memory_space<hbm>>
    %dma_wait3A_653 = tpu.memref_squeeze %dma_wait3A_652 : memref<1x1x49152xf32, #tpu.memory_space<hbm>> -> memref<1x49152xf32, #tpu.memory_space<hbm>>
    tpu.wait_dma2 semaphore(%arg11 : memref<!tpu.dma_semaphore, #tpu.memory_space<semaphore_mem>>) src(%arg7 : memref<1x49152xf32, #tpu.memory_space<vmem>>) dst(%dma_wait3A_653 : memref<1x49152xf32, #tpu.memory_space<hbm>>)
    %dma_start3A_654 = arith.constant 23 : i32
    %dma_start3A_655 = arith.constant 0 : i32
    %dma_start3A_656 = tpu.memref_slice %arg5[%dma_start3A_654, %dma_start3A_655] : memref<25x8xi32, #tpu.memory_space<vmem>> -> memref<1x1xi32, #tpu.memory_space<vmem>>
    %dma_start3A_657 = tpu.memref_squeeze %dma_start3A_656 : memref<1x1xi32, #tpu.memory_space<vmem>> -> memref<1xi32, #tpu.memory_space<vmem>>
    %dma_start3A_658 = arith.constant 0 : i32
    %dma_start3A_659 = arith.constant 0 : i32
    %dma_start3A_660 = tpu.memref_slice %arg3[%dma_start3A_658, %dma_start3A_659] : memref<200x49152xf32, #tpu.memory_space<hbm>> -> memref<200x49152xf32, #tpu.memory_space<hbm>>
    tpu.enqueue_indirect_dma source(%dma_start3A_660 : memref<200x49152xf32, #tpu.memory_space<hbm>>) target(%arg7 : memref<1x49152xf32, #tpu.memory_space<vmem>>) offsets(%dma_start3A_657 : memref<1xi32, #tpu.memory_space<vmem>>) semaphore(%arg9 : memref<!tpu.dma_semaphore, #tpu.memory_space<semaphore_mem>>)
    %dma_wait3A_661 = arith.constant 22 : i32
    %dma_wait3A_662 = arith.constant 0 : i32
    %dma_wait3A_663 = tpu.memref_slice %arg5[%dma_wait3A_661, %dma_wait3A_662] : memref<25x8xi32, #tpu.memory_space<vmem>> -> memref<1x1xi32, #tpu.memory_space<vmem>>
    %dma_wait3A_664 = tpu.memref_squeeze %dma_wait3A_663 : memref<1x1xi32, #tpu.memory_space<vmem>> -> memref<1xi32, #tpu.memory_space<vmem>>
    %dma_wait3A_665 = arith.constant 0 : i32
    %dma_wait3A_666 = arith.constant 0 : i32
    %dma_wait3A_667 = tpu.memref_slice %arg3[%dma_wait3A_665, %dma_wait3A_666] : memref<200x49152xf32, #tpu.memory_space<hbm>> -> memref<200x49152xf32, #tpu.memory_space<hbm>>
    tpu.wait_indirect_dma semaphore(%arg8 : memref<!tpu.dma_semaphore, #tpu.memory_space<semaphore_mem>>) src(%dma_wait3A_667 : memref<200x49152xf32, #tpu.memory_space<hbm>>) dst(%arg6 : memref<1x49152xf32, #tpu.memory_space<vmem>>)
    %add3A_668 = arith.constant 22 : i32
    %add3A_669 = arith.addi %mul3A_32, %add3A_668 : i32
    %dma_start3A_670 = arith.constant 0 : i32
    %dma_start3A_671 = tpu.memref_slice %arg4[%add3A_669, %select_n3A, %dma_start3A_670] : memref<50x16x49152xf32, #tpu.memory_space<hbm>> -> memref<1x1x49152xf32, #tpu.memory_space<hbm>>
    %dma_start3A_672 = tpu.memref_squeeze %dma_start3A_671 : memref<1x1x49152xf32, #tpu.memory_space<hbm>> -> memref<1x49152xf32, #tpu.memory_space<hbm>>
    %dma_start3A_673 = arith.constant 0 : i32
    %dma_start3A_674 = tpu.memref_slice %arg4[%add3A_669, %select_n3A, %dma_start3A_673] : memref<50x16x49152xf32, #tpu.memory_space<hbm>> -> memref<1x1x49152xf32, #tpu.memory_space<hbm>>
    %dma_start3A_675 = tpu.memref_squeeze %dma_start3A_674 : memref<1x1x49152xf32, #tpu.memory_space<hbm>> -> memref<1x49152xf32, #tpu.memory_space<hbm>>
    tpu.enqueue_dma source(%arg6 : memref<1x49152xf32, #tpu.memory_space<vmem>>) target(%dma_start3A_675 : memref<1x49152xf32, #tpu.memory_space<hbm>>) target_semaphore(%arg10 : memref<!tpu.dma_semaphore, #tpu.memory_space<semaphore_mem>>)
    %dma_wait3A_676 = arith.constant 0 : i32
    %dma_wait3A_677 = tpu.memref_slice %arg4[%add3A_669, %select_n3A, %dma_wait3A_676] : memref<50x16x49152xf32, #tpu.memory_space<hbm>> -> memref<1x1x49152xf32, #tpu.memory_space<hbm>>
    %dma_wait3A_678 = tpu.memref_squeeze %dma_wait3A_677 : memref<1x1x49152xf32, #tpu.memory_space<hbm>> -> memref<1x49152xf32, #tpu.memory_space<hbm>>
    %dma_wait3A_679 = arith.constant 0 : i32
    %dma_wait3A_680 = tpu.memref_slice %arg4[%add3A_669, %select_n3A, %dma_wait3A_679] : memref<50x16x49152xf32, #tpu.memory_space<hbm>> -> memref<1x1x49152xf32, #tpu.memory_space<hbm>>
    %dma_wait3A_681 = tpu.memref_squeeze %dma_wait3A_680 : memref<1x1x49152xf32, #tpu.memory_space<hbm>> -> memref<1x49152xf32, #tpu.memory_space<hbm>>
    tpu.wait_dma2 semaphore(%arg10 : memref<!tpu.dma_semaphore, #tpu.memory_space<semaphore_mem>>) src(%arg6 : memref<1x49152xf32, #tpu.memory_space<vmem>>) dst(%dma_wait3A_681 : memref<1x49152xf32, #tpu.memory_space<hbm>>)
    %dma_start3A_682 = arith.constant 24 : i32
    %dma_start3A_683 = arith.constant 0 : i32
    %dma_start3A_684 = tpu.memref_slice %arg5[%dma_start3A_682, %dma_start3A_683] : memref<25x8xi32, #tpu.memory_space<vmem>> -> memref<1x1xi32, #tpu.memory_space<vmem>>
    %dma_start3A_685 = tpu.memref_squeeze %dma_start3A_684 : memref<1x1xi32, #tpu.memory_space<vmem>> -> memref<1xi32, #tpu.memory_space<vmem>>
    %dma_start3A_686 = arith.constant 0 : i32
    %dma_start3A_687 = arith.constant 0 : i32
    %dma_start3A_688 = tpu.memref_slice %arg3[%dma_start3A_686, %dma_start3A_687] : memref<200x49152xf32, #tpu.memory_space<hbm>> -> memref<200x49152xf32, #tpu.memory_space<hbm>>
    tpu.enqueue_indirect_dma source(%dma_start3A_688 : memref<200x49152xf32, #tpu.memory_space<hbm>>) target(%arg6 : memref<1x49152xf32, #tpu.memory_space<vmem>>) offsets(%dma_start3A_685 : memref<1xi32, #tpu.memory_space<vmem>>) semaphore(%arg8 : memref<!tpu.dma_semaphore, #tpu.memory_space<semaphore_mem>>)
    %dma_wait3A_689 = arith.constant 23 : i32
    %dma_wait3A_690 = arith.constant 0 : i32
    %dma_wait3A_691 = tpu.memref_slice %arg5[%dma_wait3A_689, %dma_wait3A_690] : memref<25x8xi32, #tpu.memory_space<vmem>> -> memref<1x1xi32, #tpu.memory_space<vmem>>
    %dma_wait3A_692 = tpu.memref_squeeze %dma_wait3A_691 : memref<1x1xi32, #tpu.memory_space<vmem>> -> memref<1xi32, #tpu.memory_space<vmem>>
    %dma_wait3A_693 = arith.constant 0 : i32
    %dma_wait3A_694 = arith.constant 0 : i32
    %dma_wait3A_695 = tpu.memref_slice %arg3[%dma_wait3A_693, %dma_wait3A_694] : memref<200x49152xf32, #tpu.memory_space<hbm>> -> memref<200x49152xf32, #tpu.memory_space<hbm>>
    tpu.wait_indirect_dma semaphore(%arg9 : memref<!tpu.dma_semaphore, #tpu.memory_space<semaphore_mem>>) src(%dma_wait3A_695 : memref<200x49152xf32, #tpu.memory_space<hbm>>) dst(%arg7 : memref<1x49152xf32, #tpu.memory_space<vmem>>)
    %add3A_696 = arith.constant 23 : i32
    %add3A_697 = arith.addi %mul3A_32, %add3A_696 : i32
    %dma_start3A_698 = arith.constant 0 : i32
    %dma_start3A_699 = tpu.memref_slice %arg4[%add3A_697, %select_n3A, %dma_start3A_698] : memref<50x16x49152xf32, #tpu.memory_space<hbm>> -> memref<1x1x49152xf32, #tpu.memory_space<hbm>>
    %dma_start3A_700 = tpu.memref_squeeze %dma_start3A_699 : memref<1x1x49152xf32, #tpu.memory_space<hbm>> -> memref<1x49152xf32, #tpu.memory_space<hbm>>
    %dma_start3A_701 = arith.constant 0 : i32
    %dma_start3A_702 = tpu.memref_slice %arg4[%add3A_697, %select_n3A, %dma_start3A_701] : memref<50x16x49152xf32, #tpu.memory_space<hbm>> -> memref<1x1x49152xf32, #tpu.memory_space<hbm>>
    %dma_start3A_703 = tpu.memref_squeeze %dma_start3A_702 : memref<1x1x49152xf32, #tpu.memory_space<hbm>> -> memref<1x49152xf32, #tpu.memory_space<hbm>>
    tpu.enqueue_dma source(%arg7 : memref<1x49152xf32, #tpu.memory_space<vmem>>) target(%dma_start3A_703 : memref<1x49152xf32, #tpu.memory_space<hbm>>) target_semaphore(%arg11 : memref<!tpu.dma_semaphore, #tpu.memory_space<semaphore_mem>>)
    %dma_wait3A_704 = arith.constant 0 : i32
    %dma_wait3A_705 = tpu.memref_slice %arg4[%add3A_697, %select_n3A, %dma_wait3A_704] : memref<50x16x49152xf32, #tpu.memory_space<hbm>> -> memref<1x1x49152xf32, #tpu.memory_space<hbm>>
    %dma_wait3A_706 = tpu.memref_squeeze %dma_wait3A_705 : memref<1x1x49152xf32, #tpu.memory_space<hbm>> -> memref<1x49152xf32, #tpu.memory_space<hbm>>
    %dma_wait3A_707 = arith.constant 0 : i32
    %dma_wait3A_708 = tpu.memref_slice %arg4[%add3A_697, %select_n3A, %dma_wait3A_707] : memref<50x16x49152xf32, #tpu.memory_space<hbm>> -> memref<1x1x49152xf32, #tpu.memory_space<hbm>>
    %dma_wait3A_709 = tpu.memref_squeeze %dma_wait3A_708 : memref<1x1x49152xf32, #tpu.memory_space<hbm>> -> memref<1x49152xf32, #tpu.memory_space<hbm>>
    tpu.wait_dma2 semaphore(%arg11 : memref<!tpu.dma_semaphore, #tpu.memory_space<semaphore_mem>>) src(%arg7 : memref<1x49152xf32, #tpu.memory_space<vmem>>) dst(%dma_wait3A_709 : memref<1x49152xf32, #tpu.memory_space<hbm>>)
    %dma_wait3A_710 = arith.constant 24 : i32
    %dma_wait3A_711 = arith.constant 0 : i32
    %dma_wait3A_712 = tpu.memref_slice %arg5[%dma_wait3A_710, %dma_wait3A_711] : memref<25x8xi32, #tpu.memory_space<vmem>> -> memref<1x1xi32, #tpu.memory_space<vmem>>
    %dma_wait3A_713 = tpu.memref_squeeze %dma_wait3A_712 : memref<1x1xi32, #tpu.memory_space<vmem>> -> memref<1xi32, #tpu.memory_space<vmem>>
    %dma_wait3A_714 = arith.constant 0 : i32
    %dma_wait3A_715 = arith.constant 0 : i32
    %dma_wait3A_716 = tpu.memref_slice %arg3[%dma_wait3A_714, %dma_wait3A_715] : memref<200x49152xf32, #tpu.memory_space<hbm>> -> memref<200x49152xf32, #tpu.memory_space<hbm>>
    tpu.wait_indirect_dma semaphore(%arg8 : memref<!tpu.dma_semaphore, #tpu.memory_space<semaphore_mem>>) src(%dma_wait3A_716 : memref<200x49152xf32, #tpu.memory_space<hbm>>) dst(%arg6 : memref<1x49152xf32, #tpu.memory_space<vmem>>)
    %add3A_717 = arith.constant 24 : i32
    %add3A_718 = arith.addi %mul3A_32, %add3A_717 : i32
    %dma_start3A_719 = arith.constant 0 : i32
    %dma_start3A_720 = tpu.memref_slice %arg4[%add3A_718, %select_n3A, %dma_start3A_719] : memref<50x16x49152xf32, #tpu.memory_space<hbm>> -> memref<1x1x49152xf32, #tpu.memory_space<hbm>>
    %dma_start3A_721 = tpu.memref_squeeze %dma_start3A_720 : memref<1x1x49152xf32, #tpu.memory_space<hbm>> -> memref<1x49152xf32, #tpu.memory_space<hbm>>
    %dma_start3A_722 = arith.constant 0 : i32
    %dma_start3A_723 = tpu.memref_slice %arg4[%add3A_718, %select_n3A, %dma_start3A_722] : memref<50x16x49152xf32, #tpu.memory_space<hbm>> -> memref<1x1x49152xf32, #tpu.memory_space<hbm>>
    %dma_start3A_724 = tpu.memref_squeeze %dma_start3A_723 : memref<1x1x49152xf32, #tpu.memory_space<hbm>> -> memref<1x49152xf32, #tpu.memory_space<hbm>>
    tpu.enqueue_dma source(%arg6 : memref<1x49152xf32, #tpu.memory_space<vmem>>) target(%dma_start3A_724 : memref<1x49152xf32, #tpu.memory_space<hbm>>) target_semaphore(%arg10 : memref<!tpu.dma_semaphore, #tpu.memory_space<semaphore_mem>>)
    %dma_wait3A_725 = arith.constant 0 : i32
    %dma_wait3A_726 = tpu.memref_slice %arg4[%add3A_718, %select_n3A, %dma_wait3A_725] : memref<50x16x49152xf32, #tpu.memory_space<hbm>> -> memref<1x1x49152xf32, #tpu.memory_space<hbm>>
    %dma_wait3A_727 = tpu.memref_squeeze %dma_wait3A_726 : memref<1x1x49152xf32, #tpu.memory_space<hbm>> -> memref<1x49152xf32, #tpu.memory_space<hbm>>
    %dma_wait3A_728 = arith.constant 0 : i32
    %dma_wait3A_729 = tpu.memref_slice %arg4[%add3A_718, %select_n3A, %dma_wait3A_728] : memref<50x16x49152xf32, #tpu.memory_space<hbm>> -> memref<1x1x49152xf32, #tpu.memory_space<hbm>>
    %dma_wait3A_730 = tpu.memref_squeeze %dma_wait3A_729 : memref<1x1x49152xf32, #tpu.memory_space<hbm>> -> memref<1x49152xf32, #tpu.memory_space<hbm>>
    tpu.wait_dma2 semaphore(%arg10 : memref<!tpu.dma_semaphore, #tpu.memory_space<semaphore_mem>>) src(%arg6 : memref<1x49152xf32, #tpu.memory_space<vmem>>) dst(%dma_wait3A_730 : memref<1x49152xf32, #tpu.memory_space<hbm>>)
    return
  }
}

</mosaic_0001>

<sc_bundles>
// kernel: kernel.3.cloned.1.call-start
scs
__scs_entry_jumppad:
0x0: {  	(pc) =	sbr.rel $0x88, $3  }
0x1: {  	(tag) =	ssettag $0x0;
	lr =	simm.s32 $0x1  }
0x2: {  	[smem:$0x3F9F] =	sst lr;
	_ =	strace $0xD0000000  }
0x3: {  	_ = 	snop  }
0x4: {  	_ = 	snop  }
0x5: {  	_ = 	snop  }
0x6: {  	_ = 	snop  }
0x7: {  	_ = 	snop  }
__scs_overlays_trampoline_lowered:
0x8: {  	[smem:$0x3FAE] =	sst s0  }
0x9: {  	[smem:$0x3FAF] =	sst s1  }
0xa: {  	[smem:$0x3FB0] =	sst s2  }
0xb: {  	[smem:$0x3FB1] =	sst s3  }
0xc: {  	[smem:$0x3FB2] =	sst s4  }
0xd: {  	[smem:$0x3FB3] =	sst s5  }
0xe: {  	[smem:$0x3FB4] =	sst s6  }
0xf: {  	[smem:$0x3FB5] =	sst s7  }
0x10: {  	[smem:$0x3FB6] =	sst s8  }
0x11: {  	[smem:$0x3FB7] =	sst s9;
	s0 =	simm.s32 @!p0 $0x0  }
0x12: {  	s1 =	sld [smem:$0x3F9D];
	s0 =	simm.s32 @p0 $0x1  }
0x13: {  	[smem:$0x3FB8] =	sst s0;
	s0 =	simm.s32 @!p1 $0x0  }
0x14: {  	s2 =	sld [smem:$0x3F9C];
	s0 =	simm.s32 @p1 $0x1  }
0x15: {  	[smem:$0x3FB9] =	sst s0;
	s0 =	simm.s32 @!p2 $0x0  }
0x16: {  	s3 =	sld [smem:$0x3FDB];
	s0 =	simm.s32 @p2 $0x1  }
0x17: {  	s4 =	simm.s32 $0x1BF5;
	[smem:$0x3FBB] =	sst s0  }
0x18: {  	s0 =	sld [smem:$0x3F9E];
	_ =	swait.ge [sflag:s4], $0x0  }
0x19: {  	s7 =	sld [smem:$0x3F9F]  }
0x1a: {  	s8 =	sadd.s32 $0xFFFFE003, lr  }
0x1b: {  	s9 =	sadd.s32 $0xFFFFFEF7, lr;
	s5 =	simm.s32 $0xFFFFFFFF;
	p2 =	slt.u32 s8, $0xFFFFF086  }
0x1c: {  	p1 =	slt.u32 s9, $0xF7A;
	s5 =	simm.s32 @!p2 $0x0  }
0x1d: {  	s5 =	simm.s32 @p1 $0x1;
	p0 =	seq.s32 s7, s2  }
0x1e: {  	s7 =	smul.u32 @!p0 $0xF7A, s2;
	p2 =	seq.s32 @!p0 s5, $0x0  }
0x1f: {  	s9 =	smul.u32 $0xF7A, s1;
	s8 =	simm.s32 @!p0 $0x1BF5;
	p2 =	por !p2, p0  }
0x20: {  	[sflag:s8] =	ssyncset.s32 @!p0 $0xFFFFF086;
	s6 =	sadd.s32 @!p0 s3, s7;
	s7 =	simm.s32 @!p0 $0x108  }
0x21: {  	s3 =	sadd.s32 s3, s9;
	s6 =	sadd.s32 @!p0 $0x88, s6;
	s7 =	simm.s32 @p2 $0x1082  }
0x22: {  	[simem:s7], [sflag:s8] =	dma.local @!p0 [hbm:s6], $0xF7A  }
0x23: {  	s9 =	sor.u32 $0xD0000000, s2;
	s6 =	simm.s32 $0x108;
	_ =	swait.ge @!p0 [sflag:s8], $0x0  }
0x24: {  	s3 =	sadd.s32 $0x88, s3;
	s6 =	simm.s32 @!p1 $0x1082;
	[sflag:s4] =	ssyncset.s32 $0xFFFFF086  }
0x25: {  	[simem:s6], [sflag:s4] =	dma.local [hbm:s3], $0xF7A  }
0x26: {  	[smem:$0x3F9F] =	sst s1;
	(tag) =	ssettag s2;
	_ =	strace s9  }
0x27: {  	s1 =	sld [smem:$0x3FAF]  }
0x28: {  	s2 =	sld [smem:$0x3FB0]  }
0x29: {  	s4 =	sld [smem:$0x3FB2]  }
0x2a: {  	p0 =	seq.s32 s5, $0x0;
	s5 =	sld [smem:$0x3FB3]  }
0x2b: {  	s6 =	sld [smem:$0x3FB4]  }
0x2c: {  	s7 =	sld [smem:$0x3FB5]  }
0x2d: {  	s3 =	simm.s32 $0x108;
	s8 =	sld [smem:$0x3FB6]  }
0x2e: {  	s3 =	simm.s32 @!p0 $0x1082;
	s9 =	sld [smem:$0x3FB7]  }
0x2f: {  	lr =	sadd.s32 s0, s3;
	s0 =	sld [smem:$0x3FAE]  }
0x30: {  	s3 =	sld [smem:$0x3FB1]  }
0x31: {  	[smem:$0x3FBA] =	sst s10  }
0x32: {  	s10 =	sld [smem:$0x3FB8];
	_ =	sdelay $0x3  }
0x33: {  	p0 =	seq.s32 s10, $0x1;
	s10 =	sld [smem:$0x3FBA];
	_ =	sdelay $0x3  }
0x34: {  	[smem:$0x3FBA] =	sst s10  }
0x35: {  	s10 =	sld [smem:$0x3FB9];
	_ =	sdelay $0x3  }
0x36: {  	p1 =	seq.s32 s10, $0x1;
	s10 =	sld [smem:$0x3FBA];
	_ =	sdelay $0x3  }
0x37: {  	[smem:$0x3FBA] =	sst s10  }
0x38: {  	s10 =	sld [smem:$0x3FBB]  }
0x39: {  	_ = 	snop;
	(pc) =	sbr.ind lr, $3  }
0x3a: {  	_ = 	snop  }
0x3b: {  	_ = 	snop  }
0x3c: {  	p2 =	seq.s32 s10, $0x1;
	s10 =	sld [smem:$0x3FBA]  }
0x3d: {  	_ =	shalt  }
0x3e: {  	_ =	shalt  }
0x3f: {  	_ =	shalt  }
0x40: {  	_ =	shalt  }
0x41: {  	_ =	shalt  }
0x42: {  	_ =	shalt  }
0x43: {  	_ =	shalt  }
0x44: {  	_ =	shalt  }
0x45: {  	_ =	shalt  }
0x46: {  	_ =	shalt  }
0x47: {  	_ =	shalt  }
0x48: {  	_ =	shalt  }
0x49: {  	_ =	shalt  }
0x4a: {  	_ =	shalt  }
0x4b: {  	_ =	shalt  }
0x4c: {  	_ =	shalt  }
0x4d: {  	_ =	shalt  }
0x4e: {  	_ =	shalt  }
0x4f: {  	_ =	shalt  }
0x50: {  	_ =	shalt  }
0x51: {  	_ =	shalt  }
0x52: {  	_ =	shalt  }
0x53: {  	_ =	shalt  }
0x54: {  	_ =	shalt  }
0x55: {  	_ =	shalt  }
0x56: {  	_ =	shalt  }
0x57: {  	_ =	shalt  }
0x58: {  	_ =	shalt  }
0x59: {  	_ =	shalt  }
0x5a: {  	_ =	shalt  }
0x5b: {  	_ =	shalt  }
0x5c: {  	_ =	shalt  }
0x5d: {  	_ =	shalt  }
0x5e: {  	_ =	shalt  }
0x5f: {  	_ =	shalt  }
0x60: {  	_ =	shalt  }
0x61: {  	_ =	shalt  }
0x62: {  	_ =	shalt  }
0x63: {  	_ =	shalt  }
0x64: {  	_ =	shalt  }
0x65: {  	_ =	shalt  }
0x66: {  	_ =	shalt  }
0x67: {  	_ =	shalt  }
0x68: {  	_ =	shalt  }
0x69: {  	_ =	shalt  }
0x6a: {  	_ =	shalt  }
0x6b: {  	_ =	shalt  }
0x6c: {  	_ =	shalt  }
0x6d: {  	_ =	shalt  }
0x6e: {  	_ =	shalt  }
0x6f: {  	_ =	shalt  }
0x70: {  	_ =	shalt  }
0x71: {  	_ =	shalt  }
0x72: {  	_ =	shalt  }
0x73: {  	_ =	shalt  }
0x74: {  	_ =	shalt  }
0x75: {  	_ =	shalt  }
0x76: {  	_ =	shalt  }
0x77: {  	_ =	shalt  }
0x78: {  	_ =	shalt  }
0x79: {  	_ =	shalt  }
0x7a: {  	_ =	shalt  }
0x7b: {  	_ =	shalt  }
0x7c: {  	_ =	shalt  }
0x7d: {  	_ =	shalt  }
0x7e: {  	_ =	shalt  }
0x7f: {  	_ =	shalt  }
0x80: {  	_ =	shalt  }
0x81: {  	_ =	shalt  }
0x82: {  	_ =	shalt  }
0x83: {  	_ =	shalt  }
0x84: {  	_ =	shalt  }
0x85: {  	_ =	shalt  }
0x86: {  	_ =	shalt  }
0x87: {  	_ =	shalt  }
.Lfunc_end0:
.L_simem_size_0:
called_computation_lowered:
.L_overlay_start_0:
0x88: {  	s2 =	sld [smem:$0x3FD9]  }
0x89: {  	s3 =	sld [smem:$0x3FFE];
	_ =	sdelay $0x1  }
0x8a: {  	s1 =	srdreg.scid  }
0x8b: {  	s0 =	sand.u32 $0x1, s1  }
0x8c: {  	s17 =	sshll.u32 s0, $0xA;
	s2 =	sadd.s32 s3, s2  }
0x8d: {  	s2 =	sadd.s32 s2, s17  }
0x8e: {  	[smem:$0x3FC6] =	sst s2  }
0x8f: {  	_ = 	snop  }
0x90: {  	s2 =	sld [smem:$0x3FC8]  }
0x91: {  	s18 =	sld [smem:$0x3FD0];
	(tm) =	ssettm $0x1  }
0x92: {  	s4 =	sld [smem:$0x3FFB];
	_ =	sdelay $0x3  }
0x93: {  	_ =	strace s4  }
0x94: {  	s4 =	sld [smem:$0x3FFC];
	_ =	sdelay $0x3  }
0x95: {  	_ =	strace s4  }
0x96: {  	s4 =	sld [smem:$0x3FFD];
	_ =	sdelay $0x3  }
0x97: {  	_ =	strace s4  }
0x98: {  	_ =	strace $0x8FFFFFFF  }
0x99: {  	s19 =	sld [smem:$0x3FDB];
	_ =	sdelay $0x1  }
0x9a: {  	s5 =	simm.s32 $_scs_section_size  }
0x9b: {  	s6 =	simm.s32 $_size__tile_overlayer_lowered;
	s7 =	simm.s32 $_tile_overlayer_lowered  }
0x9c: {  	s22 =	simm.s32 $0x1BFF;
	s21 =	sshll.u32 s7, $0x1;
	s4 =	sadd.s32 s5, s19  }
0x9d: {  	s8 =	simm.s32 $0x0;
	s20 =	sshll.u32 s6, $0x1;
	s6 =	sadd.s32 s21, s4  }
0x9e: {  	[timem:s8], [sflag:s22] =	dma.local [hbm:s6], s20  }
0x9f: {  	_ =	swait.ge [sflag:s22], s20  }
0xa0: {  	s5 =	ssub.s32 $0x0, s20;
	[sflag:s22] =	ssyncset.done $0x0  }
0xa1: {  	[sflag:s22] =	ssyncadd.s32 s5;
	_ =	sdelay $0x1  }
0xa2: {  	s23 =	simm.s32 $0x1B8B  }
0xa3: {  	_ =	swait.ge [sflag:s23], $0x1  }
0xa4: {  	[sflag:s23] =	ssyncset.done $0x0  }
0xa5: {  	s25 =	simm.s32 $0x1B8E;
	s24 =	sld [smem:$0x3FFE];
	[sflag:s23] =	ssyncadd.s32 $0xFFFFFFFF  }
0xa6: {  	s26 =	simm.s32 $execute0_lowered;
	[smem:$0x3FD2] =	sst s25  }
0xa7: {  	s6 =	sshll.u32 s26, $0x1;
	_ =	strace $0x80000046;
	[dreg:$0x1] =	wrdreg $0xFFFFFFFF  }
0xa8: {  	s28 =	simm.s32 $_size_execute0_lowered;
	s4 =	sadd.s32 s4, s6;
	[dreg:$0x0] =	wrdreg $0x0  }
0xa9: {  	s6 =	sshll.u32 s28, $0x1;
	[dreg:$0x2] =	wrdreg s4  }
0xaa: {  	[dreg:$0x3] =	wrdreg s6  }
0xab: {  	[dreg:$0x4] =	wrdreg $0xC0  }
0xac: {  	_ =	task [dreg:s8], $0x5FFFF  }
0xad: {  	[dreg:$0x1] =	wrdreg $0xFFFFFFFF  }
0xae: {  	[dreg:$0x0] =	wrdreg $0x60  }
0xaf: {  	[dreg:$0x2] =	wrdreg s24  }
0xb0: {  	[dreg:$0x3] =	wrdreg s2  }
0xb1: {  	[dreg:$0x4] =	wrdreg s18  }
0xb2: {  	[dreg:$0x5] =	wrdreg $0x9  }
0xb3: {  	_ =	task.clear_ibuf [dreg:s8], $0x6FFFF;
	_ =	strace $0x90000046  }
0xb4: {  	s29 =	simm.s32 $0x9;
	_ =	strace $0x80000048  }
0xb5: {  	_ =	swait.ge [sflag:s29], $0x1  }
0xb6: {  	[sflag:s29] =	ssyncadd.s32 $0xFFFFFFFF  }
0xb7: {  	_ =	strace $0x90000048  }
0xb8: {  	_ =	sfence  }
0xb9: {  	s30 =	sld [smem:$0x0];
	_ =	sdelay $0x2  }
0xba: {  	s31 =	sshll.u32 s1, $0xD;
	s1 =	sshrl.u32 s1, $0x2  }
0xbb: {  	s3 =	sand.u32 $0x4000, s31;
	s1 =	sadd.s32 s1, s30  }
0xbc: {  	s0 =	sor.u32 s3, s0;
	s1 =	sshll.u32 s1, $0x11  }
0xbd: {  	s0 =	sor.u32 s1, s0  }
0xbe: {  	s0 =	sadd.s32 $0x8F2B, s0  }
0xbf: {  	[sflag:s0] =	ssyncadd.remote.s32 $0x1  }
0xc0: {  	_ =	sfence.sel $0xFFFF  }
0xc1: {  	[dreg:$0x0] =	wrdreg $0xFFFFFFFF;
	(pc) =	sbr.abs _section_cstart, $3  }
0xc2: {  	[dreg:$0x1] =	wrdreg $0xFFFFFFFF  }
0xc3: {  	_ =	task.clear_ibuf [dreg:s8], $0x2FFFF;
	_ =	strace $0x9FFFFFFF  }
0xc4: {  	(tm) =	ssettm $0x7FFFFFFF  }
0xc5: {  	_ =	shalt  }
tec
execute0_lowered:
.L_overlay_start_1:
0x0: {  	(tag) =	ssettag $0x1  }
0x1: {  	s1 =	rddreg [dreg:$0x0]  }
0x2: {  	s25 =	rddreg [dreg:$0x1]  }
0x3: {  	s0 =	rddreg [dreg:$0x2];
	s3 =	simm.s32 $0x0  }
0x4: {  	[smem:$0x7FF] =	sst s3;
	s8 =	sadd.s32 $0x2000, s25  }
0x5: {  	s9 =	sadd.s32 $0x2800, s25;
	_ =	strace $0x80000047;
	[smem:$0x7EA] =	sst s8  }
0x6: {  	s2 =	srdreg.scid;
	s11 =	sadd.s32 $0x3800, s25;
	[smem:$0x7EB] =	sst s9  }
0x7: {  	s7 =	stileid.u32;
	s12 =	sadd.s32 $0x4000, s25;
	[smem:$0x7ED] =	sst s11  }
0x8: {  	s2 =	sand.u32 $0x1, s2;
	s13 =	sadd.s32 $0x4800, s25;
	[smem:$0x7EE] =	sst s12  }
0x9: {  	s4 =	sshll.u32 s7, $0x1;
	s18 =	sadd.s32 $0x7000, s25;
	[smem:$0x7EF] =	sst s13  }
0xa: {  	s19 =	sadd.s32 $0x7800, s25;
	s4 =	sor.u32 s2, s4;
	[smem:$0x7F4] =	sst s18  }
0xb: {  	s6 =	ssub.s32 $0x2, s2;
	p1 =	seq.s32 s2, $0x1;
	[smem:$0x7F5] =	sst s19  }
0xc: {  	s5 =	sshll.u32 s4, $0x9;
	p0 =	seq.s32 s4, $0x0;
	s4 =	sshrl.u32 s6, $0x1  }
0xd: {  	s5 =	sadd.s32 s5, s1;
	p0 =	por !p0, !p1;
	s1 =	ssub.s32 s6, s4  }
0xe: {  	s6 =	simm.s32 $0x1;
	p0 =	por !p0, !p0;
	s5 =	sadd.s32 $0x400, s5  }
0xf: {  	s6 =	simm.s32 @!p0 $0x0;
	[dreg:$0x4] =	wrdreg s5;
	s5 =	sadd.s32 $0x800, s25  }
0x10: {  	s14 =	ssub.s32 s7, s6;
	[dreg:$0x1f] =	wrdreg s5;
	s6 =	sadd.s32 $0x1000, s25  }
0x11: {  	s7 =	sadd.s32 $0x1800, s25;
	[smem:$0x7E8] =	sst s6  }
0x12: {  	s2 =	smul.u32 $0x12C0000, s2;
	[smem:$0x7E9] =	sst s7  }
0x13: {  	s10 =	sshrl.u32 s14, $0x3;
	s16 =	sshll.u32 s14, $0x7;
	s14 =	sadd.s32 $0x5000, s25  }
0x14: {  	s15 =	smul.u32 $0x60000, s10;
	s10 =	sadd.s32 $0x3000, s25;
	[smem:$0x7F0] =	sst s14  }
0x15: {  	s17 =	sand.u32 $0x380, s16;
	s16 =	sadd.s32 $0x6000, s25;
	[smem:$0x7EC] =	sst s10  }
0x16: {  	[smem:$0x7F2] =	sst s16;
	s2 =	sadd.s32 s2, s15;
	s15 =	sadd.s32 $0x5800, s25  }
0x17: {  	[smem:$0x7F1] =	sst s15;
	s2 =	sor.u32 s17, s2;
	s17 =	sadd.s32 $0x6800, s25  }
0x18: {  	[smem:$0x7F3] =	sst s17;
	s20 =	sshrl.u32 s2, $0x3  }
0x19: {  	s21 =	sadd.s32 $0xC0000, s2;
	s22 =	sadd.s32 $0x180000, s2;
	s28 =	sadd.s32 $0x300000, s2  }
0x1a: {  	s30 =	sadd.s32 $0x3C0000, s2;
	s31 =	sadd.s32 $0x480000, s2;
	s7 =	sadd.s32 $0x540000, s2  }
0x1b: {  	s9 =	sadd.s32 $0x600000, s2;
	s10 =	sadd.s32 $0x6C0000, s2;
	s14 =	sadd.s32 $0x780000, s2  }
0x1c: {  	s16 =	sadd.s32 $0x840000, s2;
	s17 =	sadd.s32 $0x900000, s2;
	s20 =	sadd.s32 s0, s20  }
0x1d: {  	s21 =	sshrl.u32 s21, $0x3;
	s29 =	sshrl.u32 s28, $0x3;
	s5 =	sshrl.u32 s31, $0x3  }
0x1e: {  	s8 =	sshrl.u32 s7, $0x3;
	s12 =	sshrl.u32 s10, $0x3;
	s15 =	sshrl.u32 s14, $0x3  }
0x1f: {  	s19 =	sshrl.u32 s17, $0x3;
	[dreg:$0x5] =	wrdreg s20;
	s20 =	sadd.s32 s0, s21  }
0x20: {  	s28 =	sadd.s32 $0xB40000, s2;
	s6 =	sadd.s32 s0, s5;
	[dreg:$0x6] =	wrdreg s20  }
0x21: {  	s21 =	sshrl.u32 s22, $0x3;
	s13 =	sadd.s32 s0, s12;
	[dreg:$0xb] =	wrdreg s6  }
0x22: {  	s22 =	sadd.s32 $0x240000, s2;
	s23 =	sadd.s32 s0, s21;
	[dreg:$0xe] =	wrdreg s13  }
0x23: {  	s24 =	sshrl.u32 s22, $0x3;
	s20 =	sadd.s32 s0, s29;
	[dreg:$0x7] =	wrdreg s23  }
0x24: {  	s21 =	sshrl.u32 s30, $0x3;
	s22 =	sadd.s32 s0, s19;
	[dreg:$0x9] =	wrdreg s20  }
0x25: {  	s30 =	sshrl.u32 s28, $0x3;
	s28 =	sadd.s32 $0xA000, s25;
	[dreg:$0x11] =	wrdreg s22  }
0x26: {  	s7 =	sadd.s32 $0xD80000, s2;
	s26 =	sadd.s32 s0, s24;
	[smem:$0x7FA] =	sst s28  }
0x27: {  	s14 =	sadd.s32 $0xFC0000, s2;
	s4 =	sadd.s32 s0, s21;
	[dreg:$0x8] =	wrdreg s26  }
0x28: {  	s6 =	sadd.s32 $0xCC0000, s2;
	s20 =	sadd.s32 s0, s8;
	[dreg:$0xa] =	wrdreg s4  }
0x29: {  	s19 =	sadd.s32 $0x1140000, s2;
	s31 =	sadd.s32 s0, s30;
	[dreg:$0xc] =	wrdreg s20  }
0x2a: {  	s21 =	sshrl.u32 s9, $0x3;
	s30 =	sadd.s32 $0xB000, s25;
	[dreg:$0x14] =	wrdreg s31  }
0x2b: {  	s23 =	sadd.s32 $0x9C0000, s2;
	s11 =	sadd.s32 s0, s21;
	[smem:$0x7FC] =	sst s30  }
0x2c: {  	s9 =	sshrl.u32 s7, $0x3;
	s20 =	sadd.s32 s0, s15;
	[dreg:$0xd] =	wrdreg s11  }
0x2d: {  	s22 =	sshrl.u32 s19, $0x3;
	s10 =	sadd.s32 s0, s9;
	[dreg:$0xf] =	wrdreg s20  }
0x2e: {  	s24 =	sshrl.u32 s23, $0x3;
	s23 =	sadd.s32 $0x8800, s25;
	[dreg:$0x17] =	wrdreg s10  }
0x2f: {  	s13 =	sadd.s32 $0xF00000, s2;
	s22 =	sadd.s32 s0, s22;
	[smem:$0x7F7] =	sst s23  }
0x30: {  	s21 =	sshrl.u32 s16, $0x3;
	s31 =	sadd.s32 $0xB800, s25;
	[dreg:$0x1c] =	wrdreg s22  }
0x31: {  	s26 =	sadd.s32 $0xA80000, s2;
	s18 =	sadd.s32 s0, s21;
	[smem:$0x7FD] =	sst s31  }
0x32: {  	s16 =	sshrl.u32 s14, $0x3;
	s20 =	sadd.s32 s0, s24;
	[dreg:$0x10] =	wrdreg s18  }
0x33: {  	s4 =	sadd.s32 $0xC00000, s2;
	s17 =	sadd.s32 s0, s16;
	[dreg:$0x12] =	wrdreg s20  }
0x34: {  	s21 =	sshrl.u32 s26, $0x3;
	s24 =	sadd.s32 $0x9000, s25;
	[dreg:$0x1a] =	wrdreg s17  }
0x35: {  	s5 =	sshrl.u32 s4, $0x3;
	s26 =	sadd.s32 $0x9800, s25;
	[smem:$0x7F8] =	sst s24  }
0x36: {  	s11 =	sadd.s32 $0xE40000, s2;
	s29 =	sadd.s32 s0, s21;
	[smem:$0x7F9] =	sst s26  }
0x37: {  	s20 =	sadd.s32 s0, s5;
	s21 =	sshrl.u32 s6, $0x3;
	[dreg:$0x13] =	wrdreg s29  }
0x38: {  	s12 =	sshrl.u32 s11, $0x3;
	[dreg:$0x15] =	wrdreg s20;
	s8 =	sadd.s32 s0, s21  }
0x39: {  	s18 =	sadd.s32 $0x1080000, s2;
	s20 =	sadd.s32 s0, s12;
	[dreg:$0x16] =	wrdreg s8  }
0x3a: {  	s21 =	sshrl.u32 s13, $0x3;
	s29 =	sadd.s32 $0xA800, s25;
	[dreg:$0x18] =	wrdreg s20  }
0x3b: {  	s2 =	sadd.s32 $0x1200000, s2;
	s15 =	sadd.s32 s0, s21;
	[smem:$0x7FB] =	sst s29  }
0x3c: {  	s21 =	sshrl.u32 s18, $0x3;
	s20 =	sadd.s32 $0x8000, s25;
	[dreg:$0x19] =	wrdreg s15  }
0x3d: {  	s2 =	sshrl.u32 s2, $0x3;
	[smem:$0x7F6] =	sst s20;
	s21 =	sadd.s32 s0, s21  }
0x3e: {  	v1 =	vlaneseq.u32;
	s0 =	sadd.s32 s0, s2;
	[dreg:$0x1b] =	wrdreg s21  }
0x3f: {  	v0 =	vimm.s32 $0x0;
	vm0 =	vmmov $0xffff;
	v1 =	vmul.u32 $0x8, v1;
	[dreg:$0x1d] =	wrdreg s0;
	s0 =	smax.u32 s1, $0x1  }
.LBB2_1:
0x40: {  	[dreg:$0x1e] =	wrdreg s0  }
0x41: {  	s31 =	rddreg [dreg:$0x4];
	s8 =	simm.s32 $0x5  }
0x42: {  	[tilespmem:s3], [sflag:$0x5] =	stream.linear.gather [hbm4b:s31+s3], $0xC80, $0x38;
	[tilespmem:$0x19000] =	vst v63  }
0x43: {  	_ =	swait.ge [sflag:s8], $0xC80  }
0x44: {  	[sflag:s8] =	ssyncset.done $0x0  }
0x45: {  	[sflag:s8] =	ssyncadd.s32 $0xFFFFF380  }
0x46: {  	v2 =	vld.msk [tilespmem:$0x0], $0x1;
	_ =	sdelay $0x4  }
0x47: {  	v3 =	vshrl.u32 v2, $0x3  }
0x48: {  	v3 =	vmul.u32 $0xC00, v3  }
0x49: {  	v2 =	vand.u32 $0x7, v2  }
0x4a: {  	v2 =	vor.u32 v2, v3  }
0x4b: {  	v2 =	vperm.xlane v2, v0;
	_ =	sdelay $0x1  }
0x4c: {  	v2 =	vadd.s32 v1, v2;
	_ =	sdelay $0x2  }
0x4d: {  	s6 =	rddreg [dreg:$0x1f]  }
0x4e: {  	s1 =	simm.s32 $0x1000;
	s0 =	rddreg [dreg:$0x1]  }
0x4f: {  	[tilespmem:s1], [sflag:$0x1] =	stream.indirect_vreg.gather [hbm4b:s0+s3], $0x80, v2, vm0, $0xb8;
	[tilespmem:$0x19000] =	vst v63  }
0x50: {  	s9 =	simm.s32 $0x1800;
	s7 =	sld [smem:$0x7E8]  }
0x51: {  	[tilespmem:s9], [sflag:$0x1] =	stream.indirect_vreg.gather [hbm4b:s6+s3], $0x80, v2, vm0, $0xb8;
	[tilespmem:$0x19000] =	vst v63  }
0x52: {  	s10 =	simm.s32 $0x2000;
	s8 =	sld [smem:$0x7E9]  }
0x53: {  	[tilespmem:s10], [sflag:$0x1] =	stream.indirect_vreg.gather [hbm4b:s7+s3], $0x80, v2, vm0, $0xb8;
	[tilespmem:$0x19000] =	vst v63  }
0x54: {  	s11 =	simm.s32 $0x2800;
	s9 =	sld [smem:$0x7EA]  }
0x55: {  	[tilespmem:s11], [sflag:$0x1] =	stream.indirect_vreg.gather [hbm4b:s8+s3], $0x80, v2, vm0, $0xb8;
	[tilespmem:$0x19000] =	vst v63  }
0x56: {  	s12 =	simm.s32 $0x3000;
	s10 =	sld [smem:$0x7EB]  }
0x57: {  	[tilespmem:s12], [sflag:$0x1] =	stream.indirect_vreg.gather [hbm4b:s9+s3], $0x80, v2, vm0, $0xb8;
	[tilespmem:$0x19000] =	vst v63  }
0x58: {  	s13 =	simm.s32 $0x3800;
	s11 =	sld [smem:$0x7EC]  }
0x59: {  	[tilespmem:s13], [sflag:$0x1] =	stream.indirect_vreg.gather [hbm4b:s10+s3], $0x80, v2, vm0, $0xb8;
	[tilespmem:$0x19000] =	vst v63  }
0x5a: {  	s14 =	simm.s32 $0x4000;
	s12 =	sld [smem:$0x7ED]  }
0x5b: {  	[tilespmem:s14], [sflag:$0x1] =	stream.indirect_vreg.gather [hbm4b:s11+s3], $0x80, v2, vm0, $0xb8;
	[tilespmem:$0x19000] =	vst v63  }
0x5c: {  	s15 =	simm.s32 $0x4800;
	s13 =	sld [smem:$0x7EE]  }
0x5d: {  	[tilespmem:s15], [sflag:$0x1] =	stream.indirect_vreg.gather [hbm4b:s12+s3], $0x80, v2, vm0, $0xb8;
	[tilespmem:$0x19000] =	vst v63  }
0x5e: {  	s16 =	simm.s32 $0x5000;
	s14 =	sld [smem:$0x7EF]  }
0x5f: {  	[tilespmem:s16], [sflag:$0x1] =	stream.indirect_vreg.gather [hbm4b:s13+s3], $0x80, v2, vm0, $0xb8;
	[tilespmem:$0x19000] =	vst v63  }
0x60: {  	s17 =	simm.s32 $0x5800;
	s15 =	sld [smem:$0x7F0]  }
0x61: {  	[tilespmem:s17], [sflag:$0x1] =	stream.indirect_vreg.gather [hbm4b:s14+s3], $0x80, v2, vm0, $0xb8;
	[tilespmem:$0x19000] =	vst v63  }
0x62: {  	s18 =	simm.s32 $0x6000;
	s16 =	sld [smem:$0x7F1]  }
0x63: {  	[tilespmem:s18], [sflag:$0x1] =	stream.indirect_vreg.gather [hbm4b:s15+s3], $0x80, v2, vm0, $0xb8;
	[tilespmem:$0x19000] =	vst v63  }
0x64: {  	s19 =	simm.s32 $0x6800;
	s17 =	sld [smem:$0x7F2]  }
0x65: {  	[tilespmem:s19], [sflag:$0x1] =	stream.indirect_vreg.gather [hbm4b:s16+s3], $0x80, v2, vm0, $0xb8;
	[tilespmem:$0x19000] =	vst v63  }
0x66: {  	s20 =	simm.s32 $0x7000;
	s18 =	sld [smem:$0x7F3]  }
0x67: {  	[tilespmem:s20], [sflag:$0x1] =	stream.indirect_vreg.gather [hbm4b:s17+s3], $0x80, v2, vm0, $0xb8;
	[tilespmem:$0x19000] =	vst v63  }
0x68: {  	s21 =	simm.s32 $0x7800;
	s19 =	sld [smem:$0x7F4]  }
0x69: {  	[tilespmem:s21], [sflag:$0x1] =	stream.indirect_vreg.gather [hbm4b:s18+s3], $0x80, v2, vm0, $0xb8;
	[tilespmem:$0x19000] =	vst v63  }
0x6a: {  	s22 =	simm.s32 $0x8000;
	s2 =	sld [smem:$0x7F5]  }
0x6b: {  	[tilespmem:s22], [sflag:$0x1] =	stream.indirect_vreg.gather [hbm4b:s19+s3], $0x80, v2, vm0, $0xb8;
	[tilespmem:$0x19000] =	vst v63  }
0x6c: {  	s23 =	simm.s32 $0x8800;
	s21 =	sld [smem:$0x7F6]  }
0x6d: {  	[tilespmem:s23], [sflag:$0x1] =	stream.indirect_vreg.gather [hbm4b:s2+s3], $0x80, v2, vm0, $0xb8;
	[tilespmem:$0x19000] =	vst v63  }
0x6e: {  	s24 =	simm.s32 $0x9000;
	s22 =	sld [smem:$0x7F7]  }
0x6f: {  	[tilespmem:s24], [sflag:$0x1] =	stream.indirect_vreg.gather [hbm4b:s21+s3], $0x80, v2, vm0, $0xb8;
	[tilespmem:$0x19000] =	vst v63  }
0x70: {  	s25 =	simm.s32 $0x9800;
	s23 =	sld [smem:$0x7F8]  }
0x71: {  	[tilespmem:s25], [sflag:$0x1] =	stream.indirect_vreg.gather [hbm4b:s22+s3], $0x80, v2, vm0, $0xb8;
	[tilespmem:$0x19000] =	vst v63  }
0x72: {  	s26 =	simm.s32 $0xA000;
	s24 =	sld [smem:$0x7F9]  }
0x73: {  	[tilespmem:s26], [sflag:$0x1] =	stream.indirect_vreg.gather [hbm4b:s23+s3], $0x80, v2, vm0, $0xb8;
	[tilespmem:$0x19000] =	vst v63  }
0x74: {  	s28 =	simm.s32 $0xA800;
	s26 =	sld [smem:$0x7FA]  }
0x75: {  	[tilespmem:s28], [sflag:$0x1] =	stream.indirect_vreg.gather [hbm4b:s24+s3], $0x80, v2, vm0, $0xb8;
	[tilespmem:$0x19000] =	vst v63  }
0x76: {  	s29 =	simm.s32 $0xB000;
	s28 =	sld [smem:$0x7FB]  }
0x77: {  	[tilespmem:s29], [sflag:$0x1] =	stream.indirect_vreg.gather [hbm4b:s26+s3], $0x80, v2, vm0, $0xb8;
	[tilespmem:$0x19000] =	vst v63  }
0x78: {  	s30 =	simm.s32 $0xB800;
	s29 =	sld [smem:$0x7FC]  }
0x79: {  	[tilespmem:s30], [sflag:$0x1] =	stream.indirect_vreg.gather [hbm4b:s28+s3], $0x80, v2, vm0, $0xb8;
	[tilespmem:$0x19000] =	vst v63  }
0x7a: {  	s31 =	simm.s32 $0xC000;
	s5 =	sld [smem:$0x7FD]  }
0x7b: {  	[tilespmem:s31], [sflag:$0x1] =	stream.indirect_vreg.gather [hbm4b:s29+s3], $0x80, v2, vm0, $0xb8;
	[tilespmem:$0x19000] =	vst v63  }
0x7c: {  	s4 =	simm.s32 $0xC800  }
0x7d: {  	[tilespmem:s4], [sflag:$0x1] =	stream.indirect_vreg.gather [hbm4b:s5+s3], $0x80, v2, vm0, $0xb8;
	[tilespmem:$0x19000] =	vst v63  }
0x7e: {  	v2 =	vld.msk [tilespmem:$0x80], $0x1;
	_ =	sdelay $0x4  }
0x7f: {  	v3 =	vshrl.u32 v2, $0x3  }
0x80: {  	v3 =	vmul.u32 $0xC00, v3  }
0x81: {  	v2 =	vand.u32 $0x7, v2  }
0x82: {  	v2 =	vor.u32 v2, v3  }
0x83: {  	v2 =	vperm.xlane v2, v0;
	_ =	sdelay $0x1  }
0x84: {  	v2 =	vadd.s32 v1, v2;
	_ =	sdelay $0x3  }
0x85: {  	s1 =	smov.u32 s0;
	s20 =	simm.s32 $0xD000  }
0x86: {  	[tilespmem:s20], [sflag:$0x2] =	stream.indirect_vreg.gather [hbm4b:s1+s3], $0x80, v2, vm0, $0xb8;
	[tilespmem:$0x19000] =	vst v63  }
0x87: {  	s25 =	simm.s32 $0xD800  }
0x88: {  	[tilespmem:s25], [sflag:$0x2] =	stream.indirect_vreg.gather [hbm4b:s6+s3], $0x80, v2, vm0, $0xb8;
	[tilespmem:$0x19000] =	vst v63  }
0x89: {  	s30 =	simm.s32 $0xE000  }
0x8a: {  	[tilespmem:s30], [sflag:$0x2] =	stream.indirect_vreg.gather [hbm4b:s7+s3], $0x80, v2, vm0, $0xb8;
	[tilespmem:$0x19000] =	vst v63  }
0x8b: {  	s31 =	simm.s32 $0xE800  }
0x8c: {  	[tilespmem:s31], [sflag:$0x2] =	stream.indirect_vreg.gather [hbm4b:s8+s3], $0x80, v2, vm0, $0xb8;
	[tilespmem:$0x19000] =	vst v63  }
0x8d: {  	s4 =	simm.s32 $0xF000  }
0x8e: {  	[tilespmem:s4], [sflag:$0x2] =	stream.indirect_vreg.gather [hbm4b:s9+s3], $0x80, v2, vm0, $0xb8;
	[tilespmem:$0x19000] =	vst v63  }
0x8f: {  	s20 =	simm.s32 $0xF800  }
0x90: {  	[tilespmem:s20], [sflag:$0x2] =	stream.indirect_vreg.gather [hbm4b:s10+s3], $0x80, v2, vm0, $0xb8;
	[tilespmem:$0x19000] =	vst v63  }
0x91: {  	s30 =	simm.s32 $0x10000  }
0x92: {  	[tilespmem:s30], [sflag:$0x2] =	stream.indirect_vreg.gather [hbm4b:s11+s3], $0x80, v2, vm0, $0xb8;
	[tilespmem:$0x19000] =	vst v63  }
0x93: {  	s31 =	simm.s32 $0x10800  }
0x94: {  	[tilespmem:s31], [sflag:$0x2] =	stream.indirect_vreg.gather [hbm4b:s12+s3], $0x80, v2, vm0, $0xb8;
	[tilespmem:$0x19000] =	vst v63  }
0x95: {  	s4 =	simm.s32 $0x11000  }
0x96: {  	[tilespmem:s4], [sflag:$0x2] =	stream.indirect_vreg.gather [hbm4b:s13+s3], $0x80, v2, vm0, $0xb8;
	[tilespmem:$0x19000] =	vst v63  }
0x97: {  	s20 =	simm.s32 $0x11800  }
0x98: {  	[tilespmem:s20], [sflag:$0x2] =	stream.indirect_vreg.gather [hbm4b:s14+s3], $0x80, v2, vm0, $0xb8;
	[tilespmem:$0x19000] =	vst v63  }
0x99: {  	s30 =	simm.s32 $0x12000  }
0x9a: {  	[tilespmem:s30], [sflag:$0x2] =	stream.indirect_vreg.gather [hbm4b:s15+s3], $0x80, v2, vm0, $0xb8;
	[tilespmem:$0x19000] =	vst v63  }
0x9b: {  	s31 =	simm.s32 $0x12800  }
0x9c: {  	[tilespmem:s31], [sflag:$0x2] =	stream.indirect_vreg.gather [hbm4b:s16+s3], $0x80, v2, vm0, $0xb8;
	[tilespmem:$0x19000] =	vst v63  }
0x9d: {  	s4 =	simm.s32 $0x13000  }
0x9e: {  	[tilespmem:s4], [sflag:$0x2] =	stream.indirect_vreg.gather [hbm4b:s17+s3], $0x80, v2, vm0, $0xb8;
	[tilespmem:$0x19000] =	vst v63  }
0x9f: {  	s20 =	simm.s32 $0x13800  }
0xa0: {  	[tilespmem:s20], [sflag:$0x2] =	stream.indirect_vreg.gather [hbm4b:s18+s3], $0x80, v2, vm0, $0xb8;
	[tilespmem:$0x19000] =	vst v63  }
0xa1: {  	s30 =	simm.s32 $0x14000  }
0xa2: {  	[tilespmem:s30], [sflag:$0x2] =	stream.indirect_vreg.gather [hbm4b:s19+s3], $0x80, v2, vm0, $0xb8;
	[tilespmem:$0x19000] =	vst v63  }
0xa3: {  	s31 =	simm.s32 $0x14800  }
0xa4: {  	[tilespmem:s31], [sflag:$0x2] =	stream.indirect_vreg.gather [hbm4b:s2+s3], $0x80, v2, vm0, $0xb8;
	[tilespmem:$0x19000] =	vst v63  }
0xa5: {  	s4 =	simm.s32 $0x15000  }
0xa6: {  	[tilespmem:s4], [sflag:$0x2] =	stream.indirect_vreg.gather [hbm4b:s21+s3], $0x80, v2, vm0, $0xb8;
	[tilespmem:$0x19000] =	vst v63  }
0xa7: {  	s20 =	simm.s32 $0x15800  }
0xa8: {  	[tilespmem:s20], [sflag:$0x2] =	stream.indirect_vreg.gather [hbm4b:s22+s3], $0x80, v2, vm0, $0xb8;
	[tilespmem:$0x19000] =	vst v63  }
0xa9: {  	s30 =	simm.s32 $0x16000  }
0xaa: {  	[tilespmem:s30], [sflag:$0x2] =	stream.indirect_vreg.gather [hbm4b:s23+s3], $0x80, v2, vm0, $0xb8;
	[tilespmem:$0x19000] =	vst v63  }
0xab: {  	s31 =	simm.s32 $0x16800  }
0xac: {  	[tilespmem:s31], [sflag:$0x2] =	stream.indirect_vreg.gather [hbm4b:s24+s3], $0x80, v2, vm0, $0xb8;
	[tilespmem:$0x19000] =	vst v63  }
0xad: {  	s4 =	simm.s32 $0x17000  }
0xae: {  	[tilespmem:s4], [sflag:$0x2] =	stream.indirect_vreg.gather [hbm4b:s26+s3], $0x80, v2, vm0, $0xb8;
	[tilespmem:$0x19000] =	vst v63  }
0xaf: {  	s20 =	simm.s32 $0x17800  }
0xb0: {  	[tilespmem:s20], [sflag:$0x2] =	stream.indirect_vreg.gather [hbm4b:s28+s3], $0x80, v2, vm0, $0xb8;
	[tilespmem:$0x19000] =	vst v63  }
0xb1: {  	s30 =	simm.s32 $0x18000  }
0xb2: {  	[tilespmem:s30], [sflag:$0x2] =	stream.indirect_vreg.gather [hbm4b:s29+s3], $0x80, v2, vm0, $0xb8;
	[tilespmem:$0x19000] =	vst v63  }
0xb3: {  	s31 =	simm.s32 $0x18800;
	s4 =	simm.s32 $0x1  }
0xb4: {  	[tilespmem:s31], [sflag:$0x2] =	stream.indirect_vreg.gather [hbm4b:s5+s3], $0x80, v2, vm0, $0xb8;
	[tilespmem:$0x19000] =	vst v63  }
0xb5: {  	_ =	swait.ge [sflag:s4], $0xC000  }
0xb6: {  	s20 =	simm.s32 $0x80;
	s30 =	simm.s32 $0x1000;
	[sflag:s4] =	ssyncset.done $0x0  }
0xb7: {  	s31 =	rddreg [dreg:$0x5];
	[sflag:s4] =	ssyncadd.s32 $0xFFFF4000;
	s4 =	simm.s32 $0x400  }
0xb8: {  	[hbm4b:s31+s20] =	stream.strided.scatter [tilespmem:s30], [sflag:$0x3], $0xC000, s4, s20, $0x38;
	[tilespmem:$0x19000] =	vst v63  }
0xb9: {  	s4 =	simm.s32 $0x3  }
0xba: {  	_ =	swait.ge [sflag:s4], $0xC000  }
0xbb: {  	[sflag:s4] =	ssyncset.done $0x0  }
0xbc: {  	[sflag:s4] =	ssyncadd.s32 $0xFFFF4000  }
0xbd: {  	v2 =	vld.msk [tilespmem:$0x100], $0x1;
	_ =	sdelay $0x4  }
0xbe: {  	v3 =	vshrl.u32 v2, $0x3  }
0xbf: {  	v3 =	vmul.u32 $0xC00, v3  }
0xc0: {  	v2 =	vand.u32 $0x7, v2  }
0xc1: {  	v2 =	vor.u32 v2, v3  }
0xc2: {  	v2 =	vperm.xlane v2, v0;
	_ =	sdelay $0x1  }
0xc3: {  	v2 =	vadd.s32 v1, v2;
	_ =	sdelay $0x4  }
0xc4: {  	[tilespmem:s30], [sflag:$0x1] =	stream.indirect_vreg.gather [hbm4b:s1+s3], $0x80, v2, vm0, $0xb8;
	[tilespmem:$0x19000] =	vst v63  }
0xc5: {  	s30 =	simm.s32 $0x1800  }
0xc6: {  	[tilespmem:s30], [sflag:$0x1] =	stream.indirect_vreg.gather [hbm4b:s6+s3], $0x80, v2, vm0, $0xb8;
	[tilespmem:$0x19000] =	vst v63  }
0xc7: {  	s31 =	simm.s32 $0x2000  }
0xc8: {  	[tilespmem:s31], [sflag:$0x1] =	stream.indirect_vreg.gather [hbm4b:s7+s3], $0x80, v2, vm0, $0xb8;
	[tilespmem:$0x19000] =	vst v63  }
0xc9: {  	s4 =	simm.s32 $0x2800  }
0xca: {  	[tilespmem:s4], [sflag:$0x1] =	stream.indirect_vreg.gather [hbm4b:s8+s3], $0x80, v2, vm0, $0xb8;
	[tilespmem:$0x19000] =	vst v63  }
0xcb: {  	s30 =	simm.s32 $0x3000  }
0xcc: {  	[tilespmem:s30], [sflag:$0x1] =	stream.indirect_vreg.gather [hbm4b:s9+s3], $0x80, v2, vm0, $0xb8;
	[tilespmem:$0x19000] =	vst v63  }
0xcd: {  	s31 =	simm.s32 $0x3800  }
0xce: {  	[tilespmem:s31], [sflag:$0x1] =	stream.indirect_vreg.gather [hbm4b:s10+s3], $0x80, v2, vm0, $0xb8;
	[tilespmem:$0x19000] =	vst v63  }
0xcf: {  	s4 =	simm.s32 $0x4000  }
0xd0: {  	[tilespmem:s4], [sflag:$0x1] =	stream.indirect_vreg.gather [hbm4b:s11+s3], $0x80, v2, vm0, $0xb8;
	[tilespmem:$0x19000] =	vst v63  }
0xd1: {  	s30 =	simm.s32 $0x4800  }
0xd2: {  	[tilespmem:s30], [sflag:$0x1] =	stream.indirect_vreg.gather [hbm4b:s12+s3], $0x80, v2, vm0, $0xb8;
	[tilespmem:$0x19000] =	vst v63  }
0xd3: {  	s31 =	simm.s32 $0x5000  }
0xd4: {  	[tilespmem:s31], [sflag:$0x1] =	stream.indirect_vreg.gather [hbm4b:s13+s3], $0x80, v2, vm0, $0xb8;
	[tilespmem:$0x19000] =	vst v63  }
0xd5: {  	s4 =	simm.s32 $0x5800  }
0xd6: {  	[tilespmem:s4], [sflag:$0x1] =	stream.indirect_vreg.gather [hbm4b:s14+s3], $0x80, v2, vm0, $0xb8;
	[tilespmem:$0x19000] =	vst v63  }
0xd7: {  	s30 =	simm.s32 $0x6000  }
0xd8: {  	[tilespmem:s30], [sflag:$0x1] =	stream.indirect_vreg.gather [hbm4b:s15+s3], $0x80, v2, vm0, $0xb8;
	[tilespmem:$0x19000] =	vst v63  }
0xd9: {  	s31 =	simm.s32 $0x6800  }
0xda: {  	[tilespmem:s31], [sflag:$0x1] =	stream.indirect_vreg.gather [hbm4b:s16+s3], $0x80, v2, vm0, $0xb8;
	[tilespmem:$0x19000] =	vst v63  }
0xdb: {  	s4 =	simm.s32 $0x7000  }
0xdc: {  	[tilespmem:s4], [sflag:$0x1] =	stream.indirect_vreg.gather [hbm4b:s17+s3], $0x80, v2, vm0, $0xb8;
	[tilespmem:$0x19000] =	vst v63  }
0xdd: {  	s30 =	simm.s32 $0x7800  }
0xde: {  	[tilespmem:s30], [sflag:$0x1] =	stream.indirect_vreg.gather [hbm4b:s18+s3], $0x80, v2, vm0, $0xb8;
	[tilespmem:$0x19000] =	vst v63  }
0xdf: {  	s31 =	simm.s32 $0x8000  }
0xe0: {  	[tilespmem:s31], [sflag:$0x1] =	stream.indirect_vreg.gather [hbm4b:s19+s3], $0x80, v2, vm0, $0xb8;
	[tilespmem:$0x19000] =	vst v63  }
0xe1: {  	s4 =	simm.s32 $0x8800  }
0xe2: {  	[tilespmem:s4], [sflag:$0x1] =	stream.indirect_vreg.gather [hbm4b:s2+s3], $0x80, v2, vm0, $0xb8;
	[tilespmem:$0x19000] =	vst v63  }
0xe3: {  	s30 =	simm.s32 $0x9000  }
0xe4: {  	[tilespmem:s30], [sflag:$0x1] =	stream.indirect_vreg.gather [hbm4b:s21+s3], $0x80, v2, vm0, $0xb8;
	[tilespmem:$0x19000] =	vst v63  }
0xe5: {  	s31 =	simm.s32 $0x9800  }
0xe6: {  	[tilespmem:s31], [sflag:$0x1] =	stream.indirect_vreg.gather [hbm4b:s22+s3], $0x80, v2, vm0, $0xb8;
	[tilespmem:$0x19000] =	vst v63  }
0xe7: {  	s4 =	simm.s32 $0xA000  }
0xe8: {  	[tilespmem:s4], [sflag:$0x1] =	stream.indirect_vreg.gather [hbm4b:s23+s3], $0x80, v2, vm0, $0xb8;
	[tilespmem:$0x19000] =	vst v63  }
0xe9: {  	s30 =	simm.s32 $0xA800  }
0xea: {  	[tilespmem:s30], [sflag:$0x1] =	stream.indirect_vreg.gather [hbm4b:s24+s3], $0x80, v2, vm0, $0xb8;
	[tilespmem:$0x19000] =	vst v63  }
0xeb: {  	s31 =	simm.s32 $0xB000  }
0xec: {  	[tilespmem:s31], [sflag:$0x1] =	stream.indirect_vreg.gather [hbm4b:s26+s3], $0x80, v2, vm0, $0xb8;
	[tilespmem:$0x19000] =	vst v63  }
0xed: {  	s4 =	simm.s32 $0xB800  }
0xee: {  	[tilespmem:s4], [sflag:$0x1] =	stream.indirect_vreg.gather [hbm4b:s28+s3], $0x80, v2, vm0, $0xb8;
	[tilespmem:$0x19000] =	vst v63  }
0xef: {  	s30 =	simm.s32 $0xC000  }
0xf0: {  	[tilespmem:s30], [sflag:$0x1] =	stream.indirect_vreg.gather [hbm4b:s29+s3], $0x80, v2, vm0, $0xb8;
	[tilespmem:$0x19000] =	vst v63  }
0xf1: {  	s31 =	simm.s32 $0xC800;
	s4 =	simm.s32 $0x2  }
0xf2: {  	[tilespmem:s31], [sflag:$0x1] =	stream.indirect_vreg.gather [hbm4b:s5+s3], $0x80, v2, vm0, $0xb8;
	[tilespmem:$0x19000] =	vst v63  }
0xf3: {  	_ =	swait.ge [sflag:s4], $0xC000  }
0xf4: {  	s20 =	simm.s32 $0x80;
	s30 =	simm.s32 $0x400;
	[sflag:s4] =	ssyncset.done $0x0  }
0xf5: {  	s31 =	rddreg [dreg:$0x6];
	[sflag:s4] =	ssyncadd.s32 $0xFFFF4000;
	s4 =	simm.s32 $0xD000  }
0xf6: {  	[hbm4b:s31+s20] =	stream.strided.scatter [tilespmem:s4], [sflag:$0x4], $0xC000, s30, s20, $0x38;
	[tilespmem:$0x19000] =	vst v63  }
0xf7: {  	s30 =	simm.s32 $0x4  }
0xf8: {  	_ =	swait.ge [sflag:s30], $0xC000  }
0xf9: {  	[sflag:s30] =	ssyncset.done $0x0  }
0xfa: {  	[sflag:s30] =	ssyncadd.s32 $0xFFFF4000  }
0xfb: {  	v2 =	vld.msk [tilespmem:$0x180], $0x1;
	_ =	sdelay $0x4  }
0xfc: {  	v3 =	vshrl.u32 v2, $0x3  }
0xfd: {  	v3 =	vmul.u32 $0xC00, v3  }
0xfe: {  	v2 =	vand.u32 $0x7, v2  }
0xff: {  	v2 =	vor.u32 v2, v3  }
0x100: {  	v2 =	vperm.xlane v2, v0;
	_ =	sdelay $0x1  }
0x101: {  	v2 =	vadd.s32 v1, v2;
	_ =	sdelay $0x4  }
0x102: {  	[tilespmem:s4], [sflag:$0x2] =	stream.indirect_vreg.gather [hbm4b:s1+s3], $0x80, v2, vm0, $0xb8;
	[tilespmem:$0x19000] =	vst v63  }
0x103: {  	s25 =	simm.s32 $0xD800  }
0x104: {  	[tilespmem:s25], [sflag:$0x2] =	stream.indirect_vreg.gather [hbm4b:s6+s3], $0x80, v2, vm0, $0xb8;
	[tilespmem:$0x19000] =	vst v63  }
0x105: {  	s31 =	simm.s32 $0xE000  }
0x106: {  	[tilespmem:s31], [sflag:$0x2] =	stream.indirect_vreg.gather [hbm4b:s7+s3], $0x80, v2, vm0, $0xb8;
	[tilespmem:$0x19000] =	vst v63  }
0x107: {  	s20 =	simm.s32 $0xE800  }
0x108: {  	[tilespmem:s20], [sflag:$0x2] =	stream.indirect_vreg.gather [hbm4b:s8+s3], $0x80, v2, vm0, $0xb8;
	[tilespmem:$0x19000] =	vst v63  }
0x109: {  	s25 =	simm.s32 $0xF000  }
0x10a: {  	[tilespmem:s25], [sflag:$0x2] =	stream.indirect_vreg.gather [hbm4b:s9+s3], $0x80, v2, vm0, $0xb8;
	[tilespmem:$0x19000] =	vst v63  }
0x10b: {  	s31 =	simm.s32 $0xF800  }
0x10c: {  	[tilespmem:s31], [sflag:$0x2] =	stream.indirect_vreg.gather [hbm4b:s10+s3], $0x80, v2, vm0, $0xb8;
	[tilespmem:$0x19000] =	vst v63  }
0x10d: {  	s20 =	simm.s32 $0x10000  }
0x10e: {  	[tilespmem:s20], [sflag:$0x2] =	stream.indirect_vreg.gather [hbm4b:s11+s3], $0x80, v2, vm0, $0xb8;
	[tilespmem:$0x19000] =	vst v63  }
0x10f: {  	s25 =	simm.s32 $0x10800  }
0x110: {  	[tilespmem:s25], [sflag:$0x2] =	stream.indirect_vreg.gather [hbm4b:s12+s3], $0x80, v2, vm0, $0xb8;
	[tilespmem:$0x19000] =	vst v63  }
0x111: {  	s31 =	simm.s32 $0x11000  }
0x112: {  	[tilespmem:s31], [sflag:$0x2] =	stream.indirect_vreg.gather [hbm4b:s13+s3], $0x80, v2, vm0, $0xb8;
	[tilespmem:$0x19000] =	vst v63  }
0x113: {  	s20 =	simm.s32 $0x11800  }
0x114: {  	[tilespmem:s20], [sflag:$0x2] =	stream.indirect_vreg.gather [hbm4b:s14+s3], $0x80, v2, vm0, $0xb8;
	[tilespmem:$0x19000] =	vst v63  }
0x115: {  	s25 =	simm.s32 $0x12000  }
0x116: {  	[tilespmem:s25], [sflag:$0x2] =	stream.indirect_vreg.gather [hbm4b:s15+s3], $0x80, v2, vm0, $0xb8;
	[tilespmem:$0x19000] =	vst v63  }
0x117: {  	s31 =	simm.s32 $0x12800  }
0x118: {  	[tilespmem:s31], [sflag:$0x2] =	stream.indirect_vreg.gather [hbm4b:s16+s3], $0x80, v2, vm0, $0xb8;
	[tilespmem:$0x19000] =	vst v63  }
0x119: {  	s20 =	simm.s32 $0x13000  }
0x11a: {  	[tilespmem:s20], [sflag:$0x2] =	stream.indirect_vreg.gather [hbm4b:s17+s3], $0x80, v2, vm0, $0xb8;
	[tilespmem:$0x19000] =	vst v63  }
0x11b: {  	s25 =	simm.s32 $0x13800  }
0x11c: {  	[tilespmem:s25], [sflag:$0x2] =	stream.indirect_vreg.gather [hbm4b:s18+s3], $0x80, v2, vm0, $0xb8;
	[tilespmem:$0x19000] =	vst v63  }
0x11d: {  	s31 =	simm.s32 $0x14000  }
0x11e: {  	[tilespmem:s31], [sflag:$0x2] =	stream.indirect_vreg.gather [hbm4b:s19+s3], $0x80, v2, vm0, $0xb8;
	[tilespmem:$0x19000] =	vst v63  }
0x11f: {  	s20 =	simm.s32 $0x14800  }
0x120: {  	[tilespmem:s20], [sflag:$0x2] =	stream.indirect_vreg.gather [hbm4b:s2+s3], $0x80, v2, vm0, $0xb8;
	[tilespmem:$0x19000] =	vst v63  }
0x121: {  	s25 =	simm.s32 $0x15000  }
0x122: {  	[tilespmem:s25], [sflag:$0x2] =	stream.indirect_vreg.gather [hbm4b:s21+s3], $0x80, v2, vm0, $0xb8;
	[tilespmem:$0x19000] =	vst v63  }
0x123: {  	s31 =	simm.s32 $0x15800  }
0x124: {  	[tilespmem:s31], [sflag:$0x2] =	stream.indirect_vreg.gather [hbm4b:s22+s3], $0x80, v2, vm0, $0xb8;
	[tilespmem:$0x19000] =	vst v63  }
0x125: {  	s20 =	simm.s32 $0x16000  }
0x126: {  	[tilespmem:s20], [sflag:$0x2] =	stream.indirect_vreg.gather [hbm4b:s23+s3], $0x80, v2, vm0, $0xb8;
	[tilespmem:$0x19000] =	vst v63  }
0x127: {  	s25 =	simm.s32 $0x16800  }
0x128: {  	[tilespmem:s25], [sflag:$0x2] =	stream.indirect_vreg.gather [hbm4b:s24+s3], $0x80, v2, vm0, $0xb8;
	[tilespmem:$0x19000] =	vst v63  }
0x129: {  	s31 =	simm.s32 $0x17000  }
0x12a: {  	[tilespmem:s31], [sflag:$0x2] =	stream.indirect_vreg.gather [hbm4b:s26+s3], $0x80, v2, vm0, $0xb8;
	[tilespmem:$0x19000] =	vst v63  }
0x12b: {  	s20 =	simm.s32 $0x17800  }
0x12c: {  	[tilespmem:s20], [sflag:$0x2] =	stream.indirect_vreg.gather [hbm4b:s28+s3], $0x80, v2, vm0, $0xb8;
	[tilespmem:$0x19000] =	vst v63  }
0x12d: {  	s25 =	simm.s32 $0x18000  }
0x12e: {  	[tilespmem:s25], [sflag:$0x2] =	stream.indirect_vreg.gather [hbm4b:s29+s3], $0x80, v2, vm0, $0xb8;
	[tilespmem:$0x19000] =	vst v63  }
0x12f: {  	s31 =	simm.s32 $0x18800;
	s20 =	simm.s32 $0x1  }
0x130: {  	[tilespmem:s31], [sflag:$0x2] =	stream.indirect_vreg.gather [hbm4b:s5+s3], $0x80, v2, vm0, $0xb8;
	[tilespmem:$0x19000] =	vst v63  }
0x131: {  	_ =	swait.ge [sflag:s20], $0xC000  }
0x132: {  	s0 =	simm.s32 $0x1000;
	s25 =	simm.s32 $0x400;
	[sflag:s20] =	ssyncset.done $0x0  }
0x133: {  	s31 =	rddreg [dreg:$0x7];
	[sflag:s20] =	ssyncadd.s32 $0xFFFF4000;
	s20 =	simm.s32 $0x80  }
0x134: {  	[hbm4b:s31+s20] =	stream.strided.scatter [tilespmem:s0], [sflag:$0x3], $0xC000, s25, s20, $0x38;
	[tilespmem:$0x19000] =	vst v63  }
0x135: {  	s31 =	simm.s32 $0x3  }
0x136: {  	_ =	swait.ge [sflag:s31], $0xC000  }
0x137: {  	[sflag:s31] =	ssyncset.done $0x0  }
0x138: {  	[sflag:s31] =	ssyncadd.s32 $0xFFFF4000  }
0x139: {  	v2 =	vld.msk [tilespmem:$0x200], $0x1;
	_ =	sdelay $0x4  }
0x13a: {  	v3 =	vshrl.u32 v2, $0x3  }
0x13b: {  	v3 =	vmul.u32 $0xC00, v3  }
0x13c: {  	v2 =	vand.u32 $0x7, v2  }
0x13d: {  	v2 =	vor.u32 v2, v3  }
0x13e: {  	v2 =	vperm.xlane v2, v0;
	_ =	sdelay $0x1  }
0x13f: {  	v2 =	vadd.s32 v1, v2;
	_ =	sdelay $0x4  }
0x140: {  	[tilespmem:s0], [sflag:$0x1] =	stream.indirect_vreg.gather [hbm4b:s1+s3], $0x80, v2, vm0, $0xb8;
	[tilespmem:$0x19000] =	vst v63  }
0x141: {  	s31 =	simm.s32 $0x1800  }
0x142: {  	[tilespmem:s31], [sflag:$0x1] =	stream.indirect_vreg.gather [hbm4b:s6+s3], $0x80, v2, vm0, $0xb8;
	[tilespmem:$0x19000] =	vst v63  }
0x143: {  	s31 =	simm.s32 $0x2000  }
0x144: {  	[tilespmem:s31], [sflag:$0x1] =	stream.indirect_vreg.gather [hbm4b:s7+s3], $0x80, v2, vm0, $0xb8;
	[tilespmem:$0x19000] =	vst v63  }
0x145: {  	s31 =	simm.s32 $0x2800  }
0x146: {  	[tilespmem:s31], [sflag:$0x1] =	stream.indirect_vreg.gather [hbm4b:s8+s3], $0x80, v2, vm0, $0xb8;
	[tilespmem:$0x19000] =	vst v63  }
0x147: {  	s31 =	simm.s32 $0x3000  }
0x148: {  	[tilespmem:s31], [sflag:$0x1] =	stream.indirect_vreg.gather [hbm4b:s9+s3], $0x80, v2, vm0, $0xb8;
	[tilespmem:$0x19000] =	vst v63  }
0x149: {  	s31 =	simm.s32 $0x3800  }
0x14a: {  	[tilespmem:s31], [sflag:$0x1] =	stream.indirect_vreg.gather [hbm4b:s10+s3], $0x80, v2, vm0, $0xb8;
	[tilespmem:$0x19000] =	vst v63  }
0x14b: {  	s31 =	simm.s32 $0x4000  }
0x14c: {  	[tilespmem:s31], [sflag:$0x1] =	stream.indirect_vreg.gather [hbm4b:s11+s3], $0x80, v2, vm0, $0xb8;
	[tilespmem:$0x19000] =	vst v63  }
0x14d: {  	s31 =	simm.s32 $0x4800  }
0x14e: {  	[tilespmem:s31], [sflag:$0x1] =	stream.indirect_vreg.gather [hbm4b:s12+s3], $0x80, v2, vm0, $0xb8;
	[tilespmem:$0x19000] =	vst v63  }
0x14f: {  	s31 =	simm.s32 $0x5000  }
0x150: {  	[tilespmem:s31], [sflag:$0x1] =	stream.indirect_vreg.gather [hbm4b:s13+s3], $0x80, v2, vm0, $0xb8;
	[tilespmem:$0x19000] =	vst v63  }
0x151: {  	s31 =	simm.s32 $0x5800  }
0x152: {  	[tilespmem:s31], [sflag:$0x1] =	stream.indirect_vreg.gather [hbm4b:s14+s3], $0x80, v2, vm0, $0xb8;
	[tilespmem:$0x19000] =	vst v63  }
0x153: {  	s31 =	simm.s32 $0x6000  }
0x154: {  	[tilespmem:s31], [sflag:$0x1] =	stream.indirect_vreg.gather [hbm4b:s15+s3], $0x80, v2, vm0, $0xb8;
	[tilespmem:$0x19000] =	vst v63  }
0x155: {  	s31 =	simm.s32 $0x6800  }
0x156: {  	[tilespmem:s31], [sflag:$0x1] =	stream.indirect_vreg.gather [hbm4b:s16+s3], $0x80, v2, vm0, $0xb8;
	[tilespmem:$0x19000] =	vst v63  }
0x157: {  	s31 =	simm.s32 $0x7000  }
0x158: {  	[tilespmem:s31], [sflag:$0x1] =	stream.indirect_vreg.gather [hbm4b:s17+s3], $0x80, v2, vm0, $0xb8;
	[tilespmem:$0x19000] =	vst v63  }
0x159: {  	s31 =	simm.s32 $0x7800  }
0x15a: {  	[tilespmem:s31], [sflag:$0x1] =	stream.indirect_vreg.gather [hbm4b:s18+s3], $0x80, v2, vm0, $0xb8;
	[tilespmem:$0x19000] =	vst v63  }
0x15b: {  	s31 =	simm.s32 $0x8000  }
0x15c: {  	[tilespmem:s31], [sflag:$0x1] =	stream.indirect_vreg.gather [hbm4b:s19+s3], $0x80, v2, vm0, $0xb8;
	[tilespmem:$0x19000] =	vst v63  }
0x15d: {  	s31 =	simm.s32 $0x8800  }
0x15e: {  	[tilespmem:s31], [sflag:$0x1] =	stream.indirect_vreg.gather [hbm4b:s2+s3], $0x80, v2, vm0, $0xb8;
	[tilespmem:$0x19000] =	vst v63  }
0x15f: {  	s31 =	simm.s32 $0x9000  }
0x160: {  	[tilespmem:s31], [sflag:$0x1] =	stream.indirect_vreg.gather [hbm4b:s21+s3], $0x80, v2, vm0, $0xb8;
	[tilespmem:$0x19000] =	vst v63  }
0x161: {  	s31 =	simm.s32 $0x9800  }
0x162: {  	[tilespmem:s31], [sflag:$0x1] =	stream.indirect_vreg.gather [hbm4b:s22+s3], $0x80, v2, vm0, $0xb8;
	[tilespmem:$0x19000] =	vst v63  }
0x163: {  	s31 =	simm.s32 $0xA000  }
0x164: {  	[tilespmem:s31], [sflag:$0x1] =	stream.indirect_vreg.gather [hbm4b:s23+s3], $0x80, v2, vm0, $0xb8;
	[tilespmem:$0x19000] =	vst v63  }
0x165: {  	s31 =	simm.s32 $0xA800  }
0x166: {  	[tilespmem:s31], [sflag:$0x1] =	stream.indirect_vreg.gather [hbm4b:s24+s3], $0x80, v2, vm0, $0xb8;
	[tilespmem:$0x19000] =	vst v63  }
0x167: {  	s31 =	simm.s32 $0xB000  }
0x168: {  	[tilespmem:s31], [sflag:$0x1] =	stream.indirect_vreg.gather [hbm4b:s26+s3], $0x80, v2, vm0, $0xb8;
	[tilespmem:$0x19000] =	vst v63  }
0x169: {  	s31 =	simm.s32 $0xB800  }
0x16a: {  	[tilespmem:s31], [sflag:$0x1] =	stream.indirect_vreg.gather [hbm4b:s28+s3], $0x80, v2, vm0, $0xb8;
	[tilespmem:$0x19000] =	vst v63  }
0x16b: {  	s31 =	simm.s32 $0xC000  }
0x16c: {  	[tilespmem:s31], [sflag:$0x1] =	stream.indirect_vreg.gather [hbm4b:s29+s3], $0x80, v2, vm0, $0xb8;
	[tilespmem:$0x19000] =	vst v63  }
0x16d: {  	s0 =	simm.s32 $0x2;
	s31 =	simm.s32 $0xC800  }
0x16e: {  	[tilespmem:s31], [sflag:$0x1] =	stream.indirect_vreg.gather [hbm4b:s5+s3], $0x80, v2, vm0, $0xb8;
	[tilespmem:$0x19000] =	vst v63  }
0x16f: {  	_ =	swait.ge [sflag:s0], $0xC000  }
0x170: {  	s25 =	simm.s32 $0x80;
	[sflag:s0] =	ssyncset.done $0x0  }
0x171: {  	s31 =	rddreg [dreg:$0x8];
	[sflag:s0] =	ssyncadd.s32 $0xFFFF4000;
	s0 =	simm.s32 $0x400  }
0x172: {  	[hbm4b:s31+s25] =	stream.strided.scatter [tilespmem:s4], [sflag:$0x4], $0xC000, s0, s25, $0x38;
	[tilespmem:$0x19000] =	vst v63  }
0x173: {  	_ =	swait.ge [sflag:s30], $0xC000  }
0x174: {  	[sflag:s30] =	ssyncset.done $0x0  }
0x175: {  	[sflag:s30] =	ssyncadd.s32 $0xFFFF4000  }
0x176: {  	v2 =	vld.msk [tilespmem:$0x280], $0x1;
	_ =	sdelay $0x4  }
0x177: {  	v3 =	vshrl.u32 v2, $0x3  }
0x178: {  	v3 =	vmul.u32 $0xC00, v3  }
0x179: {  	v2 =	vand.u32 $0x7, v2  }
0x17a: {  	v2 =	vor.u32 v2, v3  }
0x17b: {  	v2 =	vperm.xlane v2, v0;
	_ =	sdelay $0x1  }
0x17c: {  	v2 =	vadd.s32 v1, v2;
	_ =	sdelay $0x4  }
0x17d: {  	[tilespmem:s4], [sflag:$0x2] =	stream.indirect_vreg.gather [hbm4b:s1+s3], $0x80, v2, vm0, $0xb8;
	[tilespmem:$0x19000] =	vst v63  }
0x17e: {  	s31 =	simm.s32 $0xD800  }
0x17f: {  	[tilespmem:s31], [sflag:$0x2] =	stream.indirect_vreg.gather [hbm4b:s6+s3], $0x80, v2, vm0, $0xb8;
	[tilespmem:$0x19000] =	vst v63  }
0x180: {  	s4 =	simm.s32 $0xE000  }
0x181: {  	[tilespmem:s4], [sflag:$0x2] =	stream.indirect_vreg.gather [hbm4b:s7+s3], $0x80, v2, vm0, $0xb8;
	[tilespmem:$0x19000] =	vst v63  }
0x182: {  	s31 =	simm.s32 $0xE800  }
0x183: {  	[tilespmem:s31], [sflag:$0x2] =	stream.indirect_vreg.gather [hbm4b:s8+s3], $0x80, v2, vm0, $0xb8;
	[tilespmem:$0x19000] =	vst v63  }
0x184: {  	s4 =	simm.s32 $0xF000  }
0x185: {  	[tilespmem:s4], [sflag:$0x2] =	stream.indirect_vreg.gather [hbm4b:s9+s3], $0x80, v2, vm0, $0xb8;
	[tilespmem:$0x19000] =	vst v63  }
0x186: {  	s31 =	simm.s32 $0xF800  }
0x187: {  	[tilespmem:s31], [sflag:$0x2] =	stream.indirect_vreg.gather [hbm4b:s10+s3], $0x80, v2, vm0, $0xb8;
	[tilespmem:$0x19000] =	vst v63  }
0x188: {  	s4 =	simm.s32 $0x10000  }
0x189: {  	[tilespmem:s4], [sflag:$0x2] =	stream.indirect_vreg.gather [hbm4b:s11+s3], $0x80, v2, vm0, $0xb8;
	[tilespmem:$0x19000] =	vst v63  }
0x18a: {  	s31 =	simm.s32 $0x10800  }
0x18b: {  	[tilespmem:s31], [sflag:$0x2] =	stream.indirect_vreg.gather [hbm4b:s12+s3], $0x80, v2, vm0, $0xb8;
	[tilespmem:$0x19000] =	vst v63  }
0x18c: {  	s4 =	simm.s32 $0x11000  }
0x18d: {  	[tilespmem:s4], [sflag:$0x2] =	stream.indirect_vreg.gather [hbm4b:s13+s3], $0x80, v2, vm0, $0xb8;
	[tilespmem:$0x19000] =	vst v63  }
0x18e: {  	s31 =	simm.s32 $0x11800  }
0x18f: {  	[tilespmem:s31], [sflag:$0x2] =	stream.indirect_vreg.gather [hbm4b:s14+s3], $0x80, v2, vm0, $0xb8;
	[tilespmem:$0x19000] =	vst v63  }
0x190: {  	s4 =	simm.s32 $0x12000  }
0x191: {  	[tilespmem:s4], [sflag:$0x2] =	stream.indirect_vreg.gather [hbm4b:s15+s3], $0x80, v2, vm0, $0xb8;
	[tilespmem:$0x19000] =	vst v63  }
0x192: {  	s31 =	simm.s32 $0x12800  }
0x193: {  	[tilespmem:s31], [sflag:$0x2] =	stream.indirect_vreg.gather [hbm4b:s16+s3], $0x80, v2, vm0, $0xb8;
	[tilespmem:$0x19000] =	vst v63  }
0x194: {  	s4 =	simm.s32 $0x13000  }
0x195: {  	[tilespmem:s4], [sflag:$0x2] =	stream.indirect_vreg.gather [hbm4b:s17+s3], $0x80, v2, vm0, $0xb8;
	[tilespmem:$0x19000] =	vst v63  }
0x196: {  	s31 =	simm.s32 $0x13800  }
0x197: {  	[tilespmem:s31], [sflag:$0x2] =	stream.indirect_vreg.gather [hbm4b:s18+s3], $0x80, v2, vm0, $0xb8;
	[tilespmem:$0x19000] =	vst v63  }
0x198: {  	s4 =	simm.s32 $0x14000  }
0x199: {  	[tilespmem:s4], [sflag:$0x2] =	stream.indirect_vreg.gather [hbm4b:s19+s3], $0x80, v2, vm0, $0xb8;
	[tilespmem:$0x19000] =	vst v63  }
0x19a: {  	s31 =	simm.s32 $0x14800  }
0x19b: {  	[tilespmem:s31], [sflag:$0x2] =	stream.indirect_vreg.gather [hbm4b:s2+s3], $0x80, v2, vm0, $0xb8;
	[tilespmem:$0x19000] =	vst v63  }
0x19c: {  	s4 =	simm.s32 $0x15000  }
0x19d: {  	[tilespmem:s4], [sflag:$0x2] =	stream.indirect_vreg.gather [hbm4b:s21+s3], $0x80, v2, vm0, $0xb8;
	[tilespmem:$0x19000] =	vst v63  }
0x19e: {  	s31 =	simm.s32 $0x15800  }
0x19f: {  	[tilespmem:s31], [sflag:$0x2] =	stream.indirect_vreg.gather [hbm4b:s22+s3], $0x80, v2, vm0, $0xb8;
	[tilespmem:$0x19000] =	vst v63  }
0x1a0: {  	s4 =	simm.s32 $0x16000  }
0x1a1: {  	[tilespmem:s4], [sflag:$0x2] =	stream.indirect_vreg.gather [hbm4b:s23+s3], $0x80, v2, vm0, $0xb8;
	[tilespmem:$0x19000] =	vst v63  }
0x1a2: {  	s31 =	simm.s32 $0x16800  }
0x1a3: {  	[tilespmem:s31], [sflag:$0x2] =	stream.indirect_vreg.gather [hbm4b:s24+s3], $0x80, v2, vm0, $0xb8;
	[tilespmem:$0x19000] =	vst v63  }
0x1a4: {  	s4 =	simm.s32 $0x17000  }
0x1a5: {  	[tilespmem:s4], [sflag:$0x2] =	stream.indirect_vreg.gather [hbm4b:s26+s3], $0x80, v2, vm0, $0xb8;
	[tilespmem:$0x19000] =	vst v63  }
0x1a6: {  	s31 =	simm.s32 $0x17800  }
0x1a7: {  	[tilespmem:s31], [sflag:$0x2] =	stream.indirect_vreg.gather [hbm4b:s28+s3], $0x80, v2, vm0, $0xb8;
	[tilespmem:$0x19000] =	vst v63  }
0x1a8: {  	s4 =	simm.s32 $0x18000  }
0x1a9: {  	[tilespmem:s4], [sflag:$0x2] =	stream.indirect_vreg.gather [hbm4b:s29+s3], $0x80, v2, vm0, $0xb8;
	[tilespmem:$0x19000] =	vst v63  }
0x1aa: {  	s31 =	simm.s32 $0x18800;
	s4 =	simm.s32 $0x1  }
0x1ab: {  	[tilespmem:s31], [sflag:$0x2] =	stream.indirect_vreg.gather [hbm4b:s5+s3], $0x80, v2, vm0, $0xb8;
	[tilespmem:$0x19000] =	vst v63  }
0x1ac: {  	s20 =	simm.s32 $0x3;
	_ =	swait.ge [sflag:s4], $0xC000  }
0x1ad: {  	s25 =	simm.s32 $0x400;
	s0 =	simm.s32 $0x1000;
	[sflag:s4] =	ssyncset.done $0x0  }
0x1ae: {  	s31 =	rddreg [dreg:$0x9];
	[sflag:s4] =	ssyncadd.s32 $0xFFFF4000;
	s4 =	simm.s32 $0x80  }
0x1af: {  	[hbm4b:s31+s4] =	stream.strided.scatter [tilespmem:s0], [sflag:$0x3], $0xC000, s25, s4, $0x38;
	[tilespmem:$0x19000] =	vst v63  }
0x1b0: {  	_ =	swait.ge [sflag:s20], $0xC000  }
0x1b1: {  	[sflag:s20] =	ssyncset.done $0x0  }
0x1b2: {  	[sflag:s20] =	ssyncadd.s32 $0xFFFF4000  }
0x1b3: {  	v2 =	vld.msk [tilespmem:$0x300], $0x1;
	_ =	sdelay $0x4  }
0x1b4: {  	v3 =	vshrl.u32 v2, $0x3  }
0x1b5: {  	v3 =	vmul.u32 $0xC00, v3  }
0x1b6: {  	v2 =	vand.u32 $0x7, v2  }
0x1b7: {  	v2 =	vor.u32 v2, v3  }
0x1b8: {  	v2 =	vperm.xlane v2, v0;
	_ =	sdelay $0x1  }
0x1b9: {  	v2 =	vadd.s32 v1, v2;
	_ =	sdelay $0x4  }
0x1ba: {  	[tilespmem:s0], [sflag:$0x1] =	stream.indirect_vreg.gather [hbm4b:s1+s3], $0x80, v2, vm0, $0xb8;
	[tilespmem:$0x19000] =	vst v63  }
0x1bb: {  	s20 =	simm.s32 $0x1800  }
0x1bc: {  	[tilespmem:s20], [sflag:$0x1] =	stream.indirect_vreg.gather [hbm4b:s6+s3], $0x80, v2, vm0, $0xb8;
	[tilespmem:$0x19000] =	vst v63  }
0x1bd: {  	s31 =	simm.s32 $0x2000  }
0x1be: {  	[tilespmem:s31], [sflag:$0x1] =	stream.indirect_vreg.gather [hbm4b:s7+s3], $0x80, v2, vm0, $0xb8;
	[tilespmem:$0x19000] =	vst v63  }
0x1bf: {  	s4 =	simm.s32 $0x2800  }
0x1c0: {  	[tilespmem:s4], [sflag:$0x1] =	stream.indirect_vreg.gather [hbm4b:s8+s3], $0x80, v2, vm0, $0xb8;
	[tilespmem:$0x19000] =	vst v63  }
0x1c1: {  	s20 =	simm.s32 $0x3000  }
0x1c2: {  	[tilespmem:s20], [sflag:$0x1] =	stream.indirect_vreg.gather [hbm4b:s9+s3], $0x80, v2, vm0, $0xb8;
	[tilespmem:$0x19000] =	vst v63  }
0x1c3: {  	s31 =	simm.s32 $0x3800  }
0x1c4: {  	[tilespmem:s31], [sflag:$0x1] =	stream.indirect_vreg.gather [hbm4b:s10+s3], $0x80, v2, vm0, $0xb8;
	[tilespmem:$0x19000] =	vst v63  }
0x1c5: {  	s4 =	simm.s32 $0x4000  }
0x1c6: {  	[tilespmem:s4], [sflag:$0x1] =	stream.indirect_vreg.gather [hbm4b:s11+s3], $0x80, v2, vm0, $0xb8;
	[tilespmem:$0x19000] =	vst v63  }
0x1c7: {  	s20 =	simm.s32 $0x4800  }
0x1c8: {  	[tilespmem:s20], [sflag:$0x1] =	stream.indirect_vreg.gather [hbm4b:s12+s3], $0x80, v2, vm0, $0xb8;
	[tilespmem:$0x19000] =	vst v63  }
0x1c9: {  	s31 =	simm.s32 $0x5000  }
0x1ca: {  	[tilespmem:s31], [sflag:$0x1] =	stream.indirect_vreg.gather [hbm4b:s13+s3], $0x80, v2, vm0, $0xb8;
	[tilespmem:$0x19000] =	vst v63  }
0x1cb: {  	s4 =	simm.s32 $0x5800  }
0x1cc: {  	[tilespmem:s4], [sflag:$0x1] =	stream.indirect_vreg.gather [hbm4b:s14+s3], $0x80, v2, vm0, $0xb8;
	[tilespmem:$0x19000] =	vst v63  }
0x1cd: {  	s20 =	simm.s32 $0x6000  }
0x1ce: {  	[tilespmem:s20], [sflag:$0x1] =	stream.indirect_vreg.gather [hbm4b:s15+s3], $0x80, v2, vm0, $0xb8;
	[tilespmem:$0x19000] =	vst v63  }
0x1cf: {  	s31 =	simm.s32 $0x6800  }
0x1d0: {  	[tilespmem:s31], [sflag:$0x1] =	stream.indirect_vreg.gather [hbm4b:s16+s3], $0x80, v2, vm0, $0xb8;
	[tilespmem:$0x19000] =	vst v63  }
0x1d1: {  	s4 =	simm.s32 $0x7000  }
0x1d2: {  	[tilespmem:s4], [sflag:$0x1] =	stream.indirect_vreg.gather [hbm4b:s17+s3], $0x80, v2, vm0, $0xb8;
	[tilespmem:$0x19000] =	vst v63  }
0x1d3: {  	s20 =	simm.s32 $0x7800  }
0x1d4: {  	[tilespmem:s20], [sflag:$0x1] =	stream.indirect_vreg.gather [hbm4b:s18+s3], $0x80, v2, vm0, $0xb8;
	[tilespmem:$0x19000] =	vst v63  }
0x1d5: {  	s31 =	simm.s32 $0x8000  }
0x1d6: {  	[tilespmem:s31], [sflag:$0x1] =	stream.indirect_vreg.gather [hbm4b:s19+s3], $0x80, v2, vm0, $0xb8;
	[tilespmem:$0x19000] =	vst v63  }
0x1d7: {  	s4 =	simm.s32 $0x8800  }
0x1d8: {  	[tilespmem:s4], [sflag:$0x1] =	stream.indirect_vreg.gather [hbm4b:s2+s3], $0x80, v2, vm0, $0xb8;
	[tilespmem:$0x19000] =	vst v63  }
0x1d9: {  	s20 =	simm.s32 $0x9000  }
0x1da: {  	[tilespmem:s20], [sflag:$0x1] =	stream.indirect_vreg.gather [hbm4b:s21+s3], $0x80, v2, vm0, $0xb8;
	[tilespmem:$0x19000] =	vst v63  }
0x1db: {  	s31 =	simm.s32 $0x9800  }
0x1dc: {  	[tilespmem:s31], [sflag:$0x1] =	stream.indirect_vreg.gather [hbm4b:s22+s3], $0x80, v2, vm0, $0xb8;
	[tilespmem:$0x19000] =	vst v63  }
0x1dd: {  	s4 =	simm.s32 $0xA000  }
0x1de: {  	[tilespmem:s4], [sflag:$0x1] =	stream.indirect_vreg.gather [hbm4b:s23+s3], $0x80, v2, vm0, $0xb8;
	[tilespmem:$0x19000] =	vst v63  }
0x1df: {  	s20 =	simm.s32 $0xA800  }
0x1e0: {  	[tilespmem:s20], [sflag:$0x1] =	stream.indirect_vreg.gather [hbm4b:s24+s3], $0x80, v2, vm0, $0xb8;
	[tilespmem:$0x19000] =	vst v63  }
0x1e1: {  	s31 =	simm.s32 $0xB000  }
0x1e2: {  	[tilespmem:s31], [sflag:$0x1] =	stream.indirect_vreg.gather [hbm4b:s26+s3], $0x80, v2, vm0, $0xb8;
	[tilespmem:$0x19000] =	vst v63  }
0x1e3: {  	s4 =	simm.s32 $0xB800  }
0x1e4: {  	[tilespmem:s4], [sflag:$0x1] =	stream.indirect_vreg.gather [hbm4b:s28+s3], $0x80, v2, vm0, $0xb8;
	[tilespmem:$0x19000] =	vst v63  }
0x1e5: {  	s20 =	simm.s32 $0xC000  }
0x1e6: {  	[tilespmem:s20], [sflag:$0x1] =	stream.indirect_vreg.gather [hbm4b:s29+s3], $0x80, v2, vm0, $0xb8;
	[tilespmem:$0x19000] =	vst v63  }
0x1e7: {  	s31 =	simm.s32 $0xC800;
	s4 =	simm.s32 $0x2  }
0x1e8: {  	[tilespmem:s31], [sflag:$0x1] =	stream.indirect_vreg.gather [hbm4b:s5+s3], $0x80, v2, vm0, $0xb8;
	[tilespmem:$0x19000] =	vst v63  }
0x1e9: {  	_ =	swait.ge [sflag:s4], $0xC000  }
0x1ea: {  	s25 =	simm.s32 $0x80;
	s0 =	simm.s32 $0xD000;
	[sflag:s4] =	ssyncset.done $0x0  }
0x1eb: {  	s20 =	rddreg [dreg:$0xa];
	[sflag:s4] =	ssyncadd.s32 $0xFFFF4000;
	s4 =	simm.s32 $0x400  }
0x1ec: {  	[hbm4b:s20+s25] =	stream.strided.scatter [tilespmem:s0], [sflag:$0x4], $0xC000, s4, s25, $0x38;
	[tilespmem:$0x19000] =	vst v63  }
0x1ed: {  	_ =	swait.ge [sflag:s30], $0xC000  }
0x1ee: {  	[sflag:s30] =	ssyncset.done $0x0  }
0x1ef: {  	[sflag:s30] =	ssyncadd.s32 $0xFFFF4000  }
0x1f0: {  	v2 =	vld.msk [tilespmem:$0x380], $0x1;
	_ =	sdelay $0x4  }
0x1f1: {  	v3 =	vshrl.u32 v2, $0x3  }
0x1f2: {  	v3 =	vmul.u32 $0xC00, v3  }
0x1f3: {  	v2 =	vand.u32 $0x7, v2  }
0x1f4: {  	v2 =	vor.u32 v2, v3  }
0x1f5: {  	v2 =	vperm.xlane v2, v0;
	_ =	sdelay $0x1  }
0x1f6: {  	v2 =	vadd.s32 v1, v2;
	_ =	sdelay $0x4  }
0x1f7: {  	[tilespmem:s0], [sflag:$0x2] =	stream.indirect_vreg.gather [hbm4b:s1+s3], $0x80, v2, vm0, $0xb8;
	[tilespmem:$0x19000] =	vst v63  }
0x1f8: {  	s31 =	simm.s32 $0xD800  }
0x1f9: {  	[tilespmem:s31], [sflag:$0x2] =	stream.indirect_vreg.gather [hbm4b:s6+s3], $0x80, v2, vm0, $0xb8;
	[tilespmem:$0x19000] =	vst v63  }
0x1fa: {  	s4 =	simm.s32 $0xE000  }
0x1fb: {  	[tilespmem:s4], [sflag:$0x2] =	stream.indirect_vreg.gather [hbm4b:s7+s3], $0x80, v2, vm0, $0xb8;
	[tilespmem:$0x19000] =	vst v63  }
0x1fc: {  	s31 =	simm.s32 $0xE800  }
0x1fd: {  	[tilespmem:s31], [sflag:$0x2] =	stream.indirect_vreg.gather [hbm4b:s8+s3], $0x80, v2, vm0, $0xb8;
	[tilespmem:$0x19000] =	vst v63  }
0x1fe: {  	s4 =	simm.s32 $0xF000  }
0x1ff: {  	[tilespmem:s4], [sflag:$0x2] =	stream.indirect_vreg.gather [hbm4b:s9+s3], $0x80, v2, vm0, $0xb8;
	[tilespmem:$0x19000] =	vst v63  }
0x200: {  	s31 =	simm.s32 $0xF800  }
0x201: {  	[tilespmem:s31], [sflag:$0x2] =	stream.indirect_vreg.gather [hbm4b:s10+s3], $0x80, v2, vm0, $0xb8;
	[tilespmem:$0x19000] =	vst v63  }
0x202: {  	s4 =	simm.s32 $0x10000  }
0x203: {  	[tilespmem:s4], [sflag:$0x2] =	stream.indirect_vreg.gather [hbm4b:s11+s3], $0x80, v2, vm0, $0xb8;
	[tilespmem:$0x19000] =	vst v63  }
0x204: {  	s31 =	simm.s32 $0x10800  }
0x205: {  	[tilespmem:s31], [sflag:$0x2] =	stream.indirect_vreg.gather [hbm4b:s12+s3], $0x80, v2, vm0, $0xb8;
	[tilespmem:$0x19000] =	vst v63  }
0x206: {  	s4 =	simm.s32 $0x11000  }
0x207: {  	[tilespmem:s4], [sflag:$0x2] =	stream.indirect_vreg.gather [hbm4b:s13+s3], $0x80, v2, vm0, $0xb8;
	[tilespmem:$0x19000] =	vst v63  }
0x208: {  	s31 =	simm.s32 $0x11800  }
0x209: {  	[tilespmem:s31], [sflag:$0x2] =	stream.indirect_vreg.gather [hbm4b:s14+s3], $0x80, v2, vm0, $0xb8;
	[tilespmem:$0x19000] =	vst v63  }
0x20a: {  	s4 =	simm.s32 $0x12000  }
0x20b: {  	[tilespmem:s4], [sflag:$0x2] =	stream.indirect_vreg.gather [hbm4b:s15+s3], $0x80, v2, vm0, $0xb8;
	[tilespmem:$0x19000] =	vst v63  }
0x20c: {  	s31 =	simm.s32 $0x12800  }
0x20d: {  	[tilespmem:s31], [sflag:$0x2] =	stream.indirect_vreg.gather [hbm4b:s16+s3], $0x80, v2, vm0, $0xb8;
	[tilespmem:$0x19000] =	vst v63  }
0x20e: {  	s4 =	simm.s32 $0x13000  }
0x20f: {  	[tilespmem:s4], [sflag:$0x2] =	stream.indirect_vreg.gather [hbm4b:s17+s3], $0x80, v2, vm0, $0xb8;
	[tilespmem:$0x19000] =	vst v63  }
0x210: {  	s31 =	simm.s32 $0x13800  }
0x211: {  	[tilespmem:s31], [sflag:$0x2] =	stream.indirect_vreg.gather [hbm4b:s18+s3], $0x80, v2, vm0, $0xb8;
	[tilespmem:$0x19000] =	vst v63  }
0x212: {  	s4 =	simm.s32 $0x14000  }
0x213: {  	[tilespmem:s4], [sflag:$0x2] =	stream.indirect_vreg.gather [hbm4b:s19+s3], $0x80, v2, vm0, $0xb8;
	[tilespmem:$0x19000] =	vst v63  }
0x214: {  	s31 =	simm.s32 $0x14800  }
0x215: {  	[tilespmem:s31], [sflag:$0x2] =	stream.indirect_vreg.gather [hbm4b:s2+s3], $0x80, v2, vm0, $0xb8;
	[tilespmem:$0x19000] =	vst v63  }
0x216: {  	s4 =	simm.s32 $0x15000  }
0x217: {  	[tilespmem:s4], [sflag:$0x2] =	stream.indirect_vreg.gather [hbm4b:s21+s3], $0x80, v2, vm0, $0xb8;
	[tilespmem:$0x19000] =	vst v63  }
0x218: {  	s31 =	simm.s32 $0x15800  }
0x219: {  	[tilespmem:s31], [sflag:$0x2] =	stream.indirect_vreg.gather [hbm4b:s22+s3], $0x80, v2, vm0, $0xb8;
	[tilespmem:$0x19000] =	vst v63  }
0x21a: {  	s4 =	simm.s32 $0x16000  }
0x21b: {  	[tilespmem:s4], [sflag:$0x2] =	stream.indirect_vreg.gather [hbm4b:s23+s3], $0x80, v2, vm0, $0xb8;
	[tilespmem:$0x19000] =	vst v63  }
0x21c: {  	s31 =	simm.s32 $0x16800  }
0x21d: {  	[tilespmem:s31], [sflag:$0x2] =	stream.indirect_vreg.gather [hbm4b:s24+s3], $0x80, v2, vm0, $0xb8;
	[tilespmem:$0x19000] =	vst v63  }
0x21e: {  	s4 =	simm.s32 $0x17000  }
0x21f: {  	[tilespmem:s4], [sflag:$0x2] =	stream.indirect_vreg.gather [hbm4b:s26+s3], $0x80, v2, vm0, $0xb8;
	[tilespmem:$0x19000] =	vst v63  }
0x220: {  	s31 =	simm.s32 $0x17800  }
0x221: {  	[tilespmem:s31], [sflag:$0x2] =	stream.indirect_vreg.gather [hbm4b:s28+s3], $0x80, v2, vm0, $0xb8;
	[tilespmem:$0x19000] =	vst v63  }
0x222: {  	s4 =	simm.s32 $0x18000  }
0x223: {  	[tilespmem:s4], [sflag:$0x2] =	stream.indirect_vreg.gather [hbm4b:s29+s3], $0x80, v2, vm0, $0xb8;
	[tilespmem:$0x19000] =	vst v63  }
0x224: {  	s31 =	simm.s32 $0x18800;
	s4 =	simm.s32 $0x1  }
0x225: {  	[tilespmem:s31], [sflag:$0x2] =	stream.indirect_vreg.gather [hbm4b:s5+s3], $0x80, v2, vm0, $0xb8;
	[tilespmem:$0x19000] =	vst v63  }
0x226: {  	_ =	swait.ge [sflag:s4], $0xC000  }
0x227: {  	s20 =	simm.s32 $0x80;
	s25 =	simm.s32 $0x400;
	[sflag:s4] =	ssyncset.done $0x0  }
0x228: {  	s31 =	rddreg [dreg:$0xb];
	[sflag:s4] =	ssyncadd.s32 $0xFFFF4000;
	s4 =	simm.s32 $0x1000  }
0x229: {  	[hbm4b:s31+s20] =	stream.strided.scatter [tilespmem:s4], [sflag:$0x3], $0xC000, s25, s20, $0x38;
	[tilespmem:$0x19000] =	vst v63  }
0x22a: {  	s25 =	simm.s32 $0x3  }
0x22b: {  	_ =	swait.ge [sflag:s25], $0xC000  }
0x22c: {  	[sflag:s25] =	ssyncset.done $0x0  }
0x22d: {  	[sflag:s25] =	ssyncadd.s32 $0xFFFF4000  }
0x22e: {  	v2 =	vld.msk [tilespmem:$0x400], $0x1;
	_ =	sdelay $0x4  }
0x22f: {  	v3 =	vshrl.u32 v2, $0x3  }
0x230: {  	v3 =	vmul.u32 $0xC00, v3  }
0x231: {  	v2 =	vand.u32 $0x7, v2  }
0x232: {  	v2 =	vor.u32 v2, v3  }
0x233: {  	v2 =	vperm.xlane v2, v0;
	_ =	sdelay $0x1  }
0x234: {  	v2 =	vadd.s32 v1, v2;
	_ =	sdelay $0x4  }
0x235: {  	[tilespmem:s4], [sflag:$0x1] =	stream.indirect_vreg.gather [hbm4b:s1+s3], $0x80, v2, vm0, $0xb8;
	[tilespmem:$0x19000] =	vst v63  }
0x236: {  	s31 =	simm.s32 $0x1800  }
0x237: {  	[tilespmem:s31], [sflag:$0x1] =	stream.indirect_vreg.gather [hbm4b:s6+s3], $0x80, v2, vm0, $0xb8;
	[tilespmem:$0x19000] =	vst v63  }
0x238: {  	s4 =	simm.s32 $0x2000  }
0x239: {  	[tilespmem:s4], [sflag:$0x1] =	stream.indirect_vreg.gather [hbm4b:s7+s3], $0x80, v2, vm0, $0xb8;
	[tilespmem:$0x19000] =	vst v63  }
0x23a: {  	s25 =	simm.s32 $0x2800  }
0x23b: {  	[tilespmem:s25], [sflag:$0x1] =	stream.indirect_vreg.gather [hbm4b:s8+s3], $0x80, v2, vm0, $0xb8;
	[tilespmem:$0x19000] =	vst v63  }
0x23c: {  	s31 =	simm.s32 $0x3000  }
0x23d: {  	[tilespmem:s31], [sflag:$0x1] =	stream.indirect_vreg.gather [hbm4b:s9+s3], $0x80, v2, vm0, $0xb8;
	[tilespmem:$0x19000] =	vst v63  }
0x23e: {  	s4 =	simm.s32 $0x3800  }
0x23f: {  	[tilespmem:s4], [sflag:$0x1] =	stream.indirect_vreg.gather [hbm4b:s10+s3], $0x80, v2, vm0, $0xb8;
	[tilespmem:$0x19000] =	vst v63  }
0x240: {  	s25 =	simm.s32 $0x4000  }
0x241: {  	[tilespmem:s25], [sflag:$0x1] =	stream.indirect_vreg.gather [hbm4b:s11+s3], $0x80, v2, vm0, $0xb8;
	[tilespmem:$0x19000] =	vst v63  }
0x242: {  	s31 =	simm.s32 $0x4800  }
0x243: {  	[tilespmem:s31], [sflag:$0x1] =	stream.indirect_vreg.gather [hbm4b:s12+s3], $0x80, v2, vm0, $0xb8;
	[tilespmem:$0x19000] =	vst v63  }
0x244: {  	s4 =	simm.s32 $0x5000  }
0x245: {  	[tilespmem:s4], [sflag:$0x1] =	stream.indirect_vreg.gather [hbm4b:s13+s3], $0x80, v2, vm0, $0xb8;
	[tilespmem:$0x19000] =	vst v63  }
0x246: {  	s25 =	simm.s32 $0x5800  }
0x247: {  	[tilespmem:s25], [sflag:$0x1] =	stream.indirect_vreg.gather [hbm4b:s14+s3], $0x80, v2, vm0, $0xb8;
	[tilespmem:$0x19000] =	vst v63  }
0x248: {  	s31 =	simm.s32 $0x6000  }
0x249: {  	[tilespmem:s31], [sflag:$0x1] =	stream.indirect_vreg.gather [hbm4b:s15+s3], $0x80, v2, vm0, $0xb8;
	[tilespmem:$0x19000] =	vst v63  }
0x24a: {  	s4 =	simm.s32 $0x6800  }
0x24b: {  	[tilespmem:s4], [sflag:$0x1] =	stream.indirect_vreg.gather [hbm4b:s16+s3], $0x80, v2, vm0, $0xb8;
	[tilespmem:$0x19000] =	vst v63  }
0x24c: {  	s25 =	simm.s32 $0x7000  }
0x24d: {  	[tilespmem:s25], [sflag:$0x1] =	stream.indirect_vreg.gather [hbm4b:s17+s3], $0x80, v2, vm0, $0xb8;
	[tilespmem:$0x19000] =	vst v63  }
0x24e: {  	s31 =	simm.s32 $0x7800  }
0x24f: {  	[tilespmem:s31], [sflag:$0x1] =	stream.indirect_vreg.gather [hbm4b:s18+s3], $0x80, v2, vm0, $0xb8;
	[tilespmem:$0x19000] =	vst v63  }
0x250: {  	s4 =	simm.s32 $0x8000  }
0x251: {  	[tilespmem:s4], [sflag:$0x1] =	stream.indirect_vreg.gather [hbm4b:s19+s3], $0x80, v2, vm0, $0xb8;
	[tilespmem:$0x19000] =	vst v63  }
0x252: {  	s25 =	simm.s32 $0x8800  }
0x253: {  	[tilespmem:s25], [sflag:$0x1] =	stream.indirect_vreg.gather [hbm4b:s2+s3], $0x80, v2, vm0, $0xb8;
	[tilespmem:$0x19000] =	vst v63  }
0x254: {  	s31 =	simm.s32 $0x9000  }
0x255: {  	[tilespmem:s31], [sflag:$0x1] =	stream.indirect_vreg.gather [hbm4b:s21+s3], $0x80, v2, vm0, $0xb8;
	[tilespmem:$0x19000] =	vst v63  }
0x256: {  	s4 =	simm.s32 $0x9800  }
0x257: {  	[tilespmem:s4], [sflag:$0x1] =	stream.indirect_vreg.gather [hbm4b:s22+s3], $0x80, v2, vm0, $0xb8;
	[tilespmem:$0x19000] =	vst v63  }
0x258: {  	s25 =	simm.s32 $0xA000  }
0x259: {  	[tilespmem:s25], [sflag:$0x1] =	stream.indirect_vreg.gather [hbm4b:s23+s3], $0x80, v2, vm0, $0xb8;
	[tilespmem:$0x19000] =	vst v63  }
0x25a: {  	s31 =	simm.s32 $0xA800  }
0x25b: {  	[tilespmem:s31], [sflag:$0x1] =	stream.indirect_vreg.gather [hbm4b:s24+s3], $0x80, v2, vm0, $0xb8;
	[tilespmem:$0x19000] =	vst v63  }
0x25c: {  	s4 =	simm.s32 $0xB000  }
0x25d: {  	[tilespmem:s4], [sflag:$0x1] =	stream.indirect_vreg.gather [hbm4b:s26+s3], $0x80, v2, vm0, $0xb8;
	[tilespmem:$0x19000] =	vst v63  }
0x25e: {  	s25 =	simm.s32 $0xB800  }
0x25f: {  	[tilespmem:s25], [sflag:$0x1] =	stream.indirect_vreg.gather [hbm4b:s28+s3], $0x80, v2, vm0, $0xb8;
	[tilespmem:$0x19000] =	vst v63  }
0x260: {  	s31 =	simm.s32 $0xC000  }
0x261: {  	[tilespmem:s31], [sflag:$0x1] =	stream.indirect_vreg.gather [hbm4b:s29+s3], $0x80, v2, vm0, $0xb8;
	[tilespmem:$0x19000] =	vst v63  }
0x262: {  	s4 =	simm.s32 $0xC800;
	s25 =	simm.s32 $0x2  }
0x263: {  	[tilespmem:s4], [sflag:$0x1] =	stream.indirect_vreg.gather [hbm4b:s5+s3], $0x80, v2, vm0, $0xb8;
	[tilespmem:$0x19000] =	vst v63  }
0x264: {  	_ =	swait.ge [sflag:s25], $0xC000  }
0x265: {  	s0 =	simm.s32 $0xD000;
	s4 =	simm.s32 $0x80;
	[sflag:s25] =	ssyncset.done $0x0  }
0x266: {  	s31 =	rddreg [dreg:$0xc];
	[sflag:s25] =	ssyncadd.s32 $0xFFFF4000;
	s25 =	simm.s32 $0x400  }
0x267: {  	[hbm4b:s31+s4] =	stream.strided.scatter [tilespmem:s0], [sflag:$0x4], $0xC000, s25, s4, $0x38;
	[tilespmem:$0x19000] =	vst v63  }
0x268: {  	_ =	swait.ge [sflag:s30], $0xC000  }
0x269: {  	[sflag:s30] =	ssyncset.done $0x0  }
0x26a: {  	[sflag:s30] =	ssyncadd.s32 $0xFFFF4000  }
0x26b: {  	v2 =	vld.msk [tilespmem:$0x480], $0x1;
	_ =	sdelay $0x4  }
0x26c: {  	v3 =	vshrl.u32 v2, $0x3  }
0x26d: {  	v3 =	vmul.u32 $0xC00, v3  }
0x26e: {  	v2 =	vand.u32 $0x7, v2  }
0x26f: {  	v2 =	vor.u32 v2, v3  }
0x270: {  	v2 =	vperm.xlane v2, v0;
	_ =	sdelay $0x1  }
0x271: {  	v2 =	vadd.s32 v1, v2;
	_ =	sdelay $0x4  }
0x272: {  	[tilespmem:s0], [sflag:$0x2] =	stream.indirect_vreg.gather [hbm4b:s1+s3], $0x80, v2, vm0, $0xb8;
	[tilespmem:$0x19000] =	vst v63  }
0x273: {  	s0 =	simm.s32 $0xD800  }
0x274: {  	[tilespmem:s0], [sflag:$0x2] =	stream.indirect_vreg.gather [hbm4b:s6+s3], $0x80, v2, vm0, $0xb8;
	[tilespmem:$0x19000] =	vst v63  }
0x275: {  	s25 =	simm.s32 $0xE000  }
0x276: {  	[tilespmem:s25], [sflag:$0x2] =	stream.indirect_vreg.gather [hbm4b:s7+s3], $0x80, v2, vm0, $0xb8;
	[tilespmem:$0x19000] =	vst v63  }
0x277: {  	s31 =	simm.s32 $0xE800  }
0x278: {  	[tilespmem:s31], [sflag:$0x2] =	stream.indirect_vreg.gather [hbm4b:s8+s3], $0x80, v2, vm0, $0xb8;
	[tilespmem:$0x19000] =	vst v63  }
0x279: {  	s25 =	simm.s32 $0xF000  }
0x27a: {  	[tilespmem:s25], [sflag:$0x2] =	stream.indirect_vreg.gather [hbm4b:s9+s3], $0x80, v2, vm0, $0xb8;
	[tilespmem:$0x19000] =	vst v63  }
0x27b: {  	s31 =	simm.s32 $0xF800  }
0x27c: {  	[tilespmem:s31], [sflag:$0x2] =	stream.indirect_vreg.gather [hbm4b:s10+s3], $0x80, v2, vm0, $0xb8;
	[tilespmem:$0x19000] =	vst v63  }
0x27d: {  	s25 =	simm.s32 $0x10000  }
0x27e: {  	[tilespmem:s25], [sflag:$0x2] =	stream.indirect_vreg.gather [hbm4b:s11+s3], $0x80, v2, vm0, $0xb8;
	[tilespmem:$0x19000] =	vst v63  }
0x27f: {  	s31 =	simm.s32 $0x10800  }
0x280: {  	[tilespmem:s31], [sflag:$0x2] =	stream.indirect_vreg.gather [hbm4b:s12+s3], $0x80, v2, vm0, $0xb8;
	[tilespmem:$0x19000] =	vst v63  }
0x281: {  	s25 =	simm.s32 $0x11000  }
0x282: {  	[tilespmem:s25], [sflag:$0x2] =	stream.indirect_vreg.gather [hbm4b:s13+s3], $0x80, v2, vm0, $0xb8;
	[tilespmem:$0x19000] =	vst v63  }
0x283: {  	s31 =	simm.s32 $0x11800  }
0x284: {  	[tilespmem:s31], [sflag:$0x2] =	stream.indirect_vreg.gather [hbm4b:s14+s3], $0x80, v2, vm0, $0xb8;
	[tilespmem:$0x19000] =	vst v63  }
0x285: {  	s25 =	simm.s32 $0x12000  }
0x286: {  	[tilespmem:s25], [sflag:$0x2] =	stream.indirect_vreg.gather [hbm4b:s15+s3], $0x80, v2, vm0, $0xb8;
	[tilespmem:$0x19000] =	vst v63  }
0x287: {  	s31 =	simm.s32 $0x12800  }
0x288: {  	[tilespmem:s31], [sflag:$0x2] =	stream.indirect_vreg.gather [hbm4b:s16+s3], $0x80, v2, vm0, $0xb8;
	[tilespmem:$0x19000] =	vst v63  }
0x289: {  	s25 =	simm.s32 $0x13000  }
0x28a: {  	[tilespmem:s25], [sflag:$0x2] =	stream.indirect_vreg.gather [hbm4b:s17+s3], $0x80, v2, vm0, $0xb8;
	[tilespmem:$0x19000] =	vst v63  }
0x28b: {  	s31 =	simm.s32 $0x13800  }
0x28c: {  	[tilespmem:s31], [sflag:$0x2] =	stream.indirect_vreg.gather [hbm4b:s18+s3], $0x80, v2, vm0, $0xb8;
	[tilespmem:$0x19000] =	vst v63  }
0x28d: {  	s25 =	simm.s32 $0x14000  }
0x28e: {  	[tilespmem:s25], [sflag:$0x2] =	stream.indirect_vreg.gather [hbm4b:s19+s3], $0x80, v2, vm0, $0xb8;
	[tilespmem:$0x19000] =	vst v63  }
0x28f: {  	s31 =	simm.s32 $0x14800  }
0x290: {  	[tilespmem:s31], [sflag:$0x2] =	stream.indirect_vreg.gather [hbm4b:s2+s3], $0x80, v2, vm0, $0xb8;
	[tilespmem:$0x19000] =	vst v63  }
0x291: {  	s25 =	simm.s32 $0x15000  }
0x292: {  	[tilespmem:s25], [sflag:$0x2] =	stream.indirect_vreg.gather [hbm4b:s21+s3], $0x80, v2, vm0, $0xb8;
	[tilespmem:$0x19000] =	vst v63  }
0x293: {  	s31 =	simm.s32 $0x15800  }
0x294: {  	[tilespmem:s31], [sflag:$0x2] =	stream.indirect_vreg.gather [hbm4b:s22+s3], $0x80, v2, vm0, $0xb8;
	[tilespmem:$0x19000] =	vst v63  }
0x295: {  	s25 =	simm.s32 $0x16000  }
0x296: {  	[tilespmem:s25], [sflag:$0x2] =	stream.indirect_vreg.gather [hbm4b:s23+s3], $0x80, v2, vm0, $0xb8;
	[tilespmem:$0x19000] =	vst v63  }
0x297: {  	s31 =	simm.s32 $0x16800  }
0x298: {  	[tilespmem:s31], [sflag:$0x2] =	stream.indirect_vreg.gather [hbm4b:s24+s3], $0x80, v2, vm0, $0xb8;
	[tilespmem:$0x19000] =	vst v63  }
0x299: {  	s25 =	simm.s32 $0x17000  }
0x29a: {  	[tilespmem:s25], [sflag:$0x2] =	stream.indirect_vreg.gather [hbm4b:s26+s3], $0x80, v2, vm0, $0xb8;
	[tilespmem:$0x19000] =	vst v63  }
0x29b: {  	s31 =	simm.s32 $0x17800  }
0x29c: {  	[tilespmem:s31], [sflag:$0x2] =	stream.indirect_vreg.gather [hbm4b:s28+s3], $0x80, v2, vm0, $0xb8;
	[tilespmem:$0x19000] =	vst v63  }
0x29d: {  	s25 =	simm.s32 $0x18000  }
0x29e: {  	[tilespmem:s25], [sflag:$0x2] =	stream.indirect_vreg.gather [hbm4b:s29+s3], $0x80, v2, vm0, $0xb8;
	[tilespmem:$0x19000] =	vst v63  }
0x29f: {  	s31 =	simm.s32 $0x18800;
	s25 =	simm.s32 $0x1  }
0x2a0: {  	[tilespmem:s31], [sflag:$0x2] =	stream.indirect_vreg.gather [hbm4b:s5+s3], $0x80, v2, vm0, $0xb8;
	[tilespmem:$0x19000] =	vst v63  }
0x2a1: {  	s20 =	simm.s32 $0x3;
	_ =	swait.ge [sflag:s25], $0xC000  }
0x2a2: {  	s4 =	simm.s32 $0x400;
	s0 =	simm.s32 $0x1000;
	[sflag:s25] =	ssyncset.done $0x0  }
0x2a3: {  	s31 =	rddreg [dreg:$0xd];
	[sflag:s25] =	ssyncadd.s32 $0xFFFF4000;
	s25 =	simm.s32 $0x80  }
0x2a4: {  	[hbm4b:s31+s25] =	stream.strided.scatter [tilespmem:s0], [sflag:$0x3], $0xC000, s4, s25, $0x38;
	[tilespmem:$0x19000] =	vst v63  }
0x2a5: {  	_ =	swait.ge [sflag:s20], $0xC000  }
0x2a6: {  	[sflag:s20] =	ssyncset.done $0x0  }
0x2a7: {  	[sflag:s20] =	ssyncadd.s32 $0xFFFF4000  }
0x2a8: {  	v2 =	vld.msk [tilespmem:$0x500], $0x1;
	_ =	sdelay $0x4  }
0x2a9: {  	v3 =	vshrl.u32 v2, $0x3  }
0x2aa: {  	v3 =	vmul.u32 $0xC00, v3  }
0x2ab: {  	v2 =	vand.u32 $0x7, v2  }
0x2ac: {  	v2 =	vor.u32 v2, v3  }
0x2ad: {  	v2 =	vperm.xlane v2, v0;
	_ =	sdelay $0x1  }
0x2ae: {  	v2 =	vadd.s32 v1, v2;
	_ =	sdelay $0x4  }
0x2af: {  	[tilespmem:s0], [sflag:$0x1] =	stream.indirect_vreg.gather [hbm4b:s1+s3], $0x80, v2, vm0, $0xb8;
	[tilespmem:$0x19000] =	vst v63  }
0x2b0: {  	s20 =	simm.s32 $0x1800  }
0x2b1: {  	[tilespmem:s20], [sflag:$0x1] =	stream.indirect_vreg.gather [hbm4b:s6+s3], $0x80, v2, vm0, $0xb8;
	[tilespmem:$0x19000] =	vst v63  }
0x2b2: {  	s31 =	simm.s32 $0x2000  }
0x2b3: {  	[tilespmem:s31], [sflag:$0x1] =	stream.indirect_vreg.gather [hbm4b:s7+s3], $0x80, v2, vm0, $0xb8;
	[tilespmem:$0x19000] =	vst v63  }
0x2b4: {  	s0 =	simm.s32 $0x2800  }
0x2b5: {  	[tilespmem:s0], [sflag:$0x1] =	stream.indirect_vreg.gather [hbm4b:s8+s3], $0x80, v2, vm0, $0xb8;
	[tilespmem:$0x19000] =	vst v63  }
0x2b6: {  	s20 =	simm.s32 $0x3000  }
0x2b7: {  	[tilespmem:s20], [sflag:$0x1] =	stream.indirect_vreg.gather [hbm4b:s9+s3], $0x80, v2, vm0, $0xb8;
	[tilespmem:$0x19000] =	vst v63  }
0x2b8: {  	s31 =	simm.s32 $0x3800  }
0x2b9: {  	[tilespmem:s31], [sflag:$0x1] =	stream.indirect_vreg.gather [hbm4b:s10+s3], $0x80, v2, vm0, $0xb8;
	[tilespmem:$0x19000] =	vst v63  }
0x2ba: {  	s20 =	simm.s32 $0x4000  }
0x2bb: {  	[tilespmem:s20], [sflag:$0x1] =	stream.indirect_vreg.gather [hbm4b:s11+s3], $0x80, v2, vm0, $0xb8;
	[tilespmem:$0x19000] =	vst v63  }
0x2bc: {  	s31 =	simm.s32 $0x4800  }
0x2bd: {  	[tilespmem:s31], [sflag:$0x1] =	stream.indirect_vreg.gather [hbm4b:s12+s3], $0x80, v2, vm0, $0xb8;
	[tilespmem:$0x19000] =	vst v63  }
0x2be: {  	s20 =	simm.s32 $0x5000  }
0x2bf: {  	[tilespmem:s20], [sflag:$0x1] =	stream.indirect_vreg.gather [hbm4b:s13+s3], $0x80, v2, vm0, $0xb8;
	[tilespmem:$0x19000] =	vst v63  }
0x2c0: {  	s31 =	simm.s32 $0x5800  }
0x2c1: {  	[tilespmem:s31], [sflag:$0x1] =	stream.indirect_vreg.gather [hbm4b:s14+s3], $0x80, v2, vm0, $0xb8;
	[tilespmem:$0x19000] =	vst v63  }
0x2c2: {  	s20 =	simm.s32 $0x6000  }
0x2c3: {  	[tilespmem:s20], [sflag:$0x1] =	stream.indirect_vreg.gather [hbm4b:s15+s3], $0x80, v2, vm0, $0xb8;
	[tilespmem:$0x19000] =	vst v63  }
0x2c4: {  	s31 =	simm.s32 $0x6800  }
0x2c5: {  	[tilespmem:s31], [sflag:$0x1] =	stream.indirect_vreg.gather [hbm4b:s16+s3], $0x80, v2, vm0, $0xb8;
	[tilespmem:$0x19000] =	vst v63  }
0x2c6: {  	s20 =	simm.s32 $0x7000  }
0x2c7: {  	[tilespmem:s20], [sflag:$0x1] =	stream.indirect_vreg.gather [hbm4b:s17+s3], $0x80, v2, vm0, $0xb8;
	[tilespmem:$0x19000] =	vst v63  }
0x2c8: {  	s31 =	simm.s32 $0x7800  }
0x2c9: {  	[tilespmem:s31], [sflag:$0x1] =	stream.indirect_vreg.gather [hbm4b:s18+s3], $0x80, v2, vm0, $0xb8;
	[tilespmem:$0x19000] =	vst v63  }
0x2ca: {  	s20 =	simm.s32 $0x8000  }
0x2cb: {  	[tilespmem:s20], [sflag:$0x1] =	stream.indirect_vreg.gather [hbm4b:s19+s3], $0x80, v2, vm0, $0xb8;
	[tilespmem:$0x19000] =	vst v63  }
0x2cc: {  	s31 =	simm.s32 $0x8800  }
0x2cd: {  	[tilespmem:s31], [sflag:$0x1] =	stream.indirect_vreg.gather [hbm4b:s2+s3], $0x80, v2, vm0, $0xb8;
	[tilespmem:$0x19000] =	vst v63  }
0x2ce: {  	s20 =	simm.s32 $0x9000  }
0x2cf: {  	[tilespmem:s20], [sflag:$0x1] =	stream.indirect_vreg.gather [hbm4b:s21+s3], $0x80, v2, vm0, $0xb8;
	[tilespmem:$0x19000] =	vst v63  }
0x2d0: {  	s31 =	simm.s32 $0x9800  }
0x2d1: {  	[tilespmem:s31], [sflag:$0x1] =	stream.indirect_vreg.gather [hbm4b:s22+s3], $0x80, v2, vm0, $0xb8;
	[tilespmem:$0x19000] =	vst v63  }
0x2d2: {  	s20 =	simm.s32 $0xA000  }
0x2d3: {  	[tilespmem:s20], [sflag:$0x1] =	stream.indirect_vreg.gather [hbm4b:s23+s3], $0x80, v2, vm0, $0xb8;
	[tilespmem:$0x19000] =	vst v63  }
0x2d4: {  	s31 =	simm.s32 $0xA800  }
0x2d5: {  	[tilespmem:s31], [sflag:$0x1] =	stream.indirect_vreg.gather [hbm4b:s24+s3], $0x80, v2, vm0, $0xb8;
	[tilespmem:$0x19000] =	vst v63  }
0x2d6: {  	s20 =	simm.s32 $0xB000  }
0x2d7: {  	[tilespmem:s20], [sflag:$0x1] =	stream.indirect_vreg.gather [hbm4b:s26+s3], $0x80, v2, vm0, $0xb8;
	[tilespmem:$0x19000] =	vst v63  }
0x2d8: {  	s31 =	simm.s32 $0xB800  }
0x2d9: {  	[tilespmem:s31], [sflag:$0x1] =	stream.indirect_vreg.gather [hbm4b:s28+s3], $0x80, v2, vm0, $0xb8;
	[tilespmem:$0x19000] =	vst v63  }
0x2da: {  	s20 =	simm.s32 $0xC000  }
0x2db: {  	[tilespmem:s20], [sflag:$0x1] =	stream.indirect_vreg.gather [hbm4b:s29+s3], $0x80, v2, vm0, $0xb8;
	[tilespmem:$0x19000] =	vst v63  }
0x2dc: {  	s0 =	simm.s32 $0x2;
	s31 =	simm.s32 $0xC800  }
0x2dd: {  	[tilespmem:s31], [sflag:$0x1] =	stream.indirect_vreg.gather [hbm4b:s5+s3], $0x80, v2, vm0, $0xb8;
	[tilespmem:$0x19000] =	vst v63  }
0x2de: {  	_ =	swait.ge [sflag:s0], $0xC000  }
0x2df: {  	s25 =	simm.s32 $0x400;
	s4 =	simm.s32 $0x80;
	[sflag:s0] =	ssyncset.done $0x0  }
0x2e0: {  	s20 =	rddreg [dreg:$0xe];
	[sflag:s0] =	ssyncadd.s32 $0xFFFF4000;
	s0 =	simm.s32 $0xD000  }
0x2e1: {  	[hbm4b:s20+s4] =	stream.strided.scatter [tilespmem:s0], [sflag:$0x4], $0xC000, s25, s4, $0x38;
	[tilespmem:$0x19000] =	vst v63  }
0x2e2: {  	_ =	swait.ge [sflag:s30], $0xC000  }
0x2e3: {  	[sflag:s30] =	ssyncset.done $0x0  }
0x2e4: {  	[sflag:s30] =	ssyncadd.s32 $0xFFFF4000  }
0x2e5: {  	v2 =	vld.msk [tilespmem:$0x580], $0x1;
	_ =	sdelay $0x4  }
0x2e6: {  	v3 =	vshrl.u32 v2, $0x3  }
0x2e7: {  	v3 =	vmul.u32 $0xC00, v3  }
0x2e8: {  	v2 =	vand.u32 $0x7, v2  }
0x2e9: {  	v2 =	vor.u32 v2, v3  }
0x2ea: {  	v2 =	vperm.xlane v2, v0;
	_ =	sdelay $0x1  }
0x2eb: {  	v2 =	vadd.s32 v1, v2;
	_ =	sdelay $0x4  }
0x2ec: {  	[tilespmem:s0], [sflag:$0x2] =	stream.indirect_vreg.gather [hbm4b:s1+s3], $0x80, v2, vm0, $0xb8;
	[tilespmem:$0x19000] =	vst v63  }
0x2ed: {  	s31 =	simm.s32 $0xD800  }
0x2ee: {  	[tilespmem:s31], [sflag:$0x2] =	stream.indirect_vreg.gather [hbm4b:s6+s3], $0x80, v2, vm0, $0xb8;
	[tilespmem:$0x19000] =	vst v63  }
0x2ef: {  	s25 =	simm.s32 $0xE000  }
0x2f0: {  	[tilespmem:s25], [sflag:$0x2] =	stream.indirect_vreg.gather [hbm4b:s7+s3], $0x80, v2, vm0, $0xb8;
	[tilespmem:$0x19000] =	vst v63  }
0x2f1: {  	s31 =	simm.s32 $0xE800  }
0x2f2: {  	[tilespmem:s31], [sflag:$0x2] =	stream.indirect_vreg.gather [hbm4b:s8+s3], $0x80, v2, vm0, $0xb8;
	[tilespmem:$0x19000] =	vst v63  }
0x2f3: {  	s25 =	simm.s32 $0xF000  }
0x2f4: {  	[tilespmem:s25], [sflag:$0x2] =	stream.indirect_vreg.gather [hbm4b:s9+s3], $0x80, v2, vm0, $0xb8;
	[tilespmem:$0x19000] =	vst v63  }
0x2f5: {  	s31 =	simm.s32 $0xF800  }
0x2f6: {  	[tilespmem:s31], [sflag:$0x2] =	stream.indirect_vreg.gather [hbm4b:s10+s3], $0x80, v2, vm0, $0xb8;
	[tilespmem:$0x19000] =	vst v63  }
0x2f7: {  	s25 =	simm.s32 $0x10000  }
0x2f8: {  	[tilespmem:s25], [sflag:$0x2] =	stream.indirect_vreg.gather [hbm4b:s11+s3], $0x80, v2, vm0, $0xb8;
	[tilespmem:$0x19000] =	vst v63  }
0x2f9: {  	s31 =	simm.s32 $0x10800  }
0x2fa: {  	[tilespmem:s31], [sflag:$0x2] =	stream.indirect_vreg.gather [hbm4b:s12+s3], $0x80, v2, vm0, $0xb8;
	[tilespmem:$0x19000] =	vst v63  }
0x2fb: {  	s25 =	simm.s32 $0x11000  }
0x2fc: {  	[tilespmem:s25], [sflag:$0x2] =	stream.indirect_vreg.gather [hbm4b:s13+s3], $0x80, v2, vm0, $0xb8;
	[tilespmem:$0x19000] =	vst v63  }
0x2fd: {  	s31 =	simm.s32 $0x11800  }
0x2fe: {  	[tilespmem:s31], [sflag:$0x2] =	stream.indirect_vreg.gather [hbm4b:s14+s3], $0x80, v2, vm0, $0xb8;
	[tilespmem:$0x19000] =	vst v63  }
0x2ff: {  	s25 =	simm.s32 $0x12000  }
0x300: {  	[tilespmem:s25], [sflag:$0x2] =	stream.indirect_vreg.gather [hbm4b:s15+s3], $0x80, v2, vm0, $0xb8;
	[tilespmem:$0x19000] =	vst v63  }
0x301: {  	s31 =	simm.s32 $0x12800  }
0x302: {  	[tilespmem:s31], [sflag:$0x2] =	stream.indirect_vreg.gather [hbm4b:s16+s3], $0x80, v2, vm0, $0xb8;
	[tilespmem:$0x19000] =	vst v63  }
0x303: {  	s25 =	simm.s32 $0x13000  }
0x304: {  	[tilespmem:s25], [sflag:$0x2] =	stream.indirect_vreg.gather [hbm4b:s17+s3], $0x80, v2, vm0, $0xb8;
	[tilespmem:$0x19000] =	vst v63  }
0x305: {  	s31 =	simm.s32 $0x13800  }
0x306: {  	[tilespmem:s31], [sflag:$0x2] =	stream.indirect_vreg.gather [hbm4b:s18+s3], $0x80, v2, vm0, $0xb8;
	[tilespmem:$0x19000] =	vst v63  }
0x307: {  	s25 =	simm.s32 $0x14000  }
0x308: {  	[tilespmem:s25], [sflag:$0x2] =	stream.indirect_vreg.gather [hbm4b:s19+s3], $0x80, v2, vm0, $0xb8;
	[tilespmem:$0x19000] =	vst v63  }
0x309: {  	s31 =	simm.s32 $0x14800  }
0x30a: {  	[tilespmem:s31], [sflag:$0x2] =	stream.indirect_vreg.gather [hbm4b:s2+s3], $0x80, v2, vm0, $0xb8;
	[tilespmem:$0x19000] =	vst v63  }
0x30b: {  	s25 =	simm.s32 $0x15000  }
0x30c: {  	[tilespmem:s25], [sflag:$0x2] =	stream.indirect_vreg.gather [hbm4b:s21+s3], $0x80, v2, vm0, $0xb8;
	[tilespmem:$0x19000] =	vst v63  }
0x30d: {  	s31 =	simm.s32 $0x15800  }
0x30e: {  	[tilespmem:s31], [sflag:$0x2] =	stream.indirect_vreg.gather [hbm4b:s22+s3], $0x80, v2, vm0, $0xb8;
	[tilespmem:$0x19000] =	vst v63  }
0x30f: {  	s25 =	simm.s32 $0x16000  }
0x310: {  	[tilespmem:s25], [sflag:$0x2] =	stream.indirect_vreg.gather [hbm4b:s23+s3], $0x80, v2, vm0, $0xb8;
	[tilespmem:$0x19000] =	vst v63  }
0x311: {  	s31 =	simm.s32 $0x16800  }
0x312: {  	[tilespmem:s31], [sflag:$0x2] =	stream.indirect_vreg.gather [hbm4b:s24+s3], $0x80, v2, vm0, $0xb8;
	[tilespmem:$0x19000] =	vst v63  }
0x313: {  	s25 =	simm.s32 $0x17000  }
0x314: {  	[tilespmem:s25], [sflag:$0x2] =	stream.indirect_vreg.gather [hbm4b:s26+s3], $0x80, v2, vm0, $0xb8;
	[tilespmem:$0x19000] =	vst v63  }
0x315: {  	s31 =	simm.s32 $0x17800  }
0x316: {  	[tilespmem:s31], [sflag:$0x2] =	stream.indirect_vreg.gather [hbm4b:s28+s3], $0x80, v2, vm0, $0xb8;
	[tilespmem:$0x19000] =	vst v63  }
0x317: {  	s25 =	simm.s32 $0x18000  }
0x318: {  	[tilespmem:s25], [sflag:$0x2] =	stream.indirect_vreg.gather [hbm4b:s29+s3], $0x80, v2, vm0, $0xb8;
	[tilespmem:$0x19000] =	vst v63  }
0x319: {  	s0 =	simm.s32 $0x1;
	s31 =	simm.s32 $0x18800  }
0x31a: {  	[tilespmem:s31], [sflag:$0x2] =	stream.indirect_vreg.gather [hbm4b:s5+s3], $0x80, v2, vm0, $0xb8;
	[tilespmem:$0x19000] =	vst v63  }
0x31b: {  	_ =	swait.ge [sflag:s0], $0xC000  }
0x31c: {  	s20 =	simm.s32 $0x80;
	s4 =	simm.s32 $0x400;
	[sflag:s0] =	ssyncset.done $0x0  }
0x31d: {  	s25 =	rddreg [dreg:$0xf];
	[sflag:s0] =	ssyncadd.s32 $0xFFFF4000;
	s0 =	simm.s32 $0x1000  }
0x31e: {  	[hbm4b:s25+s20] =	stream.strided.scatter [tilespmem:s0], [sflag:$0x3], $0xC000, s4, s20, $0x38;
	[tilespmem:$0x19000] =	vst v63  }
0x31f: {  	s25 =	simm.s32 $0x3  }
0x320: {  	_ =	swait.ge [sflag:s25], $0xC000  }
0x321: {  	[sflag:s25] =	ssyncset.done $0x0  }
0x322: {  	[sflag:s25] =	ssyncadd.s32 $0xFFFF4000  }
0x323: {  	v2 =	vld.msk [tilespmem:$0x600], $0x1;
	_ =	sdelay $0x4  }
0x324: {  	v3 =	vshrl.u32 v2, $0x3  }
0x325: {  	v3 =	vmul.u32 $0xC00, v3  }
0x326: {  	v2 =	vand.u32 $0x7, v2  }
0x327: {  	v2 =	vor.u32 v2, v3  }
0x328: {  	v2 =	vperm.xlane v2, v0;
	_ =	sdelay $0x1  }
0x329: {  	v2 =	vadd.s32 v1, v2;
	_ =	sdelay $0x4  }
0x32a: {  	[tilespmem:s0], [sflag:$0x1] =	stream.indirect_vreg.gather [hbm4b:s1+s3], $0x80, v2, vm0, $0xb8;
	[tilespmem:$0x19000] =	vst v63  }
0x32b: {  	s31 =	simm.s32 $0x1800  }
0x32c: {  	[tilespmem:s31], [sflag:$0x1] =	stream.indirect_vreg.gather [hbm4b:s6+s3], $0x80, v2, vm0, $0xb8;
	[tilespmem:$0x19000] =	vst v63  }
0x32d: {  	s4 =	simm.s32 $0x2000  }
0x32e: {  	[tilespmem:s4], [sflag:$0x1] =	stream.indirect_vreg.gather [hbm4b:s7+s3], $0x80, v2, vm0, $0xb8;
	[tilespmem:$0x19000] =	vst v63  }
0x32f: {  	s20 =	simm.s32 $0x2800  }
0x330: {  	[tilespmem:s20], [sflag:$0x1] =	stream.indirect_vreg.gather [hbm4b:s8+s3], $0x80, v2, vm0, $0xb8;
	[tilespmem:$0x19000] =	vst v63  }
0x331: {  	s25 =	simm.s32 $0x3000  }
0x332: {  	[tilespmem:s25], [sflag:$0x1] =	stream.indirect_vreg.gather [hbm4b:s9+s3], $0x80, v2, vm0, $0xb8;
	[tilespmem:$0x19000] =	vst v63  }
0x333: {  	s31 =	simm.s32 $0x3800  }
0x334: {  	[tilespmem:s31], [sflag:$0x1] =	stream.indirect_vreg.gather [hbm4b:s10+s3], $0x80, v2, vm0, $0xb8;
	[tilespmem:$0x19000] =	vst v63  }
0x335: {  	s4 =	simm.s32 $0x4000  }
0x336: {  	[tilespmem:s4], [sflag:$0x1] =	stream.indirect_vreg.gather [hbm4b:s11+s3], $0x80, v2, vm0, $0xb8;
	[tilespmem:$0x19000] =	vst v63  }
0x337: {  	s20 =	simm.s32 $0x4800  }
0x338: {  	[tilespmem:s20], [sflag:$0x1] =	stream.indirect_vreg.gather [hbm4b:s12+s3], $0x80, v2, vm0, $0xb8;
	[tilespmem:$0x19000] =	vst v63  }
0x339: {  	s25 =	simm.s32 $0x5000  }
0x33a: {  	[tilespmem:s25], [sflag:$0x1] =	stream.indirect_vreg.gather [hbm4b:s13+s3], $0x80, v2, vm0, $0xb8;
	[tilespmem:$0x19000] =	vst v63  }
0x33b: {  	s31 =	simm.s32 $0x5800  }
0x33c: {  	[tilespmem:s31], [sflag:$0x1] =	stream.indirect_vreg.gather [hbm4b:s14+s3], $0x80, v2, vm0, $0xb8;
	[tilespmem:$0x19000] =	vst v63  }
0x33d: {  	s4 =	simm.s32 $0x6000  }
0x33e: {  	[tilespmem:s4], [sflag:$0x1] =	stream.indirect_vreg.gather [hbm4b:s15+s3], $0x80, v2, vm0, $0xb8;
	[tilespmem:$0x19000] =	vst v63  }
0x33f: {  	s20 =	simm.s32 $0x6800  }
0x340: {  	[tilespmem:s20], [sflag:$0x1] =	stream.indirect_vreg.gather [hbm4b:s16+s3], $0x80, v2, vm0, $0xb8;
	[tilespmem:$0x19000] =	vst v63  }
0x341: {  	s25 =	simm.s32 $0x7000  }
0x342: {  	[tilespmem:s25], [sflag:$0x1] =	stream.indirect_vreg.gather [hbm4b:s17+s3], $0x80, v2, vm0, $0xb8;
	[tilespmem:$0x19000] =	vst v63  }
0x343: {  	s31 =	simm.s32 $0x7800  }
0x344: {  	[tilespmem:s31], [sflag:$0x1] =	stream.indirect_vreg.gather [hbm4b:s18+s3], $0x80, v2, vm0, $0xb8;
	[tilespmem:$0x19000] =	vst v63  }
0x345: {  	s4 =	simm.s32 $0x8000  }
0x346: {  	[tilespmem:s4], [sflag:$0x1] =	stream.indirect_vreg.gather [hbm4b:s19+s3], $0x80, v2, vm0, $0xb8;
	[tilespmem:$0x19000] =	vst v63  }
0x347: {  	s20 =	simm.s32 $0x8800  }
0x348: {  	[tilespmem:s20], [sflag:$0x1] =	stream.indirect_vreg.gather [hbm4b:s2+s3], $0x80, v2, vm0, $0xb8;
	[tilespmem:$0x19000] =	vst v63  }
0x349: {  	s25 =	simm.s32 $0x9000  }
0x34a: {  	[tilespmem:s25], [sflag:$0x1] =	stream.indirect_vreg.gather [hbm4b:s21+s3], $0x80, v2, vm0, $0xb8;
	[tilespmem:$0x19000] =	vst v63  }
0x34b: {  	s31 =	simm.s32 $0x9800  }
0x34c: {  	[tilespmem:s31], [sflag:$0x1] =	stream.indirect_vreg.gather [hbm4b:s22+s3], $0x80, v2, vm0, $0xb8;
	[tilespmem:$0x19000] =	vst v63  }
0x34d: {  	s4 =	simm.s32 $0xA000  }
0x34e: {  	[tilespmem:s4], [sflag:$0x1] =	stream.indirect_vreg.gather [hbm4b:s23+s3], $0x80, v2, vm0, $0xb8;
	[tilespmem:$0x19000] =	vst v63  }
0x34f: {  	s20 =	simm.s32 $0xA800  }
0x350: {  	[tilespmem:s20], [sflag:$0x1] =	stream.indirect_vreg.gather [hbm4b:s24+s3], $0x80, v2, vm0, $0xb8;
	[tilespmem:$0x19000] =	vst v63  }
0x351: {  	s25 =	simm.s32 $0xB000  }
0x352: {  	[tilespmem:s25], [sflag:$0x1] =	stream.indirect_vreg.gather [hbm4b:s26+s3], $0x80, v2, vm0, $0xb8;
	[tilespmem:$0x19000] =	vst v63  }
0x353: {  	s31 =	simm.s32 $0xB800  }
0x354: {  	[tilespmem:s31], [sflag:$0x1] =	stream.indirect_vreg.gather [hbm4b:s28+s3], $0x80, v2, vm0, $0xb8;
	[tilespmem:$0x19000] =	vst v63  }
0x355: {  	s4 =	simm.s32 $0xC000  }
0x356: {  	[tilespmem:s4], [sflag:$0x1] =	stream.indirect_vreg.gather [hbm4b:s29+s3], $0x80, v2, vm0, $0xb8;
	[tilespmem:$0x19000] =	vst v63  }
0x357: {  	s20 =	simm.s32 $0xC800;
	s25 =	simm.s32 $0x2  }
0x358: {  	[tilespmem:s20], [sflag:$0x1] =	stream.indirect_vreg.gather [hbm4b:s5+s3], $0x80, v2, vm0, $0xb8;
	[tilespmem:$0x19000] =	vst v63  }
0x359: {  	_ =	swait.ge [sflag:s25], $0xC000  }
0x35a: {  	s0 =	simm.s32 $0xD000;
	s20 =	simm.s32 $0x80;
	[sflag:s25] =	ssyncset.done $0x0  }
0x35b: {  	s31 =	rddreg [dreg:$0x10];
	[sflag:s25] =	ssyncadd.s32 $0xFFFF4000;
	s25 =	simm.s32 $0x400  }
0x35c: {  	[hbm4b:s31+s20] =	stream.strided.scatter [tilespmem:s0], [sflag:$0x4], $0xC000, s25, s20, $0x38;
	[tilespmem:$0x19000] =	vst v63  }
0x35d: {  	_ =	swait.ge [sflag:s30], $0xC000  }
0x35e: {  	[sflag:s30] =	ssyncset.done $0x0  }
0x35f: {  	[sflag:s30] =	ssyncadd.s32 $0xFFFF4000  }
0x360: {  	v2 =	vld.msk [tilespmem:$0x680], $0x1;
	_ =	sdelay $0x4  }
0x361: {  	v3 =	vshrl.u32 v2, $0x3  }
0x362: {  	v3 =	vmul.u32 $0xC00, v3  }
0x363: {  	v2 =	vand.u32 $0x7, v2  }
0x364: {  	v2 =	vor.u32 v2, v3  }
0x365: {  	v2 =	vperm.xlane v2, v0;
	_ =	sdelay $0x1  }
0x366: {  	v2 =	vadd.s32 v1, v2;
	_ =	sdelay $0x4  }
0x367: {  	[tilespmem:s0], [sflag:$0x2] =	stream.indirect_vreg.gather [hbm4b:s1+s3], $0x80, v2, vm0, $0xb8;
	[tilespmem:$0x19000] =	vst v63  }
0x368: {  	s31 =	simm.s32 $0xD800  }
0x369: {  	[tilespmem:s31], [sflag:$0x2] =	stream.indirect_vreg.gather [hbm4b:s6+s3], $0x80, v2, vm0, $0xb8;
	[tilespmem:$0x19000] =	vst v63  }
0x36a: {  	s31 =	simm.s32 $0xE000  }
0x36b: {  	[tilespmem:s31], [sflag:$0x2] =	stream.indirect_vreg.gather [hbm4b:s7+s3], $0x80, v2, vm0, $0xb8;
	[tilespmem:$0x19000] =	vst v63  }
0x36c: {  	s31 =	simm.s32 $0xE800  }
0x36d: {  	[tilespmem:s31], [sflag:$0x2] =	stream.indirect_vreg.gather [hbm4b:s8+s3], $0x80, v2, vm0, $0xb8;
	[tilespmem:$0x19000] =	vst v63  }
0x36e: {  	s31 =	simm.s32 $0xF000  }
0x36f: {  	[tilespmem:s31], [sflag:$0x2] =	stream.indirect_vreg.gather [hbm4b:s9+s3], $0x80, v2, vm0, $0xb8;
	[tilespmem:$0x19000] =	vst v63  }
0x370: {  	s31 =	simm.s32 $0xF800  }
0x371: {  	[tilespmem:s31], [sflag:$0x2] =	stream.indirect_vreg.gather [hbm4b:s10+s3], $0x80, v2, vm0, $0xb8;
	[tilespmem:$0x19000] =	vst v63  }
0x372: {  	s31 =	simm.s32 $0x10000  }
0x373: {  	[tilespmem:s31], [sflag:$0x2] =	stream.indirect_vreg.gather [hbm4b:s11+s3], $0x80, v2, vm0, $0xb8;
	[tilespmem:$0x19000] =	vst v63  }
0x374: {  	s31 =	simm.s32 $0x10800  }
0x375: {  	[tilespmem:s31], [sflag:$0x2] =	stream.indirect_vreg.gather [hbm4b:s12+s3], $0x80, v2, vm0, $0xb8;
	[tilespmem:$0x19000] =	vst v63  }
0x376: {  	s31 =	simm.s32 $0x11000  }
0x377: {  	[tilespmem:s31], [sflag:$0x2] =	stream.indirect_vreg.gather [hbm4b:s13+s3], $0x80, v2, vm0, $0xb8;
	[tilespmem:$0x19000] =	vst v63  }
0x378: {  	s31 =	simm.s32 $0x11800  }
0x379: {  	[tilespmem:s31], [sflag:$0x2] =	stream.indirect_vreg.gather [hbm4b:s14+s3], $0x80, v2, vm0, $0xb8;
	[tilespmem:$0x19000] =	vst v63  }
0x37a: {  	s31 =	simm.s32 $0x12000  }
0x37b: {  	[tilespmem:s31], [sflag:$0x2] =	stream.indirect_vreg.gather [hbm4b:s15+s3], $0x80, v2, vm0, $0xb8;
	[tilespmem:$0x19000] =	vst v63  }
0x37c: {  	s31 =	simm.s32 $0x12800  }
0x37d: {  	[tilespmem:s31], [sflag:$0x2] =	stream.indirect_vreg.gather [hbm4b:s16+s3], $0x80, v2, vm0, $0xb8;
	[tilespmem:$0x19000] =	vst v63  }
0x37e: {  	s31 =	simm.s32 $0x13000  }
0x37f: {  	[tilespmem:s31], [sflag:$0x2] =	stream.indirect_vreg.gather [hbm4b:s17+s3], $0x80, v2, vm0, $0xb8;
	[tilespmem:$0x19000] =	vst v63  }
0x380: {  	s31 =	simm.s32 $0x13800  }
0x381: {  	[tilespmem:s31], [sflag:$0x2] =	stream.indirect_vreg.gather [hbm4b:s18+s3], $0x80, v2, vm0, $0xb8;
	[tilespmem:$0x19000] =	vst v63  }
0x382: {  	s31 =	simm.s32 $0x14000  }
0x383: {  	[tilespmem:s31], [sflag:$0x2] =	stream.indirect_vreg.gather [hbm4b:s19+s3], $0x80, v2, vm0, $0xb8;
	[tilespmem:$0x19000] =	vst v63  }
0x384: {  	s31 =	simm.s32 $0x14800  }
0x385: {  	[tilespmem:s31], [sflag:$0x2] =	stream.indirect_vreg.gather [hbm4b:s2+s3], $0x80, v2, vm0, $0xb8;
	[tilespmem:$0x19000] =	vst v63  }
0x386: {  	s31 =	simm.s32 $0x15000  }
0x387: {  	[tilespmem:s31], [sflag:$0x2] =	stream.indirect_vreg.gather [hbm4b:s21+s3], $0x80, v2, vm0, $0xb8;
	[tilespmem:$0x19000] =	vst v63  }
0x388: {  	s31 =	simm.s32 $0x15800  }
0x389: {  	[tilespmem:s31], [sflag:$0x2] =	stream.indirect_vreg.gather [hbm4b:s22+s3], $0x80, v2, vm0, $0xb8;
	[tilespmem:$0x19000] =	vst v63  }
0x38a: {  	s31 =	simm.s32 $0x16000  }
0x38b: {  	[tilespmem:s31], [sflag:$0x2] =	stream.indirect_vreg.gather [hbm4b:s23+s3], $0x80, v2, vm0, $0xb8;
	[tilespmem:$0x19000] =	vst v63  }
0x38c: {  	s31 =	simm.s32 $0x16800  }
0x38d: {  	[tilespmem:s31], [sflag:$0x2] =	stream.indirect_vreg.gather [hbm4b:s24+s3], $0x80, v2, vm0, $0xb8;
	[tilespmem:$0x19000] =	vst v63  }
0x38e: {  	s31 =	simm.s32 $0x17000  }
0x38f: {  	[tilespmem:s31], [sflag:$0x2] =	stream.indirect_vreg.gather [hbm4b:s26+s3], $0x80, v2, vm0, $0xb8;
	[tilespmem:$0x19000] =	vst v63  }
0x390: {  	s31 =	simm.s32 $0x17800  }
0x391: {  	[tilespmem:s31], [sflag:$0x2] =	stream.indirect_vreg.gather [hbm4b:s28+s3], $0x80, v2, vm0, $0xb8;
	[tilespmem:$0x19000] =	vst v63  }
0x392: {  	s31 =	simm.s32 $0x18000  }
0x393: {  	[tilespmem:s31], [sflag:$0x2] =	stream.indirect_vreg.gather [hbm4b:s29+s3], $0x80, v2, vm0, $0xb8;
	[tilespmem:$0x19000] =	vst v63  }
0x394: {  	s0 =	simm.s32 $0x1;
	s31 =	simm.s32 $0x18800  }
0x395: {  	[tilespmem:s31], [sflag:$0x2] =	stream.indirect_vreg.gather [hbm4b:s5+s3], $0x80, v2, vm0, $0xb8;
	[tilespmem:$0x19000] =	vst v63  }
0x396: {  	_ =	swait.ge [sflag:s0], $0xC000  }
0x397: {  	s25 =	simm.s32 $0x80;
	s20 =	simm.s32 $0x400;
	[sflag:s0] =	ssyncset.done $0x0  }
0x398: {  	s31 =	rddreg [dreg:$0x11];
	[sflag:s0] =	ssyncadd.s32 $0xFFFF4000;
	s0 =	simm.s32 $0x1000  }
0x399: {  	[hbm4b:s31+s25] =	stream.strided.scatter [tilespmem:s0], [sflag:$0x3], $0xC000, s20, s25, $0x38;
	[tilespmem:$0x19000] =	vst v63  }
0x39a: {  	s31 =	simm.s32 $0x3  }
0x39b: {  	_ =	swait.ge [sflag:s31], $0xC000  }
0x39c: {  	[sflag:s31] =	ssyncset.done $0x0  }
0x39d: {  	[sflag:s31] =	ssyncadd.s32 $0xFFFF4000  }
0x39e: {  	v2 =	vld.msk [tilespmem:$0x700], $0x1;
	_ =	sdelay $0x4  }
0x39f: {  	v3 =	vshrl.u32 v2, $0x3  }
0x3a0: {  	v3 =	vmul.u32 $0xC00, v3  }
0x3a1: {  	v2 =	vand.u32 $0x7, v2  }
0x3a2: {  	v2 =	vor.u32 v2, v3  }
0x3a3: {  	v2 =	vperm.xlane v2, v0;
	_ =	sdelay $0x1  }
0x3a4: {  	v2 =	vadd.s32 v1, v2;
	_ =	sdelay $0x4  }
0x3a5: {  	[tilespmem:s0], [sflag:$0x1] =	stream.indirect_vreg.gather [hbm4b:s1+s3], $0x80, v2, vm0, $0xb8;
	[tilespmem:$0x19000] =	vst v63  }
0x3a6: {  	s31 =	simm.s32 $0x1800  }
0x3a7: {  	[tilespmem:s31], [sflag:$0x1] =	stream.indirect_vreg.gather [hbm4b:s6+s3], $0x80, v2, vm0, $0xb8;
	[tilespmem:$0x19000] =	vst v63  }
0x3a8: {  	s20 =	simm.s32 $0x2000  }
0x3a9: {  	[tilespmem:s20], [sflag:$0x1] =	stream.indirect_vreg.gather [hbm4b:s7+s3], $0x80, v2, vm0, $0xb8;
	[tilespmem:$0x19000] =	vst v63  }
0x3aa: {  	s31 =	simm.s32 $0x2800  }
0x3ab: {  	[tilespmem:s31], [sflag:$0x1] =	stream.indirect_vreg.gather [hbm4b:s8+s3], $0x80, v2, vm0, $0xb8;
	[tilespmem:$0x19000] =	vst v63  }
0x3ac: {  	s20 =	simm.s32 $0x3000  }
0x3ad: {  	[tilespmem:s20], [sflag:$0x1] =	stream.indirect_vreg.gather [hbm4b:s9+s3], $0x80, v2, vm0, $0xb8;
	[tilespmem:$0x19000] =	vst v63  }
0x3ae: {  	s31 =	simm.s32 $0x3800  }
0x3af: {  	[tilespmem:s31], [sflag:$0x1] =	stream.indirect_vreg.gather [hbm4b:s10+s3], $0x80, v2, vm0, $0xb8;
	[tilespmem:$0x19000] =	vst v63  }
0x3b0: {  	s20 =	simm.s32 $0x4000  }
0x3b1: {  	[tilespmem:s20], [sflag:$0x1] =	stream.indirect_vreg.gather [hbm4b:s11+s3], $0x80, v2, vm0, $0xb8;
	[tilespmem:$0x19000] =	vst v63  }
0x3b2: {  	s31 =	simm.s32 $0x4800  }
0x3b3: {  	[tilespmem:s31], [sflag:$0x1] =	stream.indirect_vreg.gather [hbm4b:s12+s3], $0x80, v2, vm0, $0xb8;
	[tilespmem:$0x19000] =	vst v63  }
0x3b4: {  	s20 =	simm.s32 $0x5000  }
0x3b5: {  	[tilespmem:s20], [sflag:$0x1] =	stream.indirect_vreg.gather [hbm4b:s13+s3], $0x80, v2, vm0, $0xb8;
	[tilespmem:$0x19000] =	vst v63  }
0x3b6: {  	s31 =	simm.s32 $0x5800  }
0x3b7: {  	[tilespmem:s31], [sflag:$0x1] =	stream.indirect_vreg.gather [hbm4b:s14+s3], $0x80, v2, vm0, $0xb8;
	[tilespmem:$0x19000] =	vst v63  }
0x3b8: {  	s20 =	simm.s32 $0x6000  }
0x3b9: {  	[tilespmem:s20], [sflag:$0x1] =	stream.indirect_vreg.gather [hbm4b:s15+s3], $0x80, v2, vm0, $0xb8;
	[tilespmem:$0x19000] =	vst v63  }
0x3ba: {  	s31 =	simm.s32 $0x6800  }
0x3bb: {  	[tilespmem:s31], [sflag:$0x1] =	stream.indirect_vreg.gather [hbm4b:s16+s3], $0x80, v2, vm0, $0xb8;
	[tilespmem:$0x19000] =	vst v63  }
0x3bc: {  	s20 =	simm.s32 $0x7000  }
0x3bd: {  	[tilespmem:s20], [sflag:$0x1] =	stream.indirect_vreg.gather [hbm4b:s17+s3], $0x80, v2, vm0, $0xb8;
	[tilespmem:$0x19000] =	vst v63  }
0x3be: {  	s31 =	simm.s32 $0x7800  }
0x3bf: {  	[tilespmem:s31], [sflag:$0x1] =	stream.indirect_vreg.gather [hbm4b:s18+s3], $0x80, v2, vm0, $0xb8;
	[tilespmem:$0x19000] =	vst v63  }
0x3c0: {  	s20 =	simm.s32 $0x8000  }
0x3c1: {  	[tilespmem:s20], [sflag:$0x1] =	stream.indirect_vreg.gather [hbm4b:s19+s3], $0x80, v2, vm0, $0xb8;
	[tilespmem:$0x19000] =	vst v63  }
0x3c2: {  	s31 =	simm.s32 $0x8800  }
0x3c3: {  	[tilespmem:s31], [sflag:$0x1] =	stream.indirect_vreg.gather [hbm4b:s2+s3], $0x80, v2, vm0, $0xb8;
	[tilespmem:$0x19000] =	vst v63  }
0x3c4: {  	s20 =	simm.s32 $0x9000  }
0x3c5: {  	[tilespmem:s20], [sflag:$0x1] =	stream.indirect_vreg.gather [hbm4b:s21+s3], $0x80, v2, vm0, $0xb8;
	[tilespmem:$0x19000] =	vst v63  }
0x3c6: {  	s31 =	simm.s32 $0x9800  }
0x3c7: {  	[tilespmem:s31], [sflag:$0x1] =	stream.indirect_vreg.gather [hbm4b:s22+s3], $0x80, v2, vm0, $0xb8;
	[tilespmem:$0x19000] =	vst v63  }
0x3c8: {  	s20 =	simm.s32 $0xA000  }
0x3c9: {  	[tilespmem:s20], [sflag:$0x1] =	stream.indirect_vreg.gather [hbm4b:s23+s3], $0x80, v2, vm0, $0xb8;
	[tilespmem:$0x19000] =	vst v63  }
0x3ca: {  	s31 =	simm.s32 $0xA800  }
0x3cb: {  	[tilespmem:s31], [sflag:$0x1] =	stream.indirect_vreg.gather [hbm4b:s24+s3], $0x80, v2, vm0, $0xb8;
	[tilespmem:$0x19000] =	vst v63  }
0x3cc: {  	s20 =	simm.s32 $0xB000  }
0x3cd: {  	[tilespmem:s20], [sflag:$0x1] =	stream.indirect_vreg.gather [hbm4b:s26+s3], $0x80, v2, vm0, $0xb8;
	[tilespmem:$0x19000] =	vst v63  }
0x3ce: {  	s31 =	simm.s32 $0xB800  }
0x3cf: {  	[tilespmem:s31], [sflag:$0x1] =	stream.indirect_vreg.gather [hbm4b:s28+s3], $0x80, v2, vm0, $0xb8;
	[tilespmem:$0x19000] =	vst v63  }
0x3d0: {  	s20 =	simm.s32 $0xC000  }
0x3d1: {  	[tilespmem:s20], [sflag:$0x1] =	stream.indirect_vreg.gather [hbm4b:s29+s3], $0x80, v2, vm0, $0xb8;
	[tilespmem:$0x19000] =	vst v63  }
0x3d2: {  	s4 =	simm.s32 $0x2;
	s31 =	simm.s32 $0xC800  }
0x3d3: {  	[tilespmem:s31], [sflag:$0x1] =	stream.indirect_vreg.gather [hbm4b:s5+s3], $0x80, v2, vm0, $0xb8;
	[tilespmem:$0x19000] =	vst v63  }
0x3d4: {  	_ =	swait.ge [sflag:s4], $0xC000  }
0x3d5: {  	s25 =	simm.s32 $0x80;
	s0 =	simm.s32 $0xD000;
	[sflag:s4] =	ssyncset.done $0x0  }
0x3d6: {  	s20 =	simm.s32 $0x400;
	s31 =	rddreg [dreg:$0x12];
	[sflag:s4] =	ssyncadd.s32 $0xFFFF4000  }
0x3d7: {  	[hbm4b:s31+s25] =	stream.strided.scatter [tilespmem:s0], [sflag:$0x4], $0xC000, s20, s25, $0x38;
	[tilespmem:$0x19000] =	vst v63  }
0x3d8: {  	_ =	swait.ge [sflag:s30], $0xC000  }
0x3d9: {  	[sflag:s30] =	ssyncset.done $0x0  }
0x3da: {  	[sflag:s30] =	ssyncadd.s32 $0xFFFF4000  }
0x3db: {  	v2 =	vld.msk [tilespmem:$0x780], $0x1;
	_ =	sdelay $0x4  }
0x3dc: {  	v3 =	vshrl.u32 v2, $0x3  }
0x3dd: {  	v3 =	vmul.u32 $0xC00, v3  }
0x3de: {  	v2 =	vand.u32 $0x7, v2  }
0x3df: {  	v2 =	vor.u32 v2, v3  }
0x3e0: {  	v2 =	vperm.xlane v2, v0;
	_ =	sdelay $0x1  }
0x3e1: {  	v2 =	vadd.s32 v1, v2;
	_ =	sdelay $0x4  }
0x3e2: {  	[tilespmem:s0], [sflag:$0x2] =	stream.indirect_vreg.gather [hbm4b:s1+s3], $0x80, v2, vm0, $0xb8;
	[tilespmem:$0x19000] =	vst v63  }
0x3e3: {  	s31 =	simm.s32 $0xD800  }
0x3e4: {  	[tilespmem:s31], [sflag:$0x2] =	stream.indirect_vreg.gather [hbm4b:s6+s3], $0x80, v2, vm0, $0xb8;
	[tilespmem:$0x19000] =	vst v63  }
0x3e5: {  	s20 =	smov.u32 s1;
	s1 =	simm.s32 $0xE000  }
0x3e6: {  	[tilespmem:s1], [sflag:$0x2] =	stream.indirect_vreg.gather [hbm4b:s7+s3], $0x80, v2, vm0, $0xb8;
	[tilespmem:$0x19000] =	vst v63  }
0x3e7: {  	s31 =	simm.s32 $0xE800  }
0x3e8: {  	[tilespmem:s31], [sflag:$0x2] =	stream.indirect_vreg.gather [hbm4b:s8+s3], $0x80, v2, vm0, $0xb8;
	[tilespmem:$0x19000] =	vst v63  }
0x3e9: {  	s1 =	simm.s32 $0xF000  }
0x3ea: {  	[tilespmem:s1], [sflag:$0x2] =	stream.indirect_vreg.gather [hbm4b:s9+s3], $0x80, v2, vm0, $0xb8;
	[tilespmem:$0x19000] =	vst v63  }
0x3eb: {  	s31 =	simm.s32 $0xF800  }
0x3ec: {  	[tilespmem:s31], [sflag:$0x2] =	stream.indirect_vreg.gather [hbm4b:s10+s3], $0x80, v2, vm0, $0xb8;
	[tilespmem:$0x19000] =	vst v63  }
0x3ed: {  	s1 =	simm.s32 $0x10000  }
0x3ee: {  	[tilespmem:s1], [sflag:$0x2] =	stream.indirect_vreg.gather [hbm4b:s11+s3], $0x80, v2, vm0, $0xb8;
	[tilespmem:$0x19000] =	vst v63  }
0x3ef: {  	s31 =	simm.s32 $0x10800  }
0x3f0: {  	[tilespmem:s31], [sflag:$0x2] =	stream.indirect_vreg.gather [hbm4b:s12+s3], $0x80, v2, vm0, $0xb8;
	[tilespmem:$0x19000] =	vst v63  }
0x3f1: {  	s1 =	simm.s32 $0x11000  }
0x3f2: {  	[tilespmem:s1], [sflag:$0x2] =	stream.indirect_vreg.gather [hbm4b:s13+s3], $0x80, v2, vm0, $0xb8;
	[tilespmem:$0x19000] =	vst v63  }
0x3f3: {  	s31 =	simm.s32 $0x11800  }
0x3f4: {  	[tilespmem:s31], [sflag:$0x2] =	stream.indirect_vreg.gather [hbm4b:s14+s3], $0x80, v2, vm0, $0xb8;
	[tilespmem:$0x19000] =	vst v63  }
0x3f5: {  	s1 =	simm.s32 $0x12000  }
0x3f6: {  	[tilespmem:s1], [sflag:$0x2] =	stream.indirect_vreg.gather [hbm4b:s15+s3], $0x80, v2, vm0, $0xb8;
	[tilespmem:$0x19000] =	vst v63  }
0x3f7: {  	s31 =	simm.s32 $0x12800  }
0x3f8: {  	[tilespmem:s31], [sflag:$0x2] =	stream.indirect_vreg.gather [hbm4b:s16+s3], $0x80, v2, vm0, $0xb8;
	[tilespmem:$0x19000] =	vst v63  }
0x3f9: {  	s1 =	simm.s32 $0x13000  }
0x3fa: {  	[tilespmem:s1], [sflag:$0x2] =	stream.indirect_vreg.gather [hbm4b:s17+s3], $0x80, v2, vm0, $0xb8;
	[tilespmem:$0x19000] =	vst v63  }
0x3fb: {  	s31 =	simm.s32 $0x13800  }
0x3fc: {  	[tilespmem:s31], [sflag:$0x2] =	stream.indirect_vreg.gather [hbm4b:s18+s3], $0x80, v2, vm0, $0xb8;
	[tilespmem:$0x19000] =	vst v63  }
0x3fd: {  	s1 =	simm.s32 $0x14000  }
0x3fe: {  	[tilespmem:s1], [sflag:$0x2] =	stream.indirect_vreg.gather [hbm4b:s19+s3], $0x80, v2, vm0, $0xb8;
	[tilespmem:$0x19000] =	vst v63  }
0x3ff: {  	s31 =	simm.s32 $0x14800  }
0x400: {  	[tilespmem:s31], [sflag:$0x2] =	stream.indirect_vreg.gather [hbm4b:s2+s3], $0x80, v2, vm0, $0xb8;
	[tilespmem:$0x19000] =	vst v63  }
0x401: {  	s1 =	simm.s32 $0x15000  }
0x402: {  	[tilespmem:s1], [sflag:$0x2] =	stream.indirect_vreg.gather [hbm4b:s21+s3], $0x80, v2, vm0, $0xb8;
	[tilespmem:$0x19000] =	vst v63  }
0x403: {  	s31 =	simm.s32 $0x15800  }
0x404: {  	[tilespmem:s31], [sflag:$0x2] =	stream.indirect_vreg.gather [hbm4b:s22+s3], $0x80, v2, vm0, $0xb8;
	[tilespmem:$0x19000] =	vst v63  }
0x405: {  	s1 =	simm.s32 $0x16000  }
0x406: {  	[tilespmem:s1], [sflag:$0x2] =	stream.indirect_vreg.gather [hbm4b:s23+s3], $0x80, v2, vm0, $0xb8;
	[tilespmem:$0x19000] =	vst v63  }
0x407: {  	s31 =	simm.s32 $0x16800  }
0x408: {  	[tilespmem:s31], [sflag:$0x2] =	stream.indirect_vreg.gather [hbm4b:s24+s3], $0x80, v2, vm0, $0xb8;
	[tilespmem:$0x19000] =	vst v63  }
0x409: {  	s1 =	simm.s32 $0x17000  }
0x40a: {  	[tilespmem:s1], [sflag:$0x2] =	stream.indirect_vreg.gather [hbm4b:s26+s3], $0x80, v2, vm0, $0xb8;
	[tilespmem:$0x19000] =	vst v63  }
0x40b: {  	s31 =	simm.s32 $0x17800  }
0x40c: {  	[tilespmem:s31], [sflag:$0x2] =	stream.indirect_vreg.gather [hbm4b:s28+s3], $0x80, v2, vm0, $0xb8;
	[tilespmem:$0x19000] =	vst v63  }
0x40d: {  	s1 =	simm.s32 $0x18000  }
0x40e: {  	[tilespmem:s1], [sflag:$0x2] =	stream.indirect_vreg.gather [hbm4b:s29+s3], $0x80, v2, vm0, $0xb8;
	[tilespmem:$0x19000] =	vst v63  }
0x40f: {  	s0 =	simm.s32 $0x1;
	s31 =	simm.s32 $0x18800  }
0x410: {  	[tilespmem:s31], [sflag:$0x2] =	stream.indirect_vreg.gather [hbm4b:s5+s3], $0x80, v2, vm0, $0xb8;
	[tilespmem:$0x19000] =	vst v63  }
0x411: {  	_ =	swait.ge [sflag:s0], $0xC000  }
0x412: {  	s4 =	simm.s32 $0x80;
	s25 =	simm.s32 $0x400;
	[sflag:s0] =	ssyncset.done $0x0  }
0x413: {  	s1 =	rddreg [dreg:$0x13];
	[sflag:s0] =	ssyncadd.s32 $0xFFFF4000;
	s0 =	simm.s32 $0x1000  }
0x414: {  	[hbm4b:s1+s4] =	stream.strided.scatter [tilespmem:s0], [sflag:$0x3], $0xC000, s25, s4, $0x38;
	[tilespmem:$0x19000] =	vst v63  }
0x415: {  	s4 =	simm.s32 $0x3  }
0x416: {  	_ =	swait.ge [sflag:s4], $0xC000  }
0x417: {  	[sflag:s4] =	ssyncset.done $0x0  }
0x418: {  	[sflag:s4] =	ssyncadd.s32 $0xFFFF4000  }
0x419: {  	v2 =	vld.msk [tilespmem:$0x800], $0x1;
	_ =	sdelay $0x4  }
0x41a: {  	v3 =	vshrl.u32 v2, $0x3  }
0x41b: {  	v3 =	vmul.u32 $0xC00, v3  }
0x41c: {  	v2 =	vand.u32 $0x7, v2  }
0x41d: {  	v2 =	vor.u32 v2, v3  }
0x41e: {  	v2 =	vperm.xlane v2, v0;
	_ =	sdelay $0x1  }
0x41f: {  	v2 =	vadd.s32 v1, v2;
	_ =	sdelay $0x4  }
0x420: {  	[tilespmem:s0], [sflag:$0x1] =	stream.indirect_vreg.gather [hbm4b:s20+s3], $0x80, v2, vm0, $0xb8;
	[tilespmem:$0x19000] =	vst v63  }
0x421: {  	s25 =	simm.s32 $0x1800  }
0x422: {  	[tilespmem:s25], [sflag:$0x1] =	stream.indirect_vreg.gather [hbm4b:s6+s3], $0x80, v2, vm0, $0xb8;
	[tilespmem:$0x19000] =	vst v63  }
0x423: {  	s31 =	simm.s32 $0x2000  }
0x424: {  	[tilespmem:s31], [sflag:$0x1] =	stream.indirect_vreg.gather [hbm4b:s7+s3], $0x80, v2, vm0, $0xb8;
	[tilespmem:$0x19000] =	vst v63  }
0x425: {  	s1 =	simm.s32 $0x2800  }
0x426: {  	[tilespmem:s1], [sflag:$0x1] =	stream.indirect_vreg.gather [hbm4b:s8+s3], $0x80, v2, vm0, $0xb8;
	[tilespmem:$0x19000] =	vst v63  }
0x427: {  	s4 =	smov.u32 s20;
	s20 =	simm.s32 $0x3000  }
0x428: {  	[tilespmem:s20], [sflag:$0x1] =	stream.indirect_vreg.gather [hbm4b:s9+s3], $0x80, v2, vm0, $0xb8;
	[tilespmem:$0x19000] =	vst v63  }
0x429: {  	s25 =	simm.s32 $0x3800  }
0x42a: {  	[tilespmem:s25], [sflag:$0x1] =	stream.indirect_vreg.gather [hbm4b:s10+s3], $0x80, v2, vm0, $0xb8;
	[tilespmem:$0x19000] =	vst v63  }
0x42b: {  	s31 =	simm.s32 $0x4000  }
0x42c: {  	[tilespmem:s31], [sflag:$0x1] =	stream.indirect_vreg.gather [hbm4b:s11+s3], $0x80, v2, vm0, $0xb8;
	[tilespmem:$0x19000] =	vst v63  }
0x42d: {  	s1 =	simm.s32 $0x4800  }
0x42e: {  	[tilespmem:s1], [sflag:$0x1] =	stream.indirect_vreg.gather [hbm4b:s12+s3], $0x80, v2, vm0, $0xb8;
	[tilespmem:$0x19000] =	vst v63  }
0x42f: {  	s20 =	simm.s32 $0x5000  }
0x430: {  	[tilespmem:s20], [sflag:$0x1] =	stream.indirect_vreg.gather [hbm4b:s13+s3], $0x80, v2, vm0, $0xb8;
	[tilespmem:$0x19000] =	vst v63  }
0x431: {  	s25 =	simm.s32 $0x5800  }
0x432: {  	[tilespmem:s25], [sflag:$0x1] =	stream.indirect_vreg.gather [hbm4b:s14+s3], $0x80, v2, vm0, $0xb8;
	[tilespmem:$0x19000] =	vst v63  }
0x433: {  	s31 =	simm.s32 $0x6000  }
0x434: {  	[tilespmem:s31], [sflag:$0x1] =	stream.indirect_vreg.gather [hbm4b:s15+s3], $0x80, v2, vm0, $0xb8;
	[tilespmem:$0x19000] =	vst v63  }
0x435: {  	s1 =	simm.s32 $0x6800  }
0x436: {  	[tilespmem:s1], [sflag:$0x1] =	stream.indirect_vreg.gather [hbm4b:s16+s3], $0x80, v2, vm0, $0xb8;
	[tilespmem:$0x19000] =	vst v63  }
0x437: {  	s20 =	simm.s32 $0x7000  }
0x438: {  	[tilespmem:s20], [sflag:$0x1] =	stream.indirect_vreg.gather [hbm4b:s17+s3], $0x80, v2, vm0, $0xb8;
	[tilespmem:$0x19000] =	vst v63  }
0x439: {  	s25 =	simm.s32 $0x7800  }
0x43a: {  	[tilespmem:s25], [sflag:$0x1] =	stream.indirect_vreg.gather [hbm4b:s18+s3], $0x80, v2, vm0, $0xb8;
	[tilespmem:$0x19000] =	vst v63  }
0x43b: {  	s31 =	simm.s32 $0x8000  }
0x43c: {  	[tilespmem:s31], [sflag:$0x1] =	stream.indirect_vreg.gather [hbm4b:s19+s3], $0x80, v2, vm0, $0xb8;
	[tilespmem:$0x19000] =	vst v63  }
0x43d: {  	s1 =	simm.s32 $0x8800  }
0x43e: {  	[tilespmem:s1], [sflag:$0x1] =	stream.indirect_vreg.gather [hbm4b:s2+s3], $0x80, v2, vm0, $0xb8;
	[tilespmem:$0x19000] =	vst v63  }
0x43f: {  	s20 =	simm.s32 $0x9000  }
0x440: {  	[tilespmem:s20], [sflag:$0x1] =	stream.indirect_vreg.gather [hbm4b:s21+s3], $0x80, v2, vm0, $0xb8;
	[tilespmem:$0x19000] =	vst v63  }
0x441: {  	s25 =	simm.s32 $0x9800  }
0x442: {  	[tilespmem:s25], [sflag:$0x1] =	stream.indirect_vreg.gather [hbm4b:s22+s3], $0x80, v2, vm0, $0xb8;
	[tilespmem:$0x19000] =	vst v63  }
0x443: {  	s31 =	simm.s32 $0xA000  }
0x444: {  	[tilespmem:s31], [sflag:$0x1] =	stream.indirect_vreg.gather [hbm4b:s23+s3], $0x80, v2, vm0, $0xb8;
	[tilespmem:$0x19000] =	vst v63  }
0x445: {  	s1 =	simm.s32 $0xA800  }
0x446: {  	[tilespmem:s1], [sflag:$0x1] =	stream.indirect_vreg.gather [hbm4b:s24+s3], $0x80, v2, vm0, $0xb8;
	[tilespmem:$0x19000] =	vst v63  }
0x447: {  	s20 =	simm.s32 $0xB000  }
0x448: {  	[tilespmem:s20], [sflag:$0x1] =	stream.indirect_vreg.gather [hbm4b:s26+s3], $0x80, v2, vm0, $0xb8;
	[tilespmem:$0x19000] =	vst v63  }
0x449: {  	s25 =	simm.s32 $0xB800  }
0x44a: {  	[tilespmem:s25], [sflag:$0x1] =	stream.indirect_vreg.gather [hbm4b:s28+s3], $0x80, v2, vm0, $0xb8;
	[tilespmem:$0x19000] =	vst v63  }
0x44b: {  	s31 =	simm.s32 $0xC000  }
0x44c: {  	[tilespmem:s31], [sflag:$0x1] =	stream.indirect_vreg.gather [hbm4b:s29+s3], $0x80, v2, vm0, $0xb8;
	[tilespmem:$0x19000] =	vst v63  }
0x44d: {  	s1 =	simm.s32 $0xC800;
	s20 =	simm.s32 $0x2  }
0x44e: {  	[tilespmem:s1], [sflag:$0x1] =	stream.indirect_vreg.gather [hbm4b:s5+s3], $0x80, v2, vm0, $0xb8;
	[tilespmem:$0x19000] =	vst v63  }
0x44f: {  	_ =	swait.ge [sflag:s20], $0xC000  }
0x450: {  	s0 =	simm.s32 $0xD000;
	s1 =	simm.s32 $0x80;
	[sflag:s20] =	ssyncset.done $0x0  }
0x451: {  	s25 =	rddreg [dreg:$0x14];
	[sflag:s20] =	ssyncadd.s32 $0xFFFF4000;
	s20 =	simm.s32 $0x400  }
0x452: {  	[hbm4b:s25+s1] =	stream.strided.scatter [tilespmem:s0], [sflag:$0x4], $0xC000, s20, s1, $0x38;
	[tilespmem:$0x19000] =	vst v63  }
0x453: {  	_ =	swait.ge [sflag:s30], $0xC000  }
0x454: {  	[sflag:s30] =	ssyncset.done $0x0  }
0x455: {  	[sflag:s30] =	ssyncadd.s32 $0xFFFF4000  }
0x456: {  	v2 =	vld.msk [tilespmem:$0x880], $0x1;
	_ =	sdelay $0x4  }
0x457: {  	v3 =	vshrl.u32 v2, $0x3  }
0x458: {  	v3 =	vmul.u32 $0xC00, v3  }
0x459: {  	v2 =	vand.u32 $0x7, v2  }
0x45a: {  	v2 =	vor.u32 v2, v3  }
0x45b: {  	v2 =	vperm.xlane v2, v0;
	_ =	sdelay $0x1  }
0x45c: {  	v2 =	vadd.s32 v1, v2;
	_ =	sdelay $0x4  }
0x45d: {  	[tilespmem:s0], [sflag:$0x2] =	stream.indirect_vreg.gather [hbm4b:s4+s3], $0x80, v2, vm0, $0xb8;
	[tilespmem:$0x19000] =	vst v63  }
0x45e: {  	s31 =	simm.s32 $0xD800  }
0x45f: {  	[tilespmem:s31], [sflag:$0x2] =	stream.indirect_vreg.gather [hbm4b:s6+s3], $0x80, v2, vm0, $0xb8;
	[tilespmem:$0x19000] =	vst v63  }
0x460: {  	s0 =	simm.s32 $0xE000  }
0x461: {  	[tilespmem:s0], [sflag:$0x2] =	stream.indirect_vreg.gather [hbm4b:s7+s3], $0x80, v2, vm0, $0xb8;
	[tilespmem:$0x19000] =	vst v63  }
0x462: {  	s31 =	simm.s32 $0xE800  }
0x463: {  	[tilespmem:s31], [sflag:$0x2] =	stream.indirect_vreg.gather [hbm4b:s8+s3], $0x80, v2, vm0, $0xb8;
	[tilespmem:$0x19000] =	vst v63  }
0x464: {  	s0 =	simm.s32 $0xF000  }
0x465: {  	[tilespmem:s0], [sflag:$0x2] =	stream.indirect_vreg.gather [hbm4b:s9+s3], $0x80, v2, vm0, $0xb8;
	[tilespmem:$0x19000] =	vst v63  }
0x466: {  	s31 =	simm.s32 $0xF800  }
0x467: {  	[tilespmem:s31], [sflag:$0x2] =	stream.indirect_vreg.gather [hbm4b:s10+s3], $0x80, v2, vm0, $0xb8;
	[tilespmem:$0x19000] =	vst v63  }
0x468: {  	s0 =	simm.s32 $0x10000  }
0x469: {  	[tilespmem:s0], [sflag:$0x2] =	stream.indirect_vreg.gather [hbm4b:s11+s3], $0x80, v2, vm0, $0xb8;
	[tilespmem:$0x19000] =	vst v63  }
0x46a: {  	s31 =	simm.s32 $0x10800  }
0x46b: {  	[tilespmem:s31], [sflag:$0x2] =	stream.indirect_vreg.gather [hbm4b:s12+s3], $0x80, v2, vm0, $0xb8;
	[tilespmem:$0x19000] =	vst v63  }
0x46c: {  	s0 =	simm.s32 $0x11000  }
0x46d: {  	[tilespmem:s0], [sflag:$0x2] =	stream.indirect_vreg.gather [hbm4b:s13+s3], $0x80, v2, vm0, $0xb8;
	[tilespmem:$0x19000] =	vst v63  }
0x46e: {  	s31 =	simm.s32 $0x11800  }
0x46f: {  	[tilespmem:s31], [sflag:$0x2] =	stream.indirect_vreg.gather [hbm4b:s14+s3], $0x80, v2, vm0, $0xb8;
	[tilespmem:$0x19000] =	vst v63  }
0x470: {  	s0 =	simm.s32 $0x12000  }
0x471: {  	[tilespmem:s0], [sflag:$0x2] =	stream.indirect_vreg.gather [hbm4b:s15+s3], $0x80, v2, vm0, $0xb8;
	[tilespmem:$0x19000] =	vst v63  }
0x472: {  	s31 =	simm.s32 $0x12800  }
0x473: {  	[tilespmem:s31], [sflag:$0x2] =	stream.indirect_vreg.gather [hbm4b:s16+s3], $0x80, v2, vm0, $0xb8;
	[tilespmem:$0x19000] =	vst v63  }
0x474: {  	s0 =	simm.s32 $0x13000  }
0x475: {  	[tilespmem:s0], [sflag:$0x2] =	stream.indirect_vreg.gather [hbm4b:s17+s3], $0x80, v2, vm0, $0xb8;
	[tilespmem:$0x19000] =	vst v63  }
0x476: {  	s31 =	simm.s32 $0x13800  }
0x477: {  	[tilespmem:s31], [sflag:$0x2] =	stream.indirect_vreg.gather [hbm4b:s18+s3], $0x80, v2, vm0, $0xb8;
	[tilespmem:$0x19000] =	vst v63  }
0x478: {  	s0 =	simm.s32 $0x14000  }
0x479: {  	[tilespmem:s0], [sflag:$0x2] =	stream.indirect_vreg.gather [hbm4b:s19+s3], $0x80, v2, vm0, $0xb8;
	[tilespmem:$0x19000] =	vst v63  }
0x47a: {  	s31 =	simm.s32 $0x14800  }
0x47b: {  	[tilespmem:s31], [sflag:$0x2] =	stream.indirect_vreg.gather [hbm4b:s2+s3], $0x80, v2, vm0, $0xb8;
	[tilespmem:$0x19000] =	vst v63  }
0x47c: {  	s0 =	simm.s32 $0x15000  }
0x47d: {  	[tilespmem:s0], [sflag:$0x2] =	stream.indirect_vreg.gather [hbm4b:s21+s3], $0x80, v2, vm0, $0xb8;
	[tilespmem:$0x19000] =	vst v63  }
0x47e: {  	s31 =	simm.s32 $0x15800  }
0x47f: {  	[tilespmem:s31], [sflag:$0x2] =	stream.indirect_vreg.gather [hbm4b:s22+s3], $0x80, v2, vm0, $0xb8;
	[tilespmem:$0x19000] =	vst v63  }
0x480: {  	s0 =	simm.s32 $0x16000  }
0x481: {  	[tilespmem:s0], [sflag:$0x2] =	stream.indirect_vreg.gather [hbm4b:s23+s3], $0x80, v2, vm0, $0xb8;
	[tilespmem:$0x19000] =	vst v63  }
0x482: {  	s31 =	simm.s32 $0x16800  }
0x483: {  	[tilespmem:s31], [sflag:$0x2] =	stream.indirect_vreg.gather [hbm4b:s24+s3], $0x80, v2, vm0, $0xb8;
	[tilespmem:$0x19000] =	vst v63  }
0x484: {  	s0 =	simm.s32 $0x17000  }
0x485: {  	[tilespmem:s0], [sflag:$0x2] =	stream.indirect_vreg.gather [hbm4b:s26+s3], $0x80, v2, vm0, $0xb8;
	[tilespmem:$0x19000] =	vst v63  }
0x486: {  	s31 =	simm.s32 $0x17800  }
0x487: {  	[tilespmem:s31], [sflag:$0x2] =	stream.indirect_vreg.gather [hbm4b:s28+s3], $0x80, v2, vm0, $0xb8;
	[tilespmem:$0x19000] =	vst v63  }
0x488: {  	s0 =	simm.s32 $0x18000  }
0x489: {  	[tilespmem:s0], [sflag:$0x2] =	stream.indirect_vreg.gather [hbm4b:s29+s3], $0x80, v2, vm0, $0xb8;
	[tilespmem:$0x19000] =	vst v63  }
0x48a: {  	s31 =	simm.s32 $0x18800;
	s0 =	simm.s32 $0x1  }
0x48b: {  	[tilespmem:s31], [sflag:$0x2] =	stream.indirect_vreg.gather [hbm4b:s5+s3], $0x80, v2, vm0, $0xb8;
	[tilespmem:$0x19000] =	vst v63  }
0x48c: {  	_ =	swait.ge [sflag:s0], $0xC000  }
0x48d: {  	[sflag:s0] =	ssyncset.done $0x0  }
0x48e: {  	s31 =	rddreg [dreg:$0x15];
	[sflag:s0] =	ssyncadd.s32 $0xFFFF4000;
	s0 =	simm.s32 $0x1000  }
0x48f: {  	[hbm4b:s31+s1] =	stream.strided.scatter [tilespmem:s0], [sflag:$0x3], $0xC000, s20, s1, $0x38;
	[tilespmem:$0x19000] =	vst v63  }
0x490: {  	s31 =	simm.s32 $0x3  }
0x491: {  	_ =	swait.ge [sflag:s31], $0xC000  }
0x492: {  	[sflag:s31] =	ssyncset.done $0x0  }
0x493: {  	[sflag:s31] =	ssyncadd.s32 $0xFFFF4000  }
0x494: {  	v2 =	vld.msk [tilespmem:$0x900], $0x1;
	_ =	sdelay $0x4  }
0x495: {  	v3 =	vshrl.u32 v2, $0x3  }
0x496: {  	v3 =	vmul.u32 $0xC00, v3  }
0x497: {  	v2 =	vand.u32 $0x7, v2  }
0x498: {  	v2 =	vor.u32 v2, v3  }
0x499: {  	v2 =	vperm.xlane v2, v0;
	_ =	sdelay $0x1  }
0x49a: {  	v2 =	vadd.s32 v1, v2;
	_ =	sdelay $0x4  }
0x49b: {  	[tilespmem:s0], [sflag:$0x1] =	stream.indirect_vreg.gather [hbm4b:s4+s3], $0x80, v2, vm0, $0xb8;
	[tilespmem:$0x19000] =	vst v63  }
0x49c: {  	s31 =	simm.s32 $0x1800  }
0x49d: {  	[tilespmem:s31], [sflag:$0x1] =	stream.indirect_vreg.gather [hbm4b:s6+s3], $0x80, v2, vm0, $0xb8;
	[tilespmem:$0x19000] =	vst v63  }
0x49e: {  	s0 =	simm.s32 $0x2000  }
0x49f: {  	[tilespmem:s0], [sflag:$0x1] =	stream.indirect_vreg.gather [hbm4b:s7+s3], $0x80, v2, vm0, $0xb8;
	[tilespmem:$0x19000] =	vst v63  }
0x4a0: {  	s31 =	simm.s32 $0x2800  }
0x4a1: {  	[tilespmem:s31], [sflag:$0x1] =	stream.indirect_vreg.gather [hbm4b:s8+s3], $0x80, v2, vm0, $0xb8;
	[tilespmem:$0x19000] =	vst v63  }
0x4a2: {  	s0 =	simm.s32 $0x3000  }
0x4a3: {  	[tilespmem:s0], [sflag:$0x1] =	stream.indirect_vreg.gather [hbm4b:s9+s3], $0x80, v2, vm0, $0xb8;
	[tilespmem:$0x19000] =	vst v63  }
0x4a4: {  	s31 =	simm.s32 $0x3800  }
0x4a5: {  	[tilespmem:s31], [sflag:$0x1] =	stream.indirect_vreg.gather [hbm4b:s10+s3], $0x80, v2, vm0, $0xb8;
	[tilespmem:$0x19000] =	vst v63  }
0x4a6: {  	s1 =	simm.s32 $0x4000  }
0x4a7: {  	[tilespmem:s1], [sflag:$0x1] =	stream.indirect_vreg.gather [hbm4b:s11+s3], $0x80, v2, vm0, $0xb8;
	[tilespmem:$0x19000] =	vst v63  }
0x4a8: {  	s31 =	simm.s32 $0x4800  }
0x4a9: {  	[tilespmem:s31], [sflag:$0x1] =	stream.indirect_vreg.gather [hbm4b:s12+s3], $0x80, v2, vm0, $0xb8;
	[tilespmem:$0x19000] =	vst v63  }
0x4aa: {  	s1 =	simm.s32 $0x5000  }
0x4ab: {  	[tilespmem:s1], [sflag:$0x1] =	stream.indirect_vreg.gather [hbm4b:s13+s3], $0x80, v2, vm0, $0xb8;
	[tilespmem:$0x19000] =	vst v63  }
0x4ac: {  	s31 =	simm.s32 $0x5800  }
0x4ad: {  	[tilespmem:s31], [sflag:$0x1] =	stream.indirect_vreg.gather [hbm4b:s14+s3], $0x80, v2, vm0, $0xb8;
	[tilespmem:$0x19000] =	vst v63  }
0x4ae: {  	s1 =	simm.s32 $0x6000  }
0x4af: {  	[tilespmem:s1], [sflag:$0x1] =	stream.indirect_vreg.gather [hbm4b:s15+s3], $0x80, v2, vm0, $0xb8;
	[tilespmem:$0x19000] =	vst v63  }
0x4b0: {  	s31 =	simm.s32 $0x6800  }
0x4b1: {  	[tilespmem:s31], [sflag:$0x1] =	stream.indirect_vreg.gather [hbm4b:s16+s3], $0x80, v2, vm0, $0xb8;
	[tilespmem:$0x19000] =	vst v63  }
0x4b2: {  	s1 =	simm.s32 $0x7000  }
0x4b3: {  	[tilespmem:s1], [sflag:$0x1] =	stream.indirect_vreg.gather [hbm4b:s17+s3], $0x80, v2, vm0, $0xb8;
	[tilespmem:$0x19000] =	vst v63  }
0x4b4: {  	s31 =	simm.s32 $0x7800  }
0x4b5: {  	[tilespmem:s31], [sflag:$0x1] =	stream.indirect_vreg.gather [hbm4b:s18+s3], $0x80, v2, vm0, $0xb8;
	[tilespmem:$0x19000] =	vst v63  }
0x4b6: {  	s1 =	simm.s32 $0x8000  }
0x4b7: {  	[tilespmem:s1], [sflag:$0x1] =	stream.indirect_vreg.gather [hbm4b:s19+s3], $0x80, v2, vm0, $0xb8;
	[tilespmem:$0x19000] =	vst v63  }
0x4b8: {  	s31 =	simm.s32 $0x8800  }
0x4b9: {  	[tilespmem:s31], [sflag:$0x1] =	stream.indirect_vreg.gather [hbm4b:s2+s3], $0x80, v2, vm0, $0xb8;
	[tilespmem:$0x19000] =	vst v63  }
0x4ba: {  	s1 =	simm.s32 $0x9000  }
0x4bb: {  	[tilespmem:s1], [sflag:$0x1] =	stream.indirect_vreg.gather [hbm4b:s21+s3], $0x80, v2, vm0, $0xb8;
	[tilespmem:$0x19000] =	vst v63  }
0x4bc: {  	s31 =	simm.s32 $0x9800  }
0x4bd: {  	[tilespmem:s31], [sflag:$0x1] =	stream.indirect_vreg.gather [hbm4b:s22+s3], $0x80, v2, vm0, $0xb8;
	[tilespmem:$0x19000] =	vst v63  }
0x4be: {  	s1 =	simm.s32 $0xA000  }
0x4bf: {  	[tilespmem:s1], [sflag:$0x1] =	stream.indirect_vreg.gather [hbm4b:s23+s3], $0x80, v2, vm0, $0xb8;
	[tilespmem:$0x19000] =	vst v63  }
0x4c0: {  	s31 =	simm.s32 $0xA800  }
0x4c1: {  	[tilespmem:s31], [sflag:$0x1] =	stream.indirect_vreg.gather [hbm4b:s24+s3], $0x80, v2, vm0, $0xb8;
	[tilespmem:$0x19000] =	vst v63  }
0x4c2: {  	s1 =	simm.s32 $0xB000  }
0x4c3: {  	[tilespmem:s1], [sflag:$0x1] =	stream.indirect_vreg.gather [hbm4b:s26+s3], $0x80, v2, vm0, $0xb8;
	[tilespmem:$0x19000] =	vst v63  }
0x4c4: {  	s31 =	simm.s32 $0xB800  }
0x4c5: {  	[tilespmem:s31], [sflag:$0x1] =	stream.indirect_vreg.gather [hbm4b:s28+s3], $0x80, v2, vm0, $0xb8;
	[tilespmem:$0x19000] =	vst v63  }
0x4c6: {  	s1 =	simm.s32 $0xC000  }
0x4c7: {  	[tilespmem:s1], [sflag:$0x1] =	stream.indirect_vreg.gather [hbm4b:s29+s3], $0x80, v2, vm0, $0xb8;
	[tilespmem:$0x19000] =	vst v63  }
0x4c8: {  	s31 =	simm.s32 $0xC800;
	s1 =	simm.s32 $0x2  }
0x4c9: {  	[tilespmem:s31], [sflag:$0x1] =	stream.indirect_vreg.gather [hbm4b:s5+s3], $0x80, v2, vm0, $0xb8;
	[tilespmem:$0x19000] =	vst v63  }
0x4ca: {  	_ =	swait.ge [sflag:s1], $0xC000  }
0x4cb: {  	s25 =	simm.s32 $0x400;
	s20 =	simm.s32 $0x80;
	[sflag:s1] =	ssyncset.done $0x0  }
0x4cc: {  	s0 =	rddreg [dreg:$0x16];
	[sflag:s1] =	ssyncadd.s32 $0xFFFF4000;
	s1 =	simm.s32 $0xD000  }
0x4cd: {  	[hbm4b:s0+s20] =	stream.strided.scatter [tilespmem:s1], [sflag:$0x4], $0xC000, s25, s20, $0x38;
	[tilespmem:$0x19000] =	vst v63  }
0x4ce: {  	_ =	swait.ge [sflag:s30], $0xC000  }
0x4cf: {  	[sflag:s30] =	ssyncset.done $0x0  }
0x4d0: {  	[sflag:s30] =	ssyncadd.s32 $0xFFFF4000  }
0x4d1: {  	v2 =	vld.msk [tilespmem:$0x980], $0x1;
	_ =	sdelay $0x4  }
0x4d2: {  	v3 =	vshrl.u32 v2, $0x3  }
0x4d3: {  	v3 =	vmul.u32 $0xC00, v3  }
0x4d4: {  	v2 =	vand.u32 $0x7, v2  }
0x4d5: {  	v2 =	vor.u32 v2, v3  }
0x4d6: {  	v2 =	vperm.xlane v2, v0;
	_ =	sdelay $0x1  }
0x4d7: {  	v2 =	vadd.s32 v1, v2;
	_ =	sdelay $0x4  }
0x4d8: {  	[tilespmem:s1], [sflag:$0x2] =	stream.indirect_vreg.gather [hbm4b:s4+s3], $0x80, v2, vm0, $0xb8;
	[tilespmem:$0x19000] =	vst v63  }
0x4d9: {  	s31 =	simm.s32 $0xD800  }
0x4da: {  	[tilespmem:s31], [sflag:$0x2] =	stream.indirect_vreg.gather [hbm4b:s6+s3], $0x80, v2, vm0, $0xb8;
	[tilespmem:$0x19000] =	vst v63  }
0x4db: {  	s0 =	smov.u32 s4;
	s4 =	simm.s32 $0xE000  }
0x4dc: {  	[tilespmem:s4], [sflag:$0x2] =	stream.indirect_vreg.gather [hbm4b:s7+s3], $0x80, v2, vm0, $0xb8;
	[tilespmem:$0x19000] =	vst v63  }
0x4dd: {  	s31 =	simm.s32 $0xE800  }
0x4de: {  	[tilespmem:s31], [sflag:$0x2] =	stream.indirect_vreg.gather [hbm4b:s8+s3], $0x80, v2, vm0, $0xb8;
	[tilespmem:$0x19000] =	vst v63  }
0x4df: {  	s4 =	simm.s32 $0xF000  }
0x4e0: {  	[tilespmem:s4], [sflag:$0x2] =	stream.indirect_vreg.gather [hbm4b:s9+s3], $0x80, v2, vm0, $0xb8;
	[tilespmem:$0x19000] =	vst v63  }
0x4e1: {  	s31 =	simm.s32 $0xF800  }
0x4e2: {  	[tilespmem:s31], [sflag:$0x2] =	stream.indirect_vreg.gather [hbm4b:s10+s3], $0x80, v2, vm0, $0xb8;
	[tilespmem:$0x19000] =	vst v63  }
0x4e3: {  	s4 =	simm.s32 $0x10000  }
0x4e4: {  	[tilespmem:s4], [sflag:$0x2] =	stream.indirect_vreg.gather [hbm4b:s11+s3], $0x80, v2, vm0, $0xb8;
	[tilespmem:$0x19000] =	vst v63  }
0x4e5: {  	s31 =	simm.s32 $0x10800  }
0x4e6: {  	[tilespmem:s31], [sflag:$0x2] =	stream.indirect_vreg.gather [hbm4b:s12+s3], $0x80, v2, vm0, $0xb8;
	[tilespmem:$0x19000] =	vst v63  }
0x4e7: {  	s4 =	simm.s32 $0x11000  }
0x4e8: {  	[tilespmem:s4], [sflag:$0x2] =	stream.indirect_vreg.gather [hbm4b:s13+s3], $0x80, v2, vm0, $0xb8;
	[tilespmem:$0x19000] =	vst v63  }
0x4e9: {  	s31 =	simm.s32 $0x11800  }
0x4ea: {  	[tilespmem:s31], [sflag:$0x2] =	stream.indirect_vreg.gather [hbm4b:s14+s3], $0x80, v2, vm0, $0xb8;
	[tilespmem:$0x19000] =	vst v63  }
0x4eb: {  	s4 =	simm.s32 $0x12000  }
0x4ec: {  	[tilespmem:s4], [sflag:$0x2] =	stream.indirect_vreg.gather [hbm4b:s15+s3], $0x80, v2, vm0, $0xb8;
	[tilespmem:$0x19000] =	vst v63  }
0x4ed: {  	s31 =	simm.s32 $0x12800  }
0x4ee: {  	[tilespmem:s31], [sflag:$0x2] =	stream.indirect_vreg.gather [hbm4b:s16+s3], $0x80, v2, vm0, $0xb8;
	[tilespmem:$0x19000] =	vst v63  }
0x4ef: {  	s4 =	simm.s32 $0x13000  }
0x4f0: {  	[tilespmem:s4], [sflag:$0x2] =	stream.indirect_vreg.gather [hbm4b:s17+s3], $0x80, v2, vm0, $0xb8;
	[tilespmem:$0x19000] =	vst v63  }
0x4f1: {  	s31 =	simm.s32 $0x13800  }
0x4f2: {  	[tilespmem:s31], [sflag:$0x2] =	stream.indirect_vreg.gather [hbm4b:s18+s3], $0x80, v2, vm0, $0xb8;
	[tilespmem:$0x19000] =	vst v63  }
0x4f3: {  	s4 =	simm.s32 $0x14000  }
0x4f4: {  	[tilespmem:s4], [sflag:$0x2] =	stream.indirect_vreg.gather [hbm4b:s19+s3], $0x80, v2, vm0, $0xb8;
	[tilespmem:$0x19000] =	vst v63  }
0x4f5: {  	s31 =	simm.s32 $0x14800  }
0x4f6: {  	[tilespmem:s31], [sflag:$0x2] =	stream.indirect_vreg.gather [hbm4b:s2+s3], $0x80, v2, vm0, $0xb8;
	[tilespmem:$0x19000] =	vst v63  }
0x4f7: {  	s4 =	simm.s32 $0x15000  }
0x4f8: {  	[tilespmem:s4], [sflag:$0x2] =	stream.indirect_vreg.gather [hbm4b:s21+s3], $0x80, v2, vm0, $0xb8;
	[tilespmem:$0x19000] =	vst v63  }
0x4f9: {  	s31 =	simm.s32 $0x15800  }
0x4fa: {  	[tilespmem:s31], [sflag:$0x2] =	stream.indirect_vreg.gather [hbm4b:s22+s3], $0x80, v2, vm0, $0xb8;
	[tilespmem:$0x19000] =	vst v63  }
0x4fb: {  	s4 =	simm.s32 $0x16000  }
0x4fc: {  	[tilespmem:s4], [sflag:$0x2] =	stream.indirect_vreg.gather [hbm4b:s23+s3], $0x80, v2, vm0, $0xb8;
	[tilespmem:$0x19000] =	vst v63  }
0x4fd: {  	s31 =	simm.s32 $0x16800  }
0x4fe: {  	[tilespmem:s31], [sflag:$0x2] =	stream.indirect_vreg.gather [hbm4b:s24+s3], $0x80, v2, vm0, $0xb8;
	[tilespmem:$0x19000] =	vst v63  }
0x4ff: {  	s4 =	simm.s32 $0x17000  }
0x500: {  	[tilespmem:s4], [sflag:$0x2] =	stream.indirect_vreg.gather [hbm4b:s26+s3], $0x80, v2, vm0, $0xb8;
	[tilespmem:$0x19000] =	vst v63  }
0x501: {  	s31 =	simm.s32 $0x17800  }
0x502: {  	[tilespmem:s31], [sflag:$0x2] =	stream.indirect_vreg.gather [hbm4b:s28+s3], $0x80, v2, vm0, $0xb8;
	[tilespmem:$0x19000] =	vst v63  }
0x503: {  	s4 =	simm.s32 $0x18000  }
0x504: {  	[tilespmem:s4], [sflag:$0x2] =	stream.indirect_vreg.gather [hbm4b:s29+s3], $0x80, v2, vm0, $0xb8;
	[tilespmem:$0x19000] =	vst v63  }
0x505: {  	s1 =	simm.s32 $0x1;
	s31 =	simm.s32 $0x18800  }
0x506: {  	[tilespmem:s31], [sflag:$0x2] =	stream.indirect_vreg.gather [hbm4b:s5+s3], $0x80, v2, vm0, $0xb8;
	[tilespmem:$0x19000] =	vst v63  }
0x507: {  	_ =	swait.ge [sflag:s1], $0xC000  }
0x508: {  	[sflag:s1] =	ssyncset.done $0x0  }
0x509: {  	s4 =	rddreg [dreg:$0x17];
	[sflag:s1] =	ssyncadd.s32 $0xFFFF4000;
	s1 =	simm.s32 $0x1000  }
0x50a: {  	[hbm4b:s4+s20] =	stream.strided.scatter [tilespmem:s1], [sflag:$0x3], $0xC000, s25, s20, $0x38;
	[tilespmem:$0x19000] =	vst v63  }
0x50b: {  	s25 =	simm.s32 $0x3  }
0x50c: {  	_ =	swait.ge [sflag:s25], $0xC000  }
0x50d: {  	[sflag:s25] =	ssyncset.done $0x0  }
0x50e: {  	[sflag:s25] =	ssyncadd.s32 $0xFFFF4000  }
0x50f: {  	v2 =	vld.msk [tilespmem:$0xA00], $0x1;
	_ =	sdelay $0x4  }
0x510: {  	v3 =	vshrl.u32 v2, $0x3  }
0x511: {  	v3 =	vmul.u32 $0xC00, v3  }
0x512: {  	v2 =	vand.u32 $0x7, v2  }
0x513: {  	v2 =	vor.u32 v2, v3  }
0x514: {  	v2 =	vperm.xlane v2, v0;
	_ =	sdelay $0x1  }
0x515: {  	v2 =	vadd.s32 v1, v2;
	_ =	sdelay $0x4  }
0x516: {  	[tilespmem:s1], [sflag:$0x1] =	stream.indirect_vreg.gather [hbm4b:s0+s3], $0x80, v2, vm0, $0xb8;
	[tilespmem:$0x19000] =	vst v63  }
0x517: {  	s31 =	simm.s32 $0x1800  }
0x518: {  	[tilespmem:s31], [sflag:$0x1] =	stream.indirect_vreg.gather [hbm4b:s6+s3], $0x80, v2, vm0, $0xb8;
	[tilespmem:$0x19000] =	vst v63  }
0x519: {  	s4 =	simm.s32 $0x2000  }
0x51a: {  	[tilespmem:s4], [sflag:$0x1] =	stream.indirect_vreg.gather [hbm4b:s7+s3], $0x80, v2, vm0, $0xb8;
	[tilespmem:$0x19000] =	vst v63  }
0x51b: {  	s20 =	simm.s32 $0x2800  }
0x51c: {  	[tilespmem:s20], [sflag:$0x1] =	stream.indirect_vreg.gather [hbm4b:s8+s3], $0x80, v2, vm0, $0xb8;
	[tilespmem:$0x19000] =	vst v63  }
0x51d: {  	s25 =	simm.s32 $0x3000  }
0x51e: {  	[tilespmem:s25], [sflag:$0x1] =	stream.indirect_vreg.gather [hbm4b:s9+s3], $0x80, v2, vm0, $0xb8;
	[tilespmem:$0x19000] =	vst v63  }
0x51f: {  	s31 =	simm.s32 $0x3800  }
0x520: {  	[tilespmem:s31], [sflag:$0x1] =	stream.indirect_vreg.gather [hbm4b:s10+s3], $0x80, v2, vm0, $0xb8;
	[tilespmem:$0x19000] =	vst v63  }
0x521: {  	s4 =	simm.s32 $0x4000  }
0x522: {  	[tilespmem:s4], [sflag:$0x1] =	stream.indirect_vreg.gather [hbm4b:s11+s3], $0x80, v2, vm0, $0xb8;
	[tilespmem:$0x19000] =	vst v63  }
0x523: {  	s20 =	simm.s32 $0x4800  }
0x524: {  	[tilespmem:s20], [sflag:$0x1] =	stream.indirect_vreg.gather [hbm4b:s12+s3], $0x80, v2, vm0, $0xb8;
	[tilespmem:$0x19000] =	vst v63  }
0x525: {  	s25 =	simm.s32 $0x5000  }
0x526: {  	[tilespmem:s25], [sflag:$0x1] =	stream.indirect_vreg.gather [hbm4b:s13+s3], $0x80, v2, vm0, $0xb8;
	[tilespmem:$0x19000] =	vst v63  }
0x527: {  	s31 =	simm.s32 $0x5800  }
0x528: {  	[tilespmem:s31], [sflag:$0x1] =	stream.indirect_vreg.gather [hbm4b:s14+s3], $0x80, v2, vm0, $0xb8;
	[tilespmem:$0x19000] =	vst v63  }
0x529: {  	s4 =	simm.s32 $0x6000  }
0x52a: {  	[tilespmem:s4], [sflag:$0x1] =	stream.indirect_vreg.gather [hbm4b:s15+s3], $0x80, v2, vm0, $0xb8;
	[tilespmem:$0x19000] =	vst v63  }
0x52b: {  	s20 =	simm.s32 $0x6800  }
0x52c: {  	[tilespmem:s20], [sflag:$0x1] =	stream.indirect_vreg.gather [hbm4b:s16+s3], $0x80, v2, vm0, $0xb8;
	[tilespmem:$0x19000] =	vst v63  }
0x52d: {  	s25 =	simm.s32 $0x7000  }
0x52e: {  	[tilespmem:s25], [sflag:$0x1] =	stream.indirect_vreg.gather [hbm4b:s17+s3], $0x80, v2, vm0, $0xb8;
	[tilespmem:$0x19000] =	vst v63  }
0x52f: {  	s31 =	simm.s32 $0x7800  }
0x530: {  	[tilespmem:s31], [sflag:$0x1] =	stream.indirect_vreg.gather [hbm4b:s18+s3], $0x80, v2, vm0, $0xb8;
	[tilespmem:$0x19000] =	vst v63  }
0x531: {  	s4 =	simm.s32 $0x8000  }
0x532: {  	[tilespmem:s4], [sflag:$0x1] =	stream.indirect_vreg.gather [hbm4b:s19+s3], $0x80, v2, vm0, $0xb8;
	[tilespmem:$0x19000] =	vst v63  }
0x533: {  	s20 =	simm.s32 $0x8800  }
0x534: {  	[tilespmem:s20], [sflag:$0x1] =	stream.indirect_vreg.gather [hbm4b:s2+s3], $0x80, v2, vm0, $0xb8;
	[tilespmem:$0x19000] =	vst v63  }
0x535: {  	s25 =	simm.s32 $0x9000  }
0x536: {  	[tilespmem:s25], [sflag:$0x1] =	stream.indirect_vreg.gather [hbm4b:s21+s3], $0x80, v2, vm0, $0xb8;
	[tilespmem:$0x19000] =	vst v63  }
0x537: {  	s31 =	simm.s32 $0x9800  }
0x538: {  	[tilespmem:s31], [sflag:$0x1] =	stream.indirect_vreg.gather [hbm4b:s22+s3], $0x80, v2, vm0, $0xb8;
	[tilespmem:$0x19000] =	vst v63  }
0x539: {  	s4 =	simm.s32 $0xA000  }
0x53a: {  	[tilespmem:s4], [sflag:$0x1] =	stream.indirect_vreg.gather [hbm4b:s23+s3], $0x80, v2, vm0, $0xb8;
	[tilespmem:$0x19000] =	vst v63  }
0x53b: {  	s20 =	simm.s32 $0xA800  }
0x53c: {  	[tilespmem:s20], [sflag:$0x1] =	stream.indirect_vreg.gather [hbm4b:s24+s3], $0x80, v2, vm0, $0xb8;
	[tilespmem:$0x19000] =	vst v63  }
0x53d: {  	s25 =	simm.s32 $0xB000  }
0x53e: {  	[tilespmem:s25], [sflag:$0x1] =	stream.indirect_vreg.gather [hbm4b:s26+s3], $0x80, v2, vm0, $0xb8;
	[tilespmem:$0x19000] =	vst v63  }
0x53f: {  	s31 =	simm.s32 $0xB800  }
0x540: {  	[tilespmem:s31], [sflag:$0x1] =	stream.indirect_vreg.gather [hbm4b:s28+s3], $0x80, v2, vm0, $0xb8;
	[tilespmem:$0x19000] =	vst v63  }
0x541: {  	s4 =	simm.s32 $0xC000  }
0x542: {  	[tilespmem:s4], [sflag:$0x1] =	stream.indirect_vreg.gather [hbm4b:s29+s3], $0x80, v2, vm0, $0xb8;
	[tilespmem:$0x19000] =	vst v63  }
0x543: {  	s20 =	simm.s32 $0xC800;
	s25 =	simm.s32 $0x2  }
0x544: {  	[tilespmem:s20], [sflag:$0x1] =	stream.indirect_vreg.gather [hbm4b:s5+s3], $0x80, v2, vm0, $0xb8;
	[tilespmem:$0x19000] =	vst v63  }
0x545: {  	_ =	swait.ge [sflag:s25], $0xC000  }
0x546: {  	s1 =	simm.s32 $0x400;
	s20 =	simm.s32 $0x80;
	[sflag:s25] =	ssyncset.done $0x0  }
0x547: {  	s4 =	rddreg [dreg:$0x18];
	[sflag:s25] =	ssyncadd.s32 $0xFFFF4000;
	s25 =	simm.s32 $0xD000  }
0x548: {  	[hbm4b:s4+s20] =	stream.strided.scatter [tilespmem:s25], [sflag:$0x4], $0xC000, s1, s20, $0x38;
	[tilespmem:$0x19000] =	vst v63  }
0x549: {  	_ =	swait.ge [sflag:s30], $0xC000  }
0x54a: {  	[sflag:s30] =	ssyncset.done $0x0  }
0x54b: {  	[sflag:s30] =	ssyncadd.s32 $0xFFFF4000  }
0x54c: {  	v2 =	vld.msk [tilespmem:$0xA80], $0x1;
	_ =	sdelay $0x4  }
0x54d: {  	v3 =	vshrl.u32 v2, $0x3  }
0x54e: {  	v3 =	vmul.u32 $0xC00, v3  }
0x54f: {  	v2 =	vand.u32 $0x7, v2  }
0x550: {  	v2 =	vor.u32 v2, v3  }
0x551: {  	v2 =	vperm.xlane v2, v0;
	_ =	sdelay $0x1  }
0x552: {  	v2 =	vadd.s32 v1, v2;
	_ =	sdelay $0x4  }
0x553: {  	[tilespmem:s25], [sflag:$0x2] =	stream.indirect_vreg.gather [hbm4b:s0+s3], $0x80, v2, vm0, $0xb8;
	[tilespmem:$0x19000] =	vst v63  }
0x554: {  	s4 =	smov.u32 s0;
	s0 =	simm.s32 $0xD800  }
0x555: {  	[tilespmem:s0], [sflag:$0x2] =	stream.indirect_vreg.gather [hbm4b:s6+s3], $0x80, v2, vm0, $0xb8;
	[tilespmem:$0x19000] =	vst v63  }
0x556: {  	s0 =	simm.s32 $0xE000  }
0x557: {  	[tilespmem:s0], [sflag:$0x2] =	stream.indirect_vreg.gather [hbm4b:s7+s3], $0x80, v2, vm0, $0xb8;
	[tilespmem:$0x19000] =	vst v63  }
0x558: {  	s0 =	simm.s32 $0xE800  }
0x559: {  	[tilespmem:s0], [sflag:$0x2] =	stream.indirect_vreg.gather [hbm4b:s8+s3], $0x80, v2, vm0, $0xb8;
	[tilespmem:$0x19000] =	vst v63  }
0x55a: {  	s0 =	simm.s32 $0xF000  }
0x55b: {  	[tilespmem:s0], [sflag:$0x2] =	stream.indirect_vreg.gather [hbm4b:s9+s3], $0x80, v2, vm0, $0xb8;
	[tilespmem:$0x19000] =	vst v63  }
0x55c: {  	s0 =	simm.s32 $0xF800  }
0x55d: {  	[tilespmem:s0], [sflag:$0x2] =	stream.indirect_vreg.gather [hbm4b:s10+s3], $0x80, v2, vm0, $0xb8;
	[tilespmem:$0x19000] =	vst v63  }
0x55e: {  	s0 =	simm.s32 $0x10000  }
0x55f: {  	[tilespmem:s0], [sflag:$0x2] =	stream.indirect_vreg.gather [hbm4b:s11+s3], $0x80, v2, vm0, $0xb8;
	[tilespmem:$0x19000] =	vst v63  }
0x560: {  	s0 =	simm.s32 $0x10800  }
0x561: {  	[tilespmem:s0], [sflag:$0x2] =	stream.indirect_vreg.gather [hbm4b:s12+s3], $0x80, v2, vm0, $0xb8;
	[tilespmem:$0x19000] =	vst v63  }
0x562: {  	s0 =	simm.s32 $0x11000  }
0x563: {  	[tilespmem:s0], [sflag:$0x2] =	stream.indirect_vreg.gather [hbm4b:s13+s3], $0x80, v2, vm0, $0xb8;
	[tilespmem:$0x19000] =	vst v63  }
0x564: {  	s0 =	simm.s32 $0x11800  }
0x565: {  	[tilespmem:s0], [sflag:$0x2] =	stream.indirect_vreg.gather [hbm4b:s14+s3], $0x80, v2, vm0, $0xb8;
	[tilespmem:$0x19000] =	vst v63  }
0x566: {  	s0 =	simm.s32 $0x12000  }
0x567: {  	[tilespmem:s0], [sflag:$0x2] =	stream.indirect_vreg.gather [hbm4b:s15+s3], $0x80, v2, vm0, $0xb8;
	[tilespmem:$0x19000] =	vst v63  }
0x568: {  	s0 =	simm.s32 $0x12800  }
0x569: {  	[tilespmem:s0], [sflag:$0x2] =	stream.indirect_vreg.gather [hbm4b:s16+s3], $0x80, v2, vm0, $0xb8;
	[tilespmem:$0x19000] =	vst v63  }
0x56a: {  	s0 =	simm.s32 $0x13000  }
0x56b: {  	[tilespmem:s0], [sflag:$0x2] =	stream.indirect_vreg.gather [hbm4b:s17+s3], $0x80, v2, vm0, $0xb8;
	[tilespmem:$0x19000] =	vst v63  }
0x56c: {  	s0 =	simm.s32 $0x13800  }
0x56d: {  	[tilespmem:s0], [sflag:$0x2] =	stream.indirect_vreg.gather [hbm4b:s18+s3], $0x80, v2, vm0, $0xb8;
	[tilespmem:$0x19000] =	vst v63  }
0x56e: {  	s0 =	simm.s32 $0x14000  }
0x56f: {  	[tilespmem:s0], [sflag:$0x2] =	stream.indirect_vreg.gather [hbm4b:s19+s3], $0x80, v2, vm0, $0xb8;
	[tilespmem:$0x19000] =	vst v63  }
0x570: {  	s0 =	simm.s32 $0x14800  }
0x571: {  	[tilespmem:s0], [sflag:$0x2] =	stream.indirect_vreg.gather [hbm4b:s2+s3], $0x80, v2, vm0, $0xb8;
	[tilespmem:$0x19000] =	vst v63  }
0x572: {  	s0 =	simm.s32 $0x15000  }
0x573: {  	[tilespmem:s0], [sflag:$0x2] =	stream.indirect_vreg.gather [hbm4b:s21+s3], $0x80, v2, vm0, $0xb8;
	[tilespmem:$0x19000] =	vst v63  }
0x574: {  	s0 =	simm.s32 $0x15800  }
0x575: {  	[tilespmem:s0], [sflag:$0x2] =	stream.indirect_vreg.gather [hbm4b:s22+s3], $0x80, v2, vm0, $0xb8;
	[tilespmem:$0x19000] =	vst v63  }
0x576: {  	s0 =	simm.s32 $0x16000  }
0x577: {  	[tilespmem:s0], [sflag:$0x2] =	stream.indirect_vreg.gather [hbm4b:s23+s3], $0x80, v2, vm0, $0xb8;
	[tilespmem:$0x19000] =	vst v63  }
0x578: {  	s0 =	simm.s32 $0x16800  }
0x579: {  	[tilespmem:s0], [sflag:$0x2] =	stream.indirect_vreg.gather [hbm4b:s24+s3], $0x80, v2, vm0, $0xb8;
	[tilespmem:$0x19000] =	vst v63  }
0x57a: {  	s0 =	simm.s32 $0x17000  }
0x57b: {  	[tilespmem:s0], [sflag:$0x2] =	stream.indirect_vreg.gather [hbm4b:s26+s3], $0x80, v2, vm0, $0xb8;
	[tilespmem:$0x19000] =	vst v63  }
0x57c: {  	s0 =	simm.s32 $0x17800  }
0x57d: {  	[tilespmem:s0], [sflag:$0x2] =	stream.indirect_vreg.gather [hbm4b:s28+s3], $0x80, v2, vm0, $0xb8;
	[tilespmem:$0x19000] =	vst v63  }
0x57e: {  	s0 =	simm.s32 $0x18000  }
0x57f: {  	[tilespmem:s0], [sflag:$0x2] =	stream.indirect_vreg.gather [hbm4b:s29+s3], $0x80, v2, vm0, $0xb8;
	[tilespmem:$0x19000] =	vst v63  }
0x580: {  	s0 =	simm.s32 $0x18800  }
0x581: {  	[tilespmem:s0], [sflag:$0x2] =	stream.indirect_vreg.gather [hbm4b:s5+s3], $0x80, v2, vm0, $0xb8;
	[tilespmem:$0x19000] =	vst v63  }
0x582: {  	s0 =	simm.s32 $0x1  }
0x583: {  	_ =	swait.ge [sflag:s0], $0xC000  }
0x584: {  	[sflag:s0] =	ssyncset.done $0x0  }
0x585: {  	s31 =	rddreg [dreg:$0x19];
	[sflag:s0] =	ssyncadd.s32 $0xFFFF4000;
	s0 =	simm.s32 $0x1000  }
0x586: {  	[hbm4b:s31+s20] =	stream.strided.scatter [tilespmem:s0], [sflag:$0x3], $0xC000, s1, s20, $0x38;
	[tilespmem:$0x19000] =	vst v63  }
0x587: {  	s31 =	simm.s32 $0x3  }
0x588: {  	_ =	swait.ge [sflag:s31], $0xC000  }
0x589: {  	[sflag:s31] =	ssyncset.done $0x0  }
0x58a: {  	[sflag:s31] =	ssyncadd.s32 $0xFFFF4000  }
0x58b: {  	v2 =	vld.msk [tilespmem:$0xB00], $0x1;
	_ =	sdelay $0x4  }
0x58c: {  	v3 =	vshrl.u32 v2, $0x3  }
0x58d: {  	v3 =	vmul.u32 $0xC00, v3  }
0x58e: {  	v2 =	vand.u32 $0x7, v2  }
0x58f: {  	v2 =	vor.u32 v2, v3  }
0x590: {  	v2 =	vperm.xlane v2, v0;
	_ =	sdelay $0x1  }
0x591: {  	v2 =	vadd.s32 v1, v2;
	_ =	sdelay $0x4  }
0x592: {  	[tilespmem:s0], [sflag:$0x1] =	stream.indirect_vreg.gather [hbm4b:s4+s3], $0x80, v2, vm0, $0xb8;
	[tilespmem:$0x19000] =	vst v63  }
0x593: {  	s20 =	simm.s32 $0x1800  }
0x594: {  	[tilespmem:s20], [sflag:$0x1] =	stream.indirect_vreg.gather [hbm4b:s6+s3], $0x80, v2, vm0, $0xb8;
	[tilespmem:$0x19000] =	vst v63  }
0x595: {  	s31 =	simm.s32 $0x2000  }
0x596: {  	[tilespmem:s31], [sflag:$0x1] =	stream.indirect_vreg.gather [hbm4b:s7+s3], $0x80, v2, vm0, $0xb8;
	[tilespmem:$0x19000] =	vst v63  }
0x597: {  	s1 =	simm.s32 $0x2800  }
0x598: {  	[tilespmem:s1], [sflag:$0x1] =	stream.indirect_vreg.gather [hbm4b:s8+s3], $0x80, v2, vm0, $0xb8;
	[tilespmem:$0x19000] =	vst v63  }
0x599: {  	s31 =	simm.s32 $0x3000  }
0x59a: {  	[tilespmem:s31], [sflag:$0x1] =	stream.indirect_vreg.gather [hbm4b:s9+s3], $0x80, v2, vm0, $0xb8;
	[tilespmem:$0x19000] =	vst v63  }
0x59b: {  	s0 =	simm.s32 $0x3800  }
0x59c: {  	[tilespmem:s0], [sflag:$0x1] =	stream.indirect_vreg.gather [hbm4b:s10+s3], $0x80, v2, vm0, $0xb8;
	[tilespmem:$0x19000] =	vst v63  }
0x59d: {  	s20 =	simm.s32 $0x4000  }
0x59e: {  	[tilespmem:s20], [sflag:$0x1] =	stream.indirect_vreg.gather [hbm4b:s11+s3], $0x80, v2, vm0, $0xb8;
	[tilespmem:$0x19000] =	vst v63  }
0x59f: {  	s31 =	simm.s32 $0x4800  }
0x5a0: {  	[tilespmem:s31], [sflag:$0x1] =	stream.indirect_vreg.gather [hbm4b:s12+s3], $0x80, v2, vm0, $0xb8;
	[tilespmem:$0x19000] =	vst v63  }
0x5a1: {  	s0 =	simm.s32 $0x5000  }
0x5a2: {  	[tilespmem:s0], [sflag:$0x1] =	stream.indirect_vreg.gather [hbm4b:s13+s3], $0x80, v2, vm0, $0xb8;
	[tilespmem:$0x19000] =	vst v63  }
0x5a3: {  	s20 =	simm.s32 $0x5800  }
0x5a4: {  	[tilespmem:s20], [sflag:$0x1] =	stream.indirect_vreg.gather [hbm4b:s14+s3], $0x80, v2, vm0, $0xb8;
	[tilespmem:$0x19000] =	vst v63  }
0x5a5: {  	s31 =	simm.s32 $0x6000  }
0x5a6: {  	[tilespmem:s31], [sflag:$0x1] =	stream.indirect_vreg.gather [hbm4b:s15+s3], $0x80, v2, vm0, $0xb8;
	[tilespmem:$0x19000] =	vst v63  }
0x5a7: {  	s0 =	simm.s32 $0x6800  }
0x5a8: {  	[tilespmem:s0], [sflag:$0x1] =	stream.indirect_vreg.gather [hbm4b:s16+s3], $0x80, v2, vm0, $0xb8;
	[tilespmem:$0x19000] =	vst v63  }
0x5a9: {  	s20 =	simm.s32 $0x7000  }
0x5aa: {  	[tilespmem:s20], [sflag:$0x1] =	stream.indirect_vreg.gather [hbm4b:s17+s3], $0x80, v2, vm0, $0xb8;
	[tilespmem:$0x19000] =	vst v63  }
0x5ab: {  	s31 =	simm.s32 $0x7800  }
0x5ac: {  	[tilespmem:s31], [sflag:$0x1] =	stream.indirect_vreg.gather [hbm4b:s18+s3], $0x80, v2, vm0, $0xb8;
	[tilespmem:$0x19000] =	vst v63  }
0x5ad: {  	s0 =	simm.s32 $0x8000  }
0x5ae: {  	[tilespmem:s0], [sflag:$0x1] =	stream.indirect_vreg.gather [hbm4b:s19+s3], $0x80, v2, vm0, $0xb8;
	[tilespmem:$0x19000] =	vst v63  }
0x5af: {  	s20 =	simm.s32 $0x8800  }
0x5b0: {  	[tilespmem:s20], [sflag:$0x1] =	stream.indirect_vreg.gather [hbm4b:s2+s3], $0x80, v2, vm0, $0xb8;
	[tilespmem:$0x19000] =	vst v63  }
0x5b1: {  	s31 =	simm.s32 $0x9000  }
0x5b2: {  	[tilespmem:s31], [sflag:$0x1] =	stream.indirect_vreg.gather [hbm4b:s21+s3], $0x80, v2, vm0, $0xb8;
	[tilespmem:$0x19000] =	vst v63  }
0x5b3: {  	s0 =	simm.s32 $0x9800  }
0x5b4: {  	[tilespmem:s0], [sflag:$0x1] =	stream.indirect_vreg.gather [hbm4b:s22+s3], $0x80, v2, vm0, $0xb8;
	[tilespmem:$0x19000] =	vst v63  }
0x5b5: {  	s20 =	simm.s32 $0xA000  }
0x5b6: {  	[tilespmem:s20], [sflag:$0x1] =	stream.indirect_vreg.gather [hbm4b:s23+s3], $0x80, v2, vm0, $0xb8;
	[tilespmem:$0x19000] =	vst v63  }
0x5b7: {  	s31 =	simm.s32 $0xA800  }
0x5b8: {  	[tilespmem:s31], [sflag:$0x1] =	stream.indirect_vreg.gather [hbm4b:s24+s3], $0x80, v2, vm0, $0xb8;
	[tilespmem:$0x19000] =	vst v63  }
0x5b9: {  	s0 =	simm.s32 $0xB000  }
0x5ba: {  	[tilespmem:s0], [sflag:$0x1] =	stream.indirect_vreg.gather [hbm4b:s26+s3], $0x80, v2, vm0, $0xb8;
	[tilespmem:$0x19000] =	vst v63  }
0x5bb: {  	s20 =	simm.s32 $0xB800  }
0x5bc: {  	[tilespmem:s20], [sflag:$0x1] =	stream.indirect_vreg.gather [hbm4b:s28+s3], $0x80, v2, vm0, $0xb8;
	[tilespmem:$0x19000] =	vst v63  }
0x5bd: {  	s31 =	simm.s32 $0xC000  }
0x5be: {  	[tilespmem:s31], [sflag:$0x1] =	stream.indirect_vreg.gather [hbm4b:s29+s3], $0x80, v2, vm0, $0xb8;
	[tilespmem:$0x19000] =	vst v63  }
0x5bf: {  	s0 =	simm.s32 $0xC800;
	s20 =	simm.s32 $0x2  }
0x5c0: {  	[tilespmem:s0], [sflag:$0x1] =	stream.indirect_vreg.gather [hbm4b:s5+s3], $0x80, v2, vm0, $0xb8;
	[tilespmem:$0x19000] =	vst v63  }
0x5c1: {  	_ =	swait.ge [sflag:s20], $0xC000  }
0x5c2: {  	s1 =	simm.s32 $0x400;
	[sflag:s20] =	ssyncset.done $0x0  }
0x5c3: {  	s0 =	rddreg [dreg:$0x1a];
	[sflag:s20] =	ssyncadd.s32 $0xFFFF4000;
	s20 =	simm.s32 $0x80  }
0x5c4: {  	[hbm4b:s0+s20] =	stream.strided.scatter [tilespmem:s25], [sflag:$0x4], $0xC000, s1, s20, $0x38;
	[tilespmem:$0x19000] =	vst v63  }
0x5c5: {  	_ =	swait.ge [sflag:s30], $0xC000  }
0x5c6: {  	[sflag:s30] =	ssyncset.done $0x0  }
0x5c7: {  	[sflag:s30] =	ssyncadd.s32 $0xFFFF4000  }
0x5c8: {  	v2 =	vld.msk [tilespmem:$0xB80], $0x1;
	_ =	sdelay $0x4  }
0x5c9: {  	v3 =	vshrl.u32 v2, $0x3  }
0x5ca: {  	v3 =	vmul.u32 $0xC00, v3  }
0x5cb: {  	v2 =	vand.u32 $0x7, v2  }
0x5cc: {  	v2 =	vor.u32 v2, v3  }
0x5cd: {  	v2 =	vperm.xlane v2, v0;
	_ =	sdelay $0x1  }
0x5ce: {  	v2 =	vadd.s32 v1, v2;
	_ =	sdelay $0x4  }
0x5cf: {  	[tilespmem:s25], [sflag:$0x2] =	stream.indirect_vreg.gather [hbm4b:s4+s3], $0x80, v2, vm0, $0xb8;
	[tilespmem:$0x19000] =	vst v63  }
0x5d0: {  	s31 =	simm.s32 $0xD800  }
0x5d1: {  	[tilespmem:s31], [sflag:$0x2] =	stream.indirect_vreg.gather [hbm4b:s6+s3], $0x80, v2, vm0, $0xb8;
	[tilespmem:$0x19000] =	vst v63  }
0x5d2: {  	s25 =	simm.s32 $0xE000  }
0x5d3: {  	[tilespmem:s25], [sflag:$0x2] =	stream.indirect_vreg.gather [hbm4b:s7+s3], $0x80, v2, vm0, $0xb8;
	[tilespmem:$0x19000] =	vst v63  }
0x5d4: {  	s31 =	simm.s32 $0xE800  }
0x5d5: {  	[tilespmem:s31], [sflag:$0x2] =	stream.indirect_vreg.gather [hbm4b:s8+s3], $0x80, v2, vm0, $0xb8;
	[tilespmem:$0x19000] =	vst v63  }
0x5d6: {  	s25 =	simm.s32 $0xF000  }
0x5d7: {  	[tilespmem:s25], [sflag:$0x2] =	stream.indirect_vreg.gather [hbm4b:s9+s3], $0x80, v2, vm0, $0xb8;
	[tilespmem:$0x19000] =	vst v63  }
0x5d8: {  	s31 =	simm.s32 $0xF800  }
0x5d9: {  	[tilespmem:s31], [sflag:$0x2] =	stream.indirect_vreg.gather [hbm4b:s10+s3], $0x80, v2, vm0, $0xb8;
	[tilespmem:$0x19000] =	vst v63  }
0x5da: {  	s25 =	simm.s32 $0x10000  }
0x5db: {  	[tilespmem:s25], [sflag:$0x2] =	stream.indirect_vreg.gather [hbm4b:s11+s3], $0x80, v2, vm0, $0xb8;
	[tilespmem:$0x19000] =	vst v63  }
0x5dc: {  	s31 =	simm.s32 $0x10800  }
0x5dd: {  	[tilespmem:s31], [sflag:$0x2] =	stream.indirect_vreg.gather [hbm4b:s12+s3], $0x80, v2, vm0, $0xb8;
	[tilespmem:$0x19000] =	vst v63  }
0x5de: {  	s25 =	simm.s32 $0x11000  }
0x5df: {  	[tilespmem:s25], [sflag:$0x2] =	stream.indirect_vreg.gather [hbm4b:s13+s3], $0x80, v2, vm0, $0xb8;
	[tilespmem:$0x19000] =	vst v63  }
0x5e0: {  	s31 =	simm.s32 $0x11800  }
0x5e1: {  	[tilespmem:s31], [sflag:$0x2] =	stream.indirect_vreg.gather [hbm4b:s14+s3], $0x80, v2, vm0, $0xb8;
	[tilespmem:$0x19000] =	vst v63  }
0x5e2: {  	s25 =	simm.s32 $0x12000  }
0x5e3: {  	[tilespmem:s25], [sflag:$0x2] =	stream.indirect_vreg.gather [hbm4b:s15+s3], $0x80, v2, vm0, $0xb8;
	[tilespmem:$0x19000] =	vst v63  }
0x5e4: {  	s31 =	simm.s32 $0x12800  }
0x5e5: {  	[tilespmem:s31], [sflag:$0x2] =	stream.indirect_vreg.gather [hbm4b:s16+s3], $0x80, v2, vm0, $0xb8;
	[tilespmem:$0x19000] =	vst v63  }
0x5e6: {  	s25 =	simm.s32 $0x13000  }
0x5e7: {  	[tilespmem:s25], [sflag:$0x2] =	stream.indirect_vreg.gather [hbm4b:s17+s3], $0x80, v2, vm0, $0xb8;
	[tilespmem:$0x19000] =	vst v63  }
0x5e8: {  	s31 =	simm.s32 $0x13800  }
0x5e9: {  	[tilespmem:s31], [sflag:$0x2] =	stream.indirect_vreg.gather [hbm4b:s18+s3], $0x80, v2, vm0, $0xb8;
	[tilespmem:$0x19000] =	vst v63  }
0x5ea: {  	s25 =	simm.s32 $0x14000  }
0x5eb: {  	[tilespmem:s25], [sflag:$0x2] =	stream.indirect_vreg.gather [hbm4b:s19+s3], $0x80, v2, vm0, $0xb8;
	[tilespmem:$0x19000] =	vst v63  }
0x5ec: {  	s31 =	simm.s32 $0x14800  }
0x5ed: {  	[tilespmem:s31], [sflag:$0x2] =	stream.indirect_vreg.gather [hbm4b:s2+s3], $0x80, v2, vm0, $0xb8;
	[tilespmem:$0x19000] =	vst v63  }
0x5ee: {  	s25 =	simm.s32 $0x15000  }
0x5ef: {  	[tilespmem:s25], [sflag:$0x2] =	stream.indirect_vreg.gather [hbm4b:s21+s3], $0x80, v2, vm0, $0xb8;
	[tilespmem:$0x19000] =	vst v63  }
0x5f0: {  	s31 =	simm.s32 $0x15800  }
0x5f1: {  	[tilespmem:s31], [sflag:$0x2] =	stream.indirect_vreg.gather [hbm4b:s22+s3], $0x80, v2, vm0, $0xb8;
	[tilespmem:$0x19000] =	vst v63  }
0x5f2: {  	s25 =	simm.s32 $0x16000  }
0x5f3: {  	[tilespmem:s25], [sflag:$0x2] =	stream.indirect_vreg.gather [hbm4b:s23+s3], $0x80, v2, vm0, $0xb8;
	[tilespmem:$0x19000] =	vst v63  }
0x5f4: {  	s31 =	simm.s32 $0x16800  }
0x5f5: {  	[tilespmem:s31], [sflag:$0x2] =	stream.indirect_vreg.gather [hbm4b:s24+s3], $0x80, v2, vm0, $0xb8;
	[tilespmem:$0x19000] =	vst v63  }
0x5f6: {  	s25 =	simm.s32 $0x17000  }
0x5f7: {  	[tilespmem:s25], [sflag:$0x2] =	stream.indirect_vreg.gather [hbm4b:s26+s3], $0x80, v2, vm0, $0xb8;
	[tilespmem:$0x19000] =	vst v63  }
0x5f8: {  	s31 =	simm.s32 $0x17800  }
0x5f9: {  	[tilespmem:s31], [sflag:$0x2] =	stream.indirect_vreg.gather [hbm4b:s28+s3], $0x80, v2, vm0, $0xb8;
	[tilespmem:$0x19000] =	vst v63  }
0x5fa: {  	s25 =	simm.s32 $0x18000  }
0x5fb: {  	[tilespmem:s25], [sflag:$0x2] =	stream.indirect_vreg.gather [hbm4b:s29+s3], $0x80, v2, vm0, $0xb8;
	[tilespmem:$0x19000] =	vst v63  }
0x5fc: {  	s31 =	simm.s32 $0x18800;
	s25 =	simm.s32 $0x1  }
0x5fd: {  	[tilespmem:s31], [sflag:$0x2] =	stream.indirect_vreg.gather [hbm4b:s5+s3], $0x80, v2, vm0, $0xb8;
	[tilespmem:$0x19000] =	vst v63  }
0x5fe: {  	_ =	swait.ge [sflag:s25], $0xC000  }
0x5ff: {  	[sflag:s25] =	ssyncset.done $0x0  }
0x600: {  	s0 =	simm.s32 $0x1000;
	s31 =	rddreg [dreg:$0x1b];
	[sflag:s25] =	ssyncadd.s32 $0xFFFF4000  }
0x601: {  	[hbm4b:s31+s20] =	stream.strided.scatter [tilespmem:s0], [sflag:$0x3], $0xC000, s1, s20, $0x38;
	[tilespmem:$0x19000] =	vst v63  }
0x602: {  	s31 =	simm.s32 $0x3  }
0x603: {  	_ =	swait.ge [sflag:s31], $0xC000  }
0x604: {  	[sflag:s31] =	ssyncset.done $0x0  }
0x605: {  	[sflag:s31] =	ssyncadd.s32 $0xFFFF4000  }
0x606: {  	v2 =	vld.msk [tilespmem:$0xC00], $0x1;
	_ =	sdelay $0x4  }
0x607: {  	v3 =	vshrl.u32 v2, $0x3  }
0x608: {  	v3 =	vmul.u32 $0xC00, v3  }
0x609: {  	v2 =	vand.u32 $0x7, v2  }
0x60a: {  	v2 =	vor.u32 v2, v3  }
0x60b: {  	v2 =	vperm.xlane v2, v0;
	_ =	sdelay $0x1  }
0x60c: {  	v2 =	vadd.s32 v1, v2;
	_ =	sdelay $0x4  }
0x60d: {  	[tilespmem:s0], [sflag:$0x1] =	stream.indirect_vreg.gather [hbm4b:s4+s3], $0x80, v2, vm0, $0xb8;
	[tilespmem:$0x19000] =	vst v63  }
0x60e: {  	s1 =	simm.s32 $0x1800  }
0x60f: {  	[tilespmem:s1], [sflag:$0x1] =	stream.indirect_vreg.gather [hbm4b:s6+s3], $0x80, v2, vm0, $0xb8;
	[tilespmem:$0x19000] =	vst v63  }
0x610: {  	s1 =	simm.s32 $0x2000  }
0x611: {  	[tilespmem:s1], [sflag:$0x1] =	stream.indirect_vreg.gather [hbm4b:s7+s3], $0x80, v2, vm0, $0xb8;
	[tilespmem:$0x19000] =	vst v63  }
0x612: {  	s7 =	simm.s32 $0x2800  }
0x613: {  	[tilespmem:s7], [sflag:$0x1] =	stream.indirect_vreg.gather [hbm4b:s8+s3], $0x80, v2, vm0, $0xb8;
	[tilespmem:$0x19000] =	vst v63  }
0x614: {  	s8 =	simm.s32 $0x3000  }
0x615: {  	[tilespmem:s8], [sflag:$0x1] =	stream.indirect_vreg.gather [hbm4b:s9+s3], $0x80, v2, vm0, $0xb8;
	[tilespmem:$0x19000] =	vst v63  }
0x616: {  	s9 =	simm.s32 $0x3800  }
0x617: {  	[tilespmem:s9], [sflag:$0x1] =	stream.indirect_vreg.gather [hbm4b:s10+s3], $0x80, v2, vm0, $0xb8;
	[tilespmem:$0x19000] =	vst v63  }
0x618: {  	s10 =	simm.s32 $0x4000  }
0x619: {  	[tilespmem:s10], [sflag:$0x1] =	stream.indirect_vreg.gather [hbm4b:s11+s3], $0x80, v2, vm0, $0xb8;
	[tilespmem:$0x19000] =	vst v63  }
0x61a: {  	s31 =	simm.s32 $0x4800  }
0x61b: {  	[tilespmem:s31], [sflag:$0x1] =	stream.indirect_vreg.gather [hbm4b:s12+s3], $0x80, v2, vm0, $0xb8;
	[tilespmem:$0x19000] =	vst v63  }
0x61c: {  	s1 =	simm.s32 $0x5000  }
0x61d: {  	[tilespmem:s1], [sflag:$0x1] =	stream.indirect_vreg.gather [hbm4b:s13+s3], $0x80, v2, vm0, $0xb8;
	[tilespmem:$0x19000] =	vst v63  }
0x61e: {  	s7 =	simm.s32 $0x5800  }
0x61f: {  	[tilespmem:s7], [sflag:$0x1] =	stream.indirect_vreg.gather [hbm4b:s14+s3], $0x80, v2, vm0, $0xb8;
	[tilespmem:$0x19000] =	vst v63  }
0x620: {  	s8 =	simm.s32 $0x6000  }
0x621: {  	[tilespmem:s8], [sflag:$0x1] =	stream.indirect_vreg.gather [hbm4b:s15+s3], $0x80, v2, vm0, $0xb8;
	[tilespmem:$0x19000] =	vst v63  }
0x622: {  	s9 =	simm.s32 $0x6800  }
0x623: {  	[tilespmem:s9], [sflag:$0x1] =	stream.indirect_vreg.gather [hbm4b:s16+s3], $0x80, v2, vm0, $0xb8;
	[tilespmem:$0x19000] =	vst v63  }
0x624: {  	s10 =	simm.s32 $0x7000  }
0x625: {  	[tilespmem:s10], [sflag:$0x1] =	stream.indirect_vreg.gather [hbm4b:s17+s3], $0x80, v2, vm0, $0xb8;
	[tilespmem:$0x19000] =	vst v63  }
0x626: {  	s11 =	simm.s32 $0x7800  }
0x627: {  	[tilespmem:s11], [sflag:$0x1] =	stream.indirect_vreg.gather [hbm4b:s18+s3], $0x80, v2, vm0, $0xb8;
	[tilespmem:$0x19000] =	vst v63  }
0x628: {  	s12 =	simm.s32 $0x8000  }
0x629: {  	[tilespmem:s12], [sflag:$0x1] =	stream.indirect_vreg.gather [hbm4b:s19+s3], $0x80, v2, vm0, $0xb8;
	[tilespmem:$0x19000] =	vst v63  }
0x62a: {  	s13 =	simm.s32 $0x8800  }
0x62b: {  	[tilespmem:s13], [sflag:$0x1] =	stream.indirect_vreg.gather [hbm4b:s2+s3], $0x80, v2, vm0, $0xb8;
	[tilespmem:$0x19000] =	vst v63  }
0x62c: {  	s14 =	simm.s32 $0x9000  }
0x62d: {  	[tilespmem:s14], [sflag:$0x1] =	stream.indirect_vreg.gather [hbm4b:s21+s3], $0x80, v2, vm0, $0xb8;
	[tilespmem:$0x19000] =	vst v63  }
0x62e: {  	s15 =	simm.s32 $0x9800  }
0x62f: {  	[tilespmem:s15], [sflag:$0x1] =	stream.indirect_vreg.gather [hbm4b:s22+s3], $0x80, v2, vm0, $0xb8;
	[tilespmem:$0x19000] =	vst v63  }
0x630: {  	s16 =	simm.s32 $0xA000  }
0x631: {  	[tilespmem:s16], [sflag:$0x1] =	stream.indirect_vreg.gather [hbm4b:s23+s3], $0x80, v2, vm0, $0xb8;
	[tilespmem:$0x19000] =	vst v63  }
0x632: {  	s17 =	simm.s32 $0xA800  }
0x633: {  	[tilespmem:s17], [sflag:$0x1] =	stream.indirect_vreg.gather [hbm4b:s24+s3], $0x80, v2, vm0, $0xb8;
	[tilespmem:$0x19000] =	vst v63  }
0x634: {  	s18 =	simm.s32 $0xB000  }
0x635: {  	[tilespmem:s18], [sflag:$0x1] =	stream.indirect_vreg.gather [hbm4b:s26+s3], $0x80, v2, vm0, $0xb8;
	[tilespmem:$0x19000] =	vst v63  }
0x636: {  	s19 =	simm.s32 $0xB800  }
0x637: {  	[tilespmem:s19], [sflag:$0x1] =	stream.indirect_vreg.gather [hbm4b:s28+s3], $0x80, v2, vm0, $0xb8;
	[tilespmem:$0x19000] =	vst v63  }
0x638: {  	s21 =	simm.s32 $0xC000  }
0x639: {  	[tilespmem:s21], [sflag:$0x1] =	stream.indirect_vreg.gather [hbm4b:s29+s3], $0x80, v2, vm0, $0xb8;
	[tilespmem:$0x19000] =	vst v63  }
0x63a: {  	s22 =	simm.s32 $0xC800;
	s23 =	simm.s32 $0x2  }
0x63b: {  	[tilespmem:s22], [sflag:$0x1] =	stream.indirect_vreg.gather [hbm4b:s5+s3], $0x80, v2, vm0, $0xb8;
	[tilespmem:$0x19000] =	vst v63  }
0x63c: {  	s0 =	rddreg [dreg:$0x1e];
	_ =	swait.ge [sflag:s23], $0xC000  }
0x63d: {  	s26 =	simm.s32 $0x80;
	s28 =	simm.s32 $0x400;
	[sflag:s23] =	ssyncset.done $0x0  }
0x63e: {  	s29 =	simm.s32 $0xD000;
	s24 =	rddreg [dreg:$0x1c];
	[sflag:s23] =	ssyncadd.s32 $0xFFFF4000  }
0x63f: {  	[hbm4b:s24+s26] =	stream.strided.scatter [tilespmem:s29], [sflag:$0x4], $0xC000, s28, s26, $0x38;
	[tilespmem:$0x19000] =	vst v63  }
0x640: {  	_ =	swait.ge [sflag:s30], $0xC000  }
0x641: {  	[sflag:s30] =	ssyncset.done $0x0  }
0x642: {  	s25 =	simm.s32 $0x1;
	[sflag:s30] =	ssyncadd.s32 $0xFFFF4000  }
0x643: {  	s20 =	simm.s32 $0x3;
	_ =	swait.ge [sflag:s25], $0xC000  }
0x644: {  	s4 =	simm.s32 $0x1000;
	p0 =	sne.s32 s0, $0x1;
	[sflag:s25] =	ssyncset.done $0x0  }
.Ltmp0:
0x645: {  	s30 =	rddreg [dreg:$0x1d];
	[sflag:s25] =	ssyncadd.s32 $0xFFFF4000;
	(pc) =	sbr.rel @p0 .LBB2_1-.Ltmp0, $4  }
0x646: {  	[hbm4b:s30+s26] =	stream.strided.scatter [tilespmem:s4], [sflag:$0x3], $0xC000, s28, s26, $0x38;
	[tilespmem:$0x19000] =	vst v63  }
0x647: {  	_ =	swait.ge [sflag:s20], $0xC000  }
0x648: {  	[sflag:s20] =	ssyncset.done $0x0  }
0x649: {  	s0 =	sadd.s32 $0xFFFFFFFF, s0;
	[sflag:s20] =	ssyncadd.s32 $0xFFFF4000  }
0x64a: {  	_ =	sfence.sel $0x180000  }
0x64b: {  	[bflag:$0x0] =	sbarrier.arrive $0xFFFF  }
0x64c: {  	_ =	strace $0x90000047  }
0x64d: {  	s0 =	stileid.u32;
	[bflag:$0x2] =	sbarrier.arrive $0xFFFF  }
0x64e: {  	p0 =	sne.s32 s0, $0x0;
	s0 =	rddreg [dreg:$0x3]  }
0x64f: {  	s0 =	sadd.s32 @!p0 $0x100000, s0  }
0x650: {  	[sflag:s0] =	ssyncadd.tile.s32 @!p0 $0x1;
	_ =	shalt  }
.Lfunc_end2:
_tile_overlayer_lowered:
.L_overlay_start_2:
0x651: {  	(tag) =	ssettag $0x2  }
0x652: {  	s0 =	rddreg [dreg:$0x0];
	s2 =	stileid.u32  }
0x653: {  	s1 =	rddreg [dreg:$0x1];
	p0 =	sne.s32 s2, $0x0  }
0x654: {  	s3 =	rddreg [dreg:$0x2];
	[bflag:$0x3] =	sbarrier.arrive $0xFFFF;
	s2 =	simm.s32 @!p0 $0x1C05  }
0x655: {  	[timem:s3], [sflag:s2] =	dma.local @!p0 [hbm:s0], s1  }
0x656: {  	s0 =	simm.s32 @!p0 $0x5  }
0x657: {  	_ =	swait.ge @!p0 [sflag:s0], s1  }
0x658: {  	s1 =	ssub.s32 @!p0 $0x0, s1;
	[sflag:s0] =	ssyncset.done @!p0 $0x0  }
0x659: {  	[sflag:s0] =	ssyncadd.s32 @!p0 s1  }
0x65a: {  	[bflag:$0x3] =	sbarrier.arrive $0xFFFF  }
0x65b: {  	_ =	shalt  }

</sc_bundles>
